<compile_context>
chip_gen: v7x
topology: tpu7x:2x2x1
jax: 0.10.2.dev20260603
libtpu: 0.0.44.dev20260713+nightly
codegen_flags: <defaults>
</compile_context>

<pallas_src>
import jax
import jax.numpy as jnp
from jax import lax
from jax.experimental import pallas as pl
from jax.experimental.pallas import tpu as pltpu
from jax.experimental.pallas import tpu_sc as plsc

_DIM = 64
_SCALE = 8.0
_NW = 32
_L = 16
_BLK = 128


def _gather_t(x_t, table):
    s, n = x_t.shape
    cols_per_w = n // _NW
    nblk = cols_per_w // _BLK
    nit = n // _BLK

    mesh = plsc.VectorSubcoreMesh(core_axis_name="c", subcore_axis_name="s")

    @pl.kernel(
        out_type=jax.ShapeDtypeStruct((s, 8, nit, _DIM // 8, _BLK), jnp.float32),
        mesh=mesh,
        scratch_types=[
            pltpu.VMEM((s, cols_per_w), jnp.int32),
            [pltpu.VMEM((_BLK, _DIM), jnp.float32) for _ in range(2)],
            [pltpu.VMEM((_DIM, _BLK + 1), jnp.float32) for _ in range(2)],
            [pltpu.SemaphoreType.DMA for _ in range(2)],
            [pltpu.SemaphoreType.DMA for _ in range(2)],
        ],
        compiler_params=pltpu.CompilerParams(
            use_tc_tiling_on_sc=False, needs_layout_passes=False
        ),
    )
    def k(x_hbm, t_hbm, out_hbm, idx_v, gbufs, obufs, gsems, osems):
        w = lax.axis_index("s") * 2 + lax.axis_index("c")
        i0 = w * cols_per_w
        ib0 = w * nblk
        iota = lax.iota(jnp.int32, _L)
        row_idx = [iota + (m * _L) for m in range(_BLK // _L)]

        pltpu.sync_copy(x_hbm.at[:, pl.ds(i0, cols_per_w)], idx_v)

        nsteps = s * nblk

        def start_gather(t, b):
            j = t // nblk
            ib = lax.rem(t, nblk)
            pltpu.async_copy(
                t_hbm.at[idx_v.at[j, pl.ds(ib * _BLK, _BLK)]], gbufs[b], gsems[b]
            )

        def wait_gather(b):
            pltpu.make_async_copy(
                t_hbm.at[idx_v.at[0, pl.ds(0, _BLK)]], gbufs[b], gsems[b]
            ).wait()

        def start_out(t, b):
            j = t // nblk
            ib = lax.rem(t, nblk)
            for dt in range(8):
                pltpu.async_copy(
                    obufs[b].at[pl.ds(dt * 8, 8), pl.ds(0, _BLK)],
                    out_hbm.at[j, dt, ib0 + ib],
                    osems[b],
                )

        def wait_out(b):
            for _dt in range(8):
                pltpu.make_async_copy(
                    obufs[b].at[pl.ds(0, 8), pl.ds(0, _BLK)],
                    out_hbm.at[0, 0, 0],
                    osems[b],
                ).wait()

        scat_dt = [(iota + (kk * _L)) // 8 for kk in range(_DIM // _L)]
        scat_d8 = [lax.rem(iota + (kk * _L), 8) for kk in range(_DIM // _L)]

        def transpose(b):
            @plsc.parallel_loop(0, _BLK, unroll=8)
            def _(i):
                iv = jnp.full((_L,), 0, jnp.int32) + i
                for kk in range(_DIM // _L):
                    vals = gbufs[b][i, pl.ds(kk * _L, _L)] * _SCALE
                    plsc.store_scatter(obufs[b], [row_idx[kk], iv], vals)

        def step(t, carry):
            b = lax.rem(t, 2)

            def do(bb):
                @pl.when(b == bb)
                def _():
                    @pl.when(t >= 2)
                    def _():
                        wait_out(bb)

                    wait_gather(bb)
                    transpose(bb)
                    start_out(t, bb)

                    @pl.when(t + 2 < nsteps)
                    def _():
                        start_gather(t + 2, bb)

            do(0)
            do(1)
            return carry

        start_gather(0, 0)
        start_gather(1, 1)
        lax.fori_loop(0, nsteps, step, 0)
        wait_out(0)
        wait_out(1)

    return k(x_t, table)


def kernel(x, table):
    n, s = x.shape
    x_t = jnp.transpose(x).astype(jnp.int32)
    y = _gather_t(x_t, table)
    return jnp.transpose(y, (2, 4, 0, 1, 3)).reshape(n, s, _DIM)

# --- scband reference (transcript-rebuilt; emitter-appended) ---
"""Pipeline reference for scband-embeddings-19069654794295 (READ-ONLY COPY).

The authoritative reference and input builder live on the scoring server;
editing this copy changes nothing except your own understanding.
"""

import jax, jax.numpy as jnp
import numpy as np
import math

DIM_EMBED = 64
VOCAB = 1000000

def setup_inputs(seed: int = 0) -> dict:
    key = jax.random.key(seed)
    k1, k2 = jax.random.split(key)
    x = jax.random.randint(k1, (16384, 50), 0, VOCAB, dtype=jnp.int64 if jax.config.jax_enable_x64 else jnp.int32)
    table = jax.random.normal(k2, (VOCAB, DIM_EMBED), dtype=jnp.float32)
    return {"x": x, "table": table}

def reference(x, table):
    # Embeddings.forward: self.mapping(x) * sqrt(dim_embed)
    emb = jnp.take(table, x, axis=0)
    return emb * math.sqrt(DIM_EMBED)

if __name__ == "__main__":
    import jax
    _d = setup_inputs()
    print(jax.jit(kernel)(*tuple(_d.values())))

</pallas_src>

<mosaic_0001>
#map = affine_map<(d0, d1) -> (0, 0)>
#map1 = affine_map<(d0, d1) -> (0, 0, 0, 0, 0)>
module attributes {stable_mosaic.version = 14 : i64} {
  func.func @k(%arg0: i32, %arg1: i32, %arg2: memref<50x16384xi32, #tpu.memory_space<hbm>>, %arg3: memref<1000000x64xf32, #tpu.memory_space<hbm>>, %arg4: memref<50x8x128x8x128xf32, #tpu.memory_space<hbm>>, %arg5: memref<50x512xi32, #tpu.memory_space<vmem>>, %arg6: memref<128x64xf32, #tpu.memory_space<vmem>>, %arg7: memref<128x64xf32, #tpu.memory_space<vmem>>, %arg8: memref<64x129xf32, #tpu.memory_space<vmem>>, %arg9: memref<64x129xf32, #tpu.memory_space<vmem>>, %arg10: memref<!tpu.dma_semaphore, #tpu.memory_space<semaphore_mem>>, %arg11: memref<!tpu.dma_semaphore, #tpu.memory_space<semaphore_mem>>, %arg12: memref<!tpu.dma_semaphore, #tpu.memory_space<semaphore_mem>>, %arg13: memref<!tpu.dma_semaphore, #tpu.memory_space<semaphore_mem>>) attributes {dimension_semantics = [#tpu.dimension_semantics<core_parallel>, #tpu.dimension_semantics<subcore_parallel>], iteration_bounds = array<i64: 2, 16>, scalar_prefetch = 0 : i64, scratch_operands = 9 : i64, tpu.core_type = #tpu.core_type<sc_vector_subcore>, window_params = [{transform_indices = #map}, {transform_indices = #map}, {transform_indices = #map1}]} {
    %mul3A = arith.constant 2 : i32
    %mul3A_0 = arith.muli %arg1, %mul3A : i32
    %add3A = arith.addi %mul3A_0, %arg0 : i32
    %mul3A_1 = arith.constant 512 : i32
    %mul3A_2 = arith.muli %add3A, %mul3A_1 : i32
    %mul3A_3 = arith.constant 4 : i32
    %mul3A_4 = arith.muli %add3A, %mul3A_3 : i32
    %iota3A = tpu.iota {dimensions = array<i32: 0>} : vector<16xi32>
    %add3A_5 = arith.constant 0 : i32
    %add3A_6 = vector.broadcast %add3A_5 : i32 to vector<16xi32>
    %add3A_7 = arith.addi %iota3A, %add3A_6 : vector<16xi32>
    %add3A_8 = arith.constant 16 : i32
    %add3A_9 = vector.broadcast %add3A_8 : i32 to vector<16xi32>
    %add3A_10 = arith.addi %iota3A, %add3A_9 : vector<16xi32>
    %add3A_11 = arith.constant 32 : i32
    %add3A_12 = vector.broadcast %add3A_11 : i32 to vector<16xi32>
    %add3A_13 = arith.addi %iota3A, %add3A_12 : vector<16xi32>
    %add3A_14 = arith.constant 48 : i32
    %add3A_15 = vector.broadcast %add3A_14 : i32 to vector<16xi32>
    %add3A_16 = arith.addi %iota3A, %add3A_15 : vector<16xi32>
    %add3A_17 = arith.constant 64 : i32
    %add3A_18 = vector.broadcast %add3A_17 : i32 to vector<16xi32>
    %add3A_19 = arith.addi %iota3A, %add3A_18 : vector<16xi32>
    %add3A_20 = arith.constant 80 : i32
    %add3A_21 = vector.broadcast %add3A_20 : i32 to vector<16xi32>
    %add3A_22 = arith.addi %iota3A, %add3A_21 : vector<16xi32>
    %add3A_23 = arith.constant 96 : i32
    %add3A_24 = vector.broadcast %add3A_23 : i32 to vector<16xi32>
    %add3A_25 = arith.addi %iota3A, %add3A_24 : vector<16xi32>
    %add3A_26 = arith.constant 112 : i32
    %add3A_27 = vector.broadcast %add3A_26 : i32 to vector<16xi32>
    %add3A_28 = arith.addi %iota3A, %add3A_27 : vector<16xi32>
    "tpu.region"() ({
      %run_scoped3A = tpu.sem_alloc : memref<!tpu.dma_semaphore, #tpu.memory_space<semaphore_mem>>
      %dma_start3A_478 = arith.constant 0 : i32
      %dma_start3A_479 = tpu.memref_slice %arg2[%dma_start3A_478, %mul3A_2] : memref<50x16384xi32, #tpu.memory_space<hbm>> -> memref<50x512xi32, #tpu.memory_space<hbm>>
      %dma_start3A_480 = arith.constant 0 : i32
      %dma_start3A_481 = tpu.memref_slice %arg2[%dma_start3A_480, %mul3A_2] : memref<50x16384xi32, #tpu.memory_space<hbm>> -> memref<50x512xi32, #tpu.memory_space<hbm>>
      tpu.enqueue_dma source(%dma_start3A_481 : memref<50x512xi32, #tpu.memory_space<hbm>>) target(%arg5 : memref<50x512xi32, #tpu.memory_space<vmem>>) target_semaphore(%run_scoped3A : memref<!tpu.dma_semaphore, #tpu.memory_space<semaphore_mem>>)
      %dma_wait3A_482 = arith.constant 0 : i32
      %dma_wait3A_483 = tpu.memref_slice %arg2[%dma_wait3A_482, %mul3A_2] : memref<50x16384xi32, #tpu.memory_space<hbm>> -> memref<50x512xi32, #tpu.memory_space<hbm>>
      %dma_wait3A_484 = arith.constant 0 : i32
      %dma_wait3A_485 = tpu.memref_slice %arg2[%dma_wait3A_484, %mul3A_2] : memref<50x16384xi32, #tpu.memory_space<hbm>> -> memref<50x512xi32, #tpu.memory_space<hbm>>
      tpu.wait_dma2 semaphore(%run_scoped3A : memref<!tpu.dma_semaphore, #tpu.memory_space<semaphore_mem>>) src(%dma_wait3A_485 : memref<50x512xi32, #tpu.memory_space<hbm>>) dst(%arg5 : memref<50x512xi32, #tpu.memory_space<vmem>>)
      tpu.yield
    }) : () -> ()
    %add3A_29 = arith.constant 0 : i32
    %add3A_30 = vector.broadcast %add3A_29 : i32 to vector<16xi32>
    %add3A_31 = arith.addi %iota3A, %add3A_30 : vector<16xi32>
    %jit3A = arith.constant 8 : i32
    %div3A = vector.broadcast %jit3A : i32 to vector<16xi32>
    %div3A_32 = arith.divsi %add3A_31, %div3A : vector<16xi32>
    %sign3A = arith.constant 0 : i32
    %sign3A_33 = vector.broadcast %sign3A : i32 to vector<16xi32>
    %sign3A_34 = arith.cmpi sgt, %add3A_31, %sign3A_33 : vector<16xi32>
    %sign3A_35 = arith.extui %sign3A_34 : vector<16xi1> to vector<16xi32>
    %sign3A_36 = arith.constant 0 : i32
    %sign3A_37 = vector.broadcast %sign3A_36 : i32 to vector<16xi32>
    %sign3A_38 = arith.cmpi slt, %add3A_31, %sign3A_37 : vector<16xi32>
    %sign3A_39 = arith.extui %sign3A_38 : vector<16xi1> to vector<16xi32>
    %sign3A_40 = arith.subi %sign3A_35, %sign3A_39 : vector<16xi32>
    %sign3A_41 = arith.constant 0 : i32
    %sign3A_42 = arith.cmpi sgt, %jit3A, %sign3A_41 : i32
    %sign3A_43 = arith.extui %sign3A_42 : i1 to i32
    %sign3A_44 = arith.constant 0 : i32
    %sign3A_45 = arith.cmpi slt, %jit3A, %sign3A_44 : i32
    %sign3A_46 = arith.extui %sign3A_45 : i1 to i32
    %sign3A_47 = arith.subi %sign3A_43, %sign3A_46 : i32
    %ne3A = vector.broadcast %sign3A_47 : i32 to vector<16xi32>
    %ne3A_48 = arith.cmpi ne, %sign3A_40, %ne3A : vector<16xi32>
    %rem3A = vector.broadcast %jit3A : i32 to vector<16xi32>
    %rem3A_49 = arith.remsi %add3A_31, %rem3A : vector<16xi32>
    %ne3A_50 = arith.constant 0 : i32
    %ne3A_51 = vector.broadcast %ne3A_50 : i32 to vector<16xi32>
    %ne3A_52 = arith.cmpi ne, %rem3A_49, %ne3A_51 : vector<16xi32>
    %and3A = arith.andi %ne3A_48, %ne3A_52 : vector<16xi1>
    %sub3A = arith.constant 1 : i32
    %sub3A_53 = vector.broadcast %sub3A : i32 to vector<16xi32>
    %sub3A_54 = arith.subi %div3A_32, %sub3A_53 : vector<16xi32>
    %select_n3A = arith.select %and3A, %sub3A_54, %div3A_32 : vector<16xi1>, vector<16xi32>
    %add3A_55 = arith.constant 16 : i32
    %add3A_56 = vector.broadcast %add3A_55 : i32 to vector<16xi32>
    %add3A_57 = arith.addi %iota3A, %add3A_56 : vector<16xi32>
    %jit3A_58 = arith.constant 8 : i32
    %div3A_59 = vector.broadcast %jit3A_58 : i32 to vector<16xi32>
    %div3A_60 = arith.divsi %add3A_57, %div3A_59 : vector<16xi32>
    %sign3A_61 = arith.constant 0 : i32
    %sign3A_62 = vector.broadcast %sign3A_61 : i32 to vector<16xi32>
    %sign3A_63 = arith.cmpi sgt, %add3A_57, %sign3A_62 : vector<16xi32>
    %sign3A_64 = arith.extui %sign3A_63 : vector<16xi1> to vector<16xi32>
    %sign3A_65 = arith.constant 0 : i32
    %sign3A_66 = vector.broadcast %sign3A_65 : i32 to vector<16xi32>
    %sign3A_67 = arith.cmpi slt, %add3A_57, %sign3A_66 : vector<16xi32>
    %sign3A_68 = arith.extui %sign3A_67 : vector<16xi1> to vector<16xi32>
    %sign3A_69 = arith.subi %sign3A_64, %sign3A_68 : vector<16xi32>
    %sign3A_70 = arith.constant 0 : i32
    %sign3A_71 = arith.cmpi sgt, %jit3A_58, %sign3A_70 : i32
    %sign3A_72 = arith.extui %sign3A_71 : i1 to i32
    %sign3A_73 = arith.constant 0 : i32
    %sign3A_74 = arith.cmpi slt, %jit3A_58, %sign3A_73 : i32
    %sign3A_75 = arith.extui %sign3A_74 : i1 to i32
    %sign3A_76 = arith.subi %sign3A_72, %sign3A_75 : i32
    %ne3A_77 = vector.broadcast %sign3A_76 : i32 to vector<16xi32>
    %ne3A_78 = arith.cmpi ne, %sign3A_69, %ne3A_77 : vector<16xi32>
    %rem3A_79 = vector.broadcast %jit3A_58 : i32 to vector<16xi32>
    %rem3A_80 = arith.remsi %add3A_57, %rem3A_79 : vector<16xi32>
    %ne3A_81 = arith.constant 0 : i32
    %ne3A_82 = vector.broadcast %ne3A_81 : i32 to vector<16xi32>
    %ne3A_83 = arith.cmpi ne, %rem3A_80, %ne3A_82 : vector<16xi32>
    %and3A_84 = arith.andi %ne3A_78, %ne3A_83 : vector<16xi1>
    %sub3A_85 = arith.constant 1 : i32
    %sub3A_86 = vector.broadcast %sub3A_85 : i32 to vector<16xi32>
    %sub3A_87 = arith.subi %div3A_60, %sub3A_86 : vector<16xi32>
    %select_n3A_88 = arith.select %and3A_84, %sub3A_87, %div3A_60 : vector<16xi1>, vector<16xi32>
    %add3A_89 = arith.constant 32 : i32
    %add3A_90 = vector.broadcast %add3A_89 : i32 to vector<16xi32>
    %add3A_91 = arith.addi %iota3A, %add3A_90 : vector<16xi32>
    %jit3A_92 = arith.constant 8 : i32
    %div3A_93 = vector.broadcast %jit3A_92 : i32 to vector<16xi32>
    %div3A_94 = arith.divsi %add3A_91, %div3A_93 : vector<16xi32>
    %sign3A_95 = arith.constant 0 : i32
    %sign3A_96 = vector.broadcast %sign3A_95 : i32 to vector<16xi32>
    %sign3A_97 = arith.cmpi sgt, %add3A_91, %sign3A_96 : vector<16xi32>
    %sign3A_98 = arith.extui %sign3A_97 : vector<16xi1> to vector<16xi32>
    %sign3A_99 = arith.constant 0 : i32
    %sign3A_100 = vector.broadcast %sign3A_99 : i32 to vector<16xi32>
    %sign3A_101 = arith.cmpi slt, %add3A_91, %sign3A_100 : vector<16xi32>
    %sign3A_102 = arith.extui %sign3A_101 : vector<16xi1> to vector<16xi32>
    %sign3A_103 = arith.subi %sign3A_98, %sign3A_102 : vector<16xi32>
    %sign3A_104 = arith.constant 0 : i32
    %sign3A_105 = arith.cmpi sgt, %jit3A_92, %sign3A_104 : i32
    %sign3A_106 = arith.extui %sign3A_105 : i1 to i32
    %sign3A_107 = arith.constant 0 : i32
    %sign3A_108 = arith.cmpi slt, %jit3A_92, %sign3A_107 : i32
    %sign3A_109 = arith.extui %sign3A_108 : i1 to i32
    %sign3A_110 = arith.subi %sign3A_106, %sign3A_109 : i32
    %ne3A_111 = vector.broadcast %sign3A_110 : i32 to vector<16xi32>
    %ne3A_112 = arith.cmpi ne, %sign3A_103, %ne3A_111 : vector<16xi32>
    %rem3A_113 = vector.broadcast %jit3A_92 : i32 to vector<16xi32>
    %rem3A_114 = arith.remsi %add3A_91, %rem3A_113 : vector<16xi32>
    %ne3A_115 = arith.constant 0 : i32
    %ne3A_116 = vector.broadcast %ne3A_115 : i32 to vector<16xi32>
    %ne3A_117 = arith.cmpi ne, %rem3A_114, %ne3A_116 : vector<16xi32>
    %and3A_118 = arith.andi %ne3A_112, %ne3A_117 : vector<16xi1>
    %sub3A_119 = arith.constant 1 : i32
    %sub3A_120 = vector.broadcast %sub3A_119 : i32 to vector<16xi32>
    %sub3A_121 = arith.subi %div3A_94, %sub3A_120 : vector<16xi32>
    %select_n3A_122 = arith.select %and3A_118, %sub3A_121, %div3A_94 : vector<16xi1>, vector<16xi32>
    %add3A_123 = arith.constant 48 : i32
    %add3A_124 = vector.broadcast %add3A_123 : i32 to vector<16xi32>
    %add3A_125 = arith.addi %iota3A, %add3A_124 : vector<16xi32>
    %jit3A_126 = arith.constant 8 : i32
    %div3A_127 = vector.broadcast %jit3A_126 : i32 to vector<16xi32>
    %div3A_128 = arith.divsi %add3A_125, %div3A_127 : vector<16xi32>
    %sign3A_129 = arith.constant 0 : i32
    %sign3A_130 = vector.broadcast %sign3A_129 : i32 to vector<16xi32>
    %sign3A_131 = arith.cmpi sgt, %add3A_125, %sign3A_130 : vector<16xi32>
    %sign3A_132 = arith.extui %sign3A_131 : vector<16xi1> to vector<16xi32>
    %sign3A_133 = arith.constant 0 : i32
    %sign3A_134 = vector.broadcast %sign3A_133 : i32 to vector<16xi32>
    %sign3A_135 = arith.cmpi slt, %add3A_125, %sign3A_134 : vector<16xi32>
    %sign3A_136 = arith.extui %sign3A_135 : vector<16xi1> to vector<16xi32>
    %sign3A_137 = arith.subi %sign3A_132, %sign3A_136 : vector<16xi32>
    %sign3A_138 = arith.constant 0 : i32
    %sign3A_139 = arith.cmpi sgt, %jit3A_126, %sign3A_138 : i32
    %sign3A_140 = arith.extui %sign3A_139 : i1 to i32
    %sign3A_141 = arith.constant 0 : i32
    %sign3A_142 = arith.cmpi slt, %jit3A_126, %sign3A_141 : i32
    %sign3A_143 = arith.extui %sign3A_142 : i1 to i32
    %sign3A_144 = arith.subi %sign3A_140, %sign3A_143 : i32
    %ne3A_145 = vector.broadcast %sign3A_144 : i32 to vector<16xi32>
    %ne3A_146 = arith.cmpi ne, %sign3A_137, %ne3A_145 : vector<16xi32>
    %rem3A_147 = vector.broadcast %jit3A_126 : i32 to vector<16xi32>
    %rem3A_148 = arith.remsi %add3A_125, %rem3A_147 : vector<16xi32>
    %ne3A_149 = arith.constant 0 : i32
    %ne3A_150 = vector.broadcast %ne3A_149 : i32 to vector<16xi32>
    %ne3A_151 = arith.cmpi ne, %rem3A_148, %ne3A_150 : vector<16xi32>
    %and3A_152 = arith.andi %ne3A_146, %ne3A_151 : vector<16xi1>
    %sub3A_153 = arith.constant 1 : i32
    %sub3A_154 = vector.broadcast %sub3A_153 : i32 to vector<16xi32>
    %sub3A_155 = arith.subi %div3A_128, %sub3A_154 : vector<16xi32>
    %select_n3A_156 = arith.select %and3A_152, %sub3A_155, %div3A_128 : vector<16xi1>, vector<16xi32>
    %add3A_157 = arith.constant 0 : i32
    %add3A_158 = vector.broadcast %add3A_157 : i32 to vector<16xi32>
    %add3A_159 = arith.addi %iota3A, %add3A_158 : vector<16xi32>
    %rem3A_160 = arith.constant 8 : i32
    %rem3A_161 = vector.broadcast %rem3A_160 : i32 to vector<16xi32>
    %rem3A_162 = arith.remsi %add3A_159, %rem3A_161 : vector<16xi32>
    %add3A_163 = arith.constant 16 : i32
    %add3A_164 = vector.broadcast %add3A_163 : i32 to vector<16xi32>
    %add3A_165 = arith.addi %iota3A, %add3A_164 : vector<16xi32>
    %rem3A_166 = arith.constant 8 : i32
    %rem3A_167 = vector.broadcast %rem3A_166 : i32 to vector<16xi32>
    %rem3A_168 = arith.remsi %add3A_165, %rem3A_167 : vector<16xi32>
    %add3A_169 = arith.constant 32 : i32
    %add3A_170 = vector.broadcast %add3A_169 : i32 to vector<16xi32>
    %add3A_171 = arith.addi %iota3A, %add3A_170 : vector<16xi32>
    %rem3A_172 = arith.constant 8 : i32
    %rem3A_173 = vector.broadcast %rem3A_172 : i32 to vector<16xi32>
    %rem3A_174 = arith.remsi %add3A_171, %rem3A_173 : vector<16xi32>
    %add3A_175 = arith.constant 48 : i32
    %add3A_176 = vector.broadcast %add3A_175 : i32 to vector<16xi32>
    %add3A_177 = arith.addi %iota3A, %add3A_176 : vector<16xi32>
    %rem3A_178 = arith.constant 8 : i32
    %rem3A_179 = vector.broadcast %rem3A_178 : i32 to vector<16xi32>
    %rem3A_180 = arith.remsi %add3A_177, %rem3A_179 : vector<16xi32>
    %rem3A_181 = arith.constant 0 : i32
    %rem3A_182 = arith.constant 4 : i32
    %rem3A_183 = arith.remsi %rem3A_181, %rem3A_182 : i32
    %mul3A_184 = arith.constant 128 : i32
    %mul3A_185 = arith.muli %rem3A_183, %mul3A_184 : i32
    %dma_start3A = arith.constant 0 : i32
    %dma_start3A_186 = tpu.memref_slice %arg5[%dma_start3A, %mul3A_185] : memref<50x512xi32, #tpu.memory_space<vmem>> -> memref<1x128xi32, #tpu.memory_space<vmem>>
    %dma_start3A_187 = tpu.memref_squeeze %dma_start3A_186 : memref<1x128xi32, #tpu.memory_space<vmem>> -> memref<128xi32, #tpu.memory_space<vmem>>
    %dma_start3A_188 = arith.constant 0 : i32
    %dma_start3A_189 = arith.constant 0 : i32
    %dma_start3A_190 = tpu.memref_slice %arg3[%dma_start3A_188, %dma_start3A_189] : memref<1000000x64xf32, #tpu.memory_space<hbm>> -> memref<1000000x64xf32, #tpu.memory_space<hbm>>
    tpu.enqueue_indirect_dma source(%dma_start3A_190 : memref<1000000x64xf32, #tpu.memory_space<hbm>>) target(%arg6 : memref<128x64xf32, #tpu.memory_space<vmem>>) offsets(%dma_start3A_187 : memref<128xi32, #tpu.memory_space<vmem>>) semaphore(%arg10 : memref<!tpu.dma_semaphore, #tpu.memory_space<semaphore_mem>>)
    %rem3A_191 = arith.constant 1 : i32
    %rem3A_192 = arith.constant 4 : i32
    %rem3A_193 = arith.remsi %rem3A_191, %rem3A_192 : i32
    %mul3A_194 = arith.constant 128 : i32
    %mul3A_195 = arith.muli %rem3A_193, %mul3A_194 : i32
    %dma_start3A_196 = arith.constant 0 : i32
    %dma_start3A_197 = tpu.memref_slice %arg5[%dma_start3A_196, %mul3A_195] : memref<50x512xi32, #tpu.memory_space<vmem>> -> memref<1x128xi32, #tpu.memory_space<vmem>>
    %dma_start3A_198 = tpu.memref_squeeze %dma_start3A_197 : memref<1x128xi32, #tpu.memory_space<vmem>> -> memref<128xi32, #tpu.memory_space<vmem>>
    %dma_start3A_199 = arith.constant 0 : i32
    %dma_start3A_200 = arith.constant 0 : i32
    %dma_start3A_201 = tpu.memref_slice %arg3[%dma_start3A_199, %dma_start3A_200] : memref<1000000x64xf32, #tpu.memory_space<hbm>> -> memref<1000000x64xf32, #tpu.memory_space<hbm>>
    tpu.enqueue_indirect_dma source(%dma_start3A_201 : memref<1000000x64xf32, #tpu.memory_space<hbm>>) target(%arg7 : memref<128x64xf32, #tpu.memory_space<vmem>>) offsets(%dma_start3A_198 : memref<128xi32, #tpu.memory_space<vmem>>) semaphore(%arg11 : memref<!tpu.dma_semaphore, #tpu.memory_space<semaphore_mem>>)
    %scan3A = arith.constant 0 : i32
    %scan3A_202 = arith.constant 0 : i32
    %scan3A_203 = arith.constant 200 : i32
    %scan3A_204 = arith.addi %scan3A_202, %scan3A_203 : i32
    %scan3A_205 = arith.constant 1 : i32
    scf.for %scan3A_478 = %scan3A_202 to %scan3A_204 step %scan3A_205  : i32 {
      %rem3A_479 = arith.constant 2 : i32
      %rem3A_480 = arith.remsi %scan3A_478, %rem3A_479 : i32
      %eq3A = arith.constant 0 : i32
      %eq3A_481 = arith.cmpi eq, %rem3A_480, %eq3A : i32
      %convert_element_type3A = arith.extui %eq3A_481 : i1 to i32
      %cond3A = arith.constant 0 : i32
      %cond3A_482 = arith.cmpi ne, %convert_element_type3A, %cond3A : i32
      scf.if %cond3A_482 {
        %ge3A = arith.constant 2 : i32
        %ge3A_488 = arith.cmpi sge, %scan3A_478, %ge3A : i32
        %convert_element_type3A_489 = arith.extui %ge3A_488 : i1 to i32
        %cond3A_490 = arith.constant 0 : i32
        %cond3A_491 = arith.cmpi ne, %convert_element_type3A_489, %cond3A_490 : i32
        scf.if %cond3A_491 {
          %dma_wait3A_661 = arith.constant 0 : i32
          %dma_wait3A_662 = arith.constant 0 : i32
          %dma_wait3A_663 = arith.constant 0 : i32
          %dma_wait3A_664 = arith.constant 0 : i32
          %dma_wait3A_665 = arith.constant 0 : i32
          %dma_wait3A_666 = tpu.memref_slice %arg8[%dma_wait3A_664, %dma_wait3A_665] : memref<64x129xf32, #tpu.memory_space<vmem>> -> memref<8x128xf32, #tpu.memory_space<vmem>>
          %dma_wait3A_667 = arith.constant 0 : i32
          %dma_wait3A_668 = arith.constant 0 : i32
          %dma_wait3A_669 = tpu.memref_slice %arg4[%dma_wait3A_661, %dma_wait3A_662, %dma_wait3A_663, %dma_wait3A_667, %dma_wait3A_668] : memref<50x8x128x8x128xf32, #tpu.memory_space<hbm>> -> memref<1x1x1x8x128xf32, #tpu.memory_space<hbm>>
          %dma_wait3A_670 = tpu.memref_squeeze %dma_wait3A_669 : memref<1x1x1x8x128xf32, #tpu.memory_space<hbm>> -> memref<8x128xf32, #tpu.memory_space<hbm>>
          %dma_wait3A_671 = arith.constant 0 : i32
          %dma_wait3A_672 = arith.constant 0 : i32
          %dma_wait3A_673 = tpu.memref_slice %arg4[%dma_wait3A_661, %dma_wait3A_662, %dma_wait3A_663, %dma_wait3A_671, %dma_wait3A_672] : memref<50x8x128x8x128xf32, #tpu.memory_space<hbm>> -> memref<1x1x1x8x128xf32, #tpu.memory_space<hbm>>
          %dma_wait3A_674 = tpu.memref_squeeze %dma_wait3A_673 : memref<1x1x1x8x128xf32, #tpu.memory_space<hbm>> -> memref<8x128xf32, #tpu.memory_space<hbm>>
          %dma_wait3A_675 = arith.constant 0 : i32
          %dma_wait3A_676 = arith.constant 0 : i32
          %dma_wait3A_677 = tpu.memref_slice %arg8[%dma_wait3A_675, %dma_wait3A_676] : memref<64x129xf32, #tpu.memory_space<vmem>> -> memref<8x128xf32, #tpu.memory_space<vmem>>
          tpu.wait_dma2 semaphore(%arg12 : memref<!tpu.dma_semaphore, #tpu.memory_space<semaphore_mem>>) src(%dma_wait3A_677 : memref<8x128xf32, #tpu.memory_space<vmem>>) dst(%dma_wait3A_674 : memref<8x128xf32, #tpu.memory_space<hbm>>)
          %dma_wait3A_678 = arith.constant 0 : i32
          %dma_wait3A_679 = arith.constant 0 : i32
          %dma_wait3A_680 = arith.constant 0 : i32
          %dma_wait3A_681 = arith.constant 0 : i32
          %dma_wait3A_682 = arith.constant 0 : i32
          %dma_wait3A_683 = tpu.memref_slice %arg8[%dma_wait3A_681, %dma_wait3A_682] : memref<64x129xf32, #tpu.memory_space<vmem>> -> memref<8x128xf32, #tpu.memory_space<vmem>>
          %dma_wait3A_684 = arith.constant 0 : i32
          %dma_wait3A_685 = arith.constant 0 : i32
          %dma_wait3A_686 = tpu.memref_slice %arg4[%dma_wait3A_678, %dma_wait3A_679, %dma_wait3A_680, %dma_wait3A_684, %dma_wait3A_685] : memref<50x8x128x8x128xf32, #tpu.memory_space<hbm>> -> memref<1x1x1x8x128xf32, #tpu.memory_space<hbm>>
          %dma_wait3A_687 = tpu.memref_squeeze %dma_wait3A_686 : memref<1x1x1x8x128xf32, #tpu.memory_space<hbm>> -> memref<8x128xf32, #tpu.memory_space<hbm>>
          %dma_wait3A_688 = arith.constant 0 : i32
          %dma_wait3A_689 = arith.constant 0 : i32
          %dma_wait3A_690 = tpu.memref_slice %arg4[%dma_wait3A_678, %dma_wait3A_679, %dma_wait3A_680, %dma_wait3A_688, %dma_wait3A_689] : memref<50x8x128x8x128xf32, #tpu.memory_space<hbm>> -> memref<1x1x1x8x128xf32, #tpu.memory_space<hbm>>
          %dma_wait3A_691 = tpu.memref_squeeze %dma_wait3A_690 : memref<1x1x1x8x128xf32, #tpu.memory_space<hbm>> -> memref<8x128xf32, #tpu.memory_space<hbm>>
          %dma_wait3A_692 = arith.constant 0 : i32
          %dma_wait3A_693 = arith.constant 0 : i32
          %dma_wait3A_694 = tpu.memref_slice %arg8[%dma_wait3A_692, %dma_wait3A_693] : memref<64x129xf32, #tpu.memory_space<vmem>> -> memref<8x128xf32, #tpu.memory_space<vmem>>
          tpu.wait_dma2 semaphore(%arg12 : memref<!tpu.dma_semaphore, #tpu.memory_space<semaphore_mem>>) src(%dma_wait3A_694 : memref<8x128xf32, #tpu.memory_space<vmem>>) dst(%dma_wait3A_691 : memref<8x128xf32, #tpu.memory_space<hbm>>)
          %dma_wait3A_695 = arith.constant 0 : i32
          %dma_wait3A_696 = arith.constant 0 : i32
          %dma_wait3A_697 = arith.constant 0 : i32
          %dma_wait3A_698 = arith.constant 0 : i32
          %dma_wait3A_699 = arith.constant 0 : i32
          %dma_wait3A_700 = tpu.memref_slice %arg8[%dma_wait3A_698, %dma_wait3A_699] : memref<64x129xf32, #tpu.memory_space<vmem>> -> memref<8x128xf32, #tpu.memory_space<vmem>>
          %dma_wait3A_701 = arith.constant 0 : i32
          %dma_wait3A_702 = arith.constant 0 : i32
          %dma_wait3A_703 = tpu.memref_slice %arg4[%dma_wait3A_695, %dma_wait3A_696, %dma_wait3A_697, %dma_wait3A_701, %dma_wait3A_702] : memref<50x8x128x8x128xf32, #tpu.memory_space<hbm>> -> memref<1x1x1x8x128xf32, #tpu.memory_space<hbm>>
          %dma_wait3A_704 = tpu.memref_squeeze %dma_wait3A_703 : memref<1x1x1x8x128xf32, #tpu.memory_space<hbm>> -> memref<8x128xf32, #tpu.memory_space<hbm>>
          %dma_wait3A_705 = arith.constant 0 : i32
          %dma_wait3A_706 = arith.constant 0 : i32
          %dma_wait3A_707 = tpu.memref_slice %arg4[%dma_wait3A_695, %dma_wait3A_696, %dma_wait3A_697, %dma_wait3A_705, %dma_wait3A_706] : memref<50x8x128x8x128xf32, #tpu.memory_space<hbm>> -> memref<1x1x1x8x128xf32, #tpu.memory_space<hbm>>
          %dma_wait3A_708 = tpu.memref_squeeze %dma_wait3A_707 : memref<1x1x1x8x128xf32, #tpu.memory_space<hbm>> -> memref<8x128xf32, #tpu.memory_space<hbm>>
          %dma_wait3A_709 = arith.constant 0 : i32
          %dma_wait3A_710 = arith.constant 0 : i32
          %dma_wait3A_711 = tpu.memref_slice %arg8[%dma_wait3A_709, %dma_wait3A_710] : memref<64x129xf32, #tpu.memory_space<vmem>> -> memref<8x128xf32, #tpu.memory_space<vmem>>
          tpu.wait_dma2 semaphore(%arg12 : memref<!tpu.dma_semaphore, #tpu.memory_space<semaphore_mem>>) src(%dma_wait3A_711 : memref<8x128xf32, #tpu.memory_space<vmem>>) dst(%dma_wait3A_708 : memref<8x128xf32, #tpu.memory_space<hbm>>)
          %dma_wait3A_712 = arith.constant 0 : i32
          %dma_wait3A_713 = arith.constant 0 : i32
          %dma_wait3A_714 = arith.constant 0 : i32
          %dma_wait3A_715 = arith.constant 0 : i32
          %dma_wait3A_716 = arith.constant 0 : i32
          %dma_wait3A_717 = tpu.memref_slice %arg8[%dma_wait3A_715, %dma_wait3A_716] : memref<64x129xf32, #tpu.memory_space<vmem>> -> memref<8x128xf32, #tpu.memory_space<vmem>>
          %dma_wait3A_718 = arith.constant 0 : i32
          %dma_wait3A_719 = arith.constant 0 : i32
          %dma_wait3A_720 = tpu.memref_slice %arg4[%dma_wait3A_712, %dma_wait3A_713, %dma_wait3A_714, %dma_wait3A_718, %dma_wait3A_719] : memref<50x8x128x8x128xf32, #tpu.memory_space<hbm>> -> memref<1x1x1x8x128xf32, #tpu.memory_space<hbm>>
          %dma_wait3A_721 = tpu.memref_squeeze %dma_wait3A_720 : memref<1x1x1x8x128xf32, #tpu.memory_space<hbm>> -> memref<8x128xf32, #tpu.memory_space<hbm>>
          %dma_wait3A_722 = arith.constant 0 : i32
          %dma_wait3A_723 = arith.constant 0 : i32
          %dma_wait3A_724 = tpu.memref_slice %arg4[%dma_wait3A_712, %dma_wait3A_713, %dma_wait3A_714, %dma_wait3A_722, %dma_wait3A_723] : memref<50x8x128x8x128xf32, #tpu.memory_space<hbm>> -> memref<1x1x1x8x128xf32, #tpu.memory_space<hbm>>
          %dma_wait3A_725 = tpu.memref_squeeze %dma_wait3A_724 : memref<1x1x1x8x128xf32, #tpu.memory_space<hbm>> -> memref<8x128xf32, #tpu.memory_space<hbm>>
          %dma_wait3A_726 = arith.constant 0 : i32
          %dma_wait3A_727 = arith.constant 0 : i32
          %dma_wait3A_728 = tpu.memref_slice %arg8[%dma_wait3A_726, %dma_wait3A_727] : memref<64x129xf32, #tpu.memory_space<vmem>> -> memref<8x128xf32, #tpu.memory_space<vmem>>
          tpu.wait_dma2 semaphore(%arg12 : memref<!tpu.dma_semaphore, #tpu.memory_space<semaphore_mem>>) src(%dma_wait3A_728 : memref<8x128xf32, #tpu.memory_space<vmem>>) dst(%dma_wait3A_725 : memref<8x128xf32, #tpu.memory_space<hbm>>)
          %dma_wait3A_729 = arith.constant 0 : i32
          %dma_wait3A_730 = arith.constant 0 : i32
          %dma_wait3A_731 = arith.constant 0 : i32
          %dma_wait3A_732 = arith.constant 0 : i32
          %dma_wait3A_733 = arith.constant 0 : i32
          %dma_wait3A_734 = tpu.memref_slice %arg8[%dma_wait3A_732, %dma_wait3A_733] : memref<64x129xf32, #tpu.memory_space<vmem>> -> memref<8x128xf32, #tpu.memory_space<vmem>>
          %dma_wait3A_735 = arith.constant 0 : i32
          %dma_wait3A_736 = arith.constant 0 : i32
          %dma_wait3A_737 = tpu.memref_slice %arg4[%dma_wait3A_729, %dma_wait3A_730, %dma_wait3A_731, %dma_wait3A_735, %dma_wait3A_736] : memref<50x8x128x8x128xf32, #tpu.memory_space<hbm>> -> memref<1x1x1x8x128xf32, #tpu.memory_space<hbm>>
          %dma_wait3A_738 = tpu.memref_squeeze %dma_wait3A_737 : memref<1x1x1x8x128xf32, #tpu.memory_space<hbm>> -> memref<8x128xf32, #tpu.memory_space<hbm>>
          %dma_wait3A_739 = arith.constant 0 : i32
          %dma_wait3A_740 = arith.constant 0 : i32
          %dma_wait3A_741 = tpu.memref_slice %arg4[%dma_wait3A_729, %dma_wait3A_730, %dma_wait3A_731, %dma_wait3A_739, %dma_wait3A_740] : memref<50x8x128x8x128xf32, #tpu.memory_space<hbm>> -> memref<1x1x1x8x128xf32, #tpu.memory_space<hbm>>
          %dma_wait3A_742 = tpu.memref_squeeze %dma_wait3A_741 : memref<1x1x1x8x128xf32, #tpu.memory_space<hbm>> -> memref<8x128xf32, #tpu.memory_space<hbm>>
          %dma_wait3A_743 = arith.constant 0 : i32
          %dma_wait3A_744 = arith.constant 0 : i32
          %dma_wait3A_745 = tpu.memref_slice %arg8[%dma_wait3A_743, %dma_wait3A_744] : memref<64x129xf32, #tpu.memory_space<vmem>> -> memref<8x128xf32, #tpu.memory_space<vmem>>
          tpu.wait_dma2 semaphore(%arg12 : memref<!tpu.dma_semaphore, #tpu.memory_space<semaphore_mem>>) src(%dma_wait3A_745 : memref<8x128xf32, #tpu.memory_space<vmem>>) dst(%dma_wait3A_742 : memref<8x128xf32, #tpu.memory_space<hbm>>)
          %dma_wait3A_746 = arith.constant 0 : i32
          %dma_wait3A_747 = arith.constant 0 : i32
          %dma_wait3A_748 = arith.constant 0 : i32
          %dma_wait3A_749 = arith.constant 0 : i32
          %dma_wait3A_750 = arith.constant 0 : i32
          %dma_wait3A_751 = tpu.memref_slice %arg8[%dma_wait3A_749, %dma_wait3A_750] : memref<64x129xf32, #tpu.memory_space<vmem>> -> memref<8x128xf32, #tpu.memory_space<vmem>>
          %dma_wait3A_752 = arith.constant 0 : i32
          %dma_wait3A_753 = arith.constant 0 : i32
          %dma_wait3A_754 = tpu.memref_slice %arg4[%dma_wait3A_746, %dma_wait3A_747, %dma_wait3A_748, %dma_wait3A_752, %dma_wait3A_753] : memref<50x8x128x8x128xf32, #tpu.memory_space<hbm>> -> memref<1x1x1x8x128xf32, #tpu.memory_space<hbm>>
          %dma_wait3A_755 = tpu.memref_squeeze %dma_wait3A_754 : memref<1x1x1x8x128xf32, #tpu.memory_space<hbm>> -> memref<8x128xf32, #tpu.memory_space<hbm>>
          %dma_wait3A_756 = arith.constant 0 : i32
          %dma_wait3A_757 = arith.constant 0 : i32
          %dma_wait3A_758 = tpu.memref_slice %arg4[%dma_wait3A_746, %dma_wait3A_747, %dma_wait3A_748, %dma_wait3A_756, %dma_wait3A_757] : memref<50x8x128x8x128xf32, #tpu.memory_space<hbm>> -> memref<1x1x1x8x128xf32, #tpu.memory_space<hbm>>
          %dma_wait3A_759 = tpu.memref_squeeze %dma_wait3A_758 : memref<1x1x1x8x128xf32, #tpu.memory_space<hbm>> -> memref<8x128xf32, #tpu.memory_space<hbm>>
          %dma_wait3A_760 = arith.constant 0 : i32
          %dma_wait3A_761 = arith.constant 0 : i32
          %dma_wait3A_762 = tpu.memref_slice %arg8[%dma_wait3A_760, %dma_wait3A_761] : memref<64x129xf32, #tpu.memory_space<vmem>> -> memref<8x128xf32, #tpu.memory_space<vmem>>
          tpu.wait_dma2 semaphore(%arg12 : memref<!tpu.dma_semaphore, #tpu.memory_space<semaphore_mem>>) src(%dma_wait3A_762 : memref<8x128xf32, #tpu.memory_space<vmem>>) dst(%dma_wait3A_759 : memref<8x128xf32, #tpu.memory_space<hbm>>)
          %dma_wait3A_763 = arith.constant 0 : i32
          %dma_wait3A_764 = arith.constant 0 : i32
          %dma_wait3A_765 = arith.constant 0 : i32
          %dma_wait3A_766 = arith.constant 0 : i32
          %dma_wait3A_767 = arith.constant 0 : i32
          %dma_wait3A_768 = tpu.memref_slice %arg8[%dma_wait3A_766, %dma_wait3A_767] : memref<64x129xf32, #tpu.memory_space<vmem>> -> memref<8x128xf32, #tpu.memory_space<vmem>>
          %dma_wait3A_769 = arith.constant 0 : i32
          %dma_wait3A_770 = arith.constant 0 : i32
          %dma_wait3A_771 = tpu.memref_slice %arg4[%dma_wait3A_763, %dma_wait3A_764, %dma_wait3A_765, %dma_wait3A_769, %dma_wait3A_770] : memref<50x8x128x8x128xf32, #tpu.memory_space<hbm>> -> memref<1x1x1x8x128xf32, #tpu.memory_space<hbm>>
          %dma_wait3A_772 = tpu.memref_squeeze %dma_wait3A_771 : memref<1x1x1x8x128xf32, #tpu.memory_space<hbm>> -> memref<8x128xf32, #tpu.memory_space<hbm>>
          %dma_wait3A_773 = arith.constant 0 : i32
          %dma_wait3A_774 = arith.constant 0 : i32
          %dma_wait3A_775 = tpu.memref_slice %arg4[%dma_wait3A_763, %dma_wait3A_764, %dma_wait3A_765, %dma_wait3A_773, %dma_wait3A_774] : memref<50x8x128x8x128xf32, #tpu.memory_space<hbm>> -> memref<1x1x1x8x128xf32, #tpu.memory_space<hbm>>
          %dma_wait3A_776 = tpu.memref_squeeze %dma_wait3A_775 : memref<1x1x1x8x128xf32, #tpu.memory_space<hbm>> -> memref<8x128xf32, #tpu.memory_space<hbm>>
          %dma_wait3A_777 = arith.constant 0 : i32
          %dma_wait3A_778 = arith.constant 0 : i32
          %dma_wait3A_779 = tpu.memref_slice %arg8[%dma_wait3A_777, %dma_wait3A_778] : memref<64x129xf32, #tpu.memory_space<vmem>> -> memref<8x128xf32, #tpu.memory_space<vmem>>
          tpu.wait_dma2 semaphore(%arg12 : memref<!tpu.dma_semaphore, #tpu.memory_space<semaphore_mem>>) src(%dma_wait3A_779 : memref<8x128xf32, #tpu.memory_space<vmem>>) dst(%dma_wait3A_776 : memref<8x128xf32, #tpu.memory_space<hbm>>)
          %dma_wait3A_780 = arith.constant 0 : i32
          %dma_wait3A_781 = arith.constant 0 : i32
          %dma_wait3A_782 = arith.constant 0 : i32
          %dma_wait3A_783 = arith.constant 0 : i32
          %dma_wait3A_784 = arith.constant 0 : i32
          %dma_wait3A_785 = tpu.memref_slice %arg8[%dma_wait3A_783, %dma_wait3A_784] : memref<64x129xf32, #tpu.memory_space<vmem>> -> memref<8x128xf32, #tpu.memory_space<vmem>>
          %dma_wait3A_786 = arith.constant 0 : i32
          %dma_wait3A_787 = arith.constant 0 : i32
          %dma_wait3A_788 = tpu.memref_slice %arg4[%dma_wait3A_780, %dma_wait3A_781, %dma_wait3A_782, %dma_wait3A_786, %dma_wait3A_787] : memref<50x8x128x8x128xf32, #tpu.memory_space<hbm>> -> memref<1x1x1x8x128xf32, #tpu.memory_space<hbm>>
          %dma_wait3A_789 = tpu.memref_squeeze %dma_wait3A_788 : memref<1x1x1x8x128xf32, #tpu.memory_space<hbm>> -> memref<8x128xf32, #tpu.memory_space<hbm>>
          %dma_wait3A_790 = arith.constant 0 : i32
          %dma_wait3A_791 = arith.constant 0 : i32
          %dma_wait3A_792 = tpu.memref_slice %arg4[%dma_wait3A_780, %dma_wait3A_781, %dma_wait3A_782, %dma_wait3A_790, %dma_wait3A_791] : memref<50x8x128x8x128xf32, #tpu.memory_space<hbm>> -> memref<1x1x1x8x128xf32, #tpu.memory_space<hbm>>
          %dma_wait3A_793 = tpu.memref_squeeze %dma_wait3A_792 : memref<1x1x1x8x128xf32, #tpu.memory_space<hbm>> -> memref<8x128xf32, #tpu.memory_space<hbm>>
          %dma_wait3A_794 = arith.constant 0 : i32
          %dma_wait3A_795 = arith.constant 0 : i32
          %dma_wait3A_796 = tpu.memref_slice %arg8[%dma_wait3A_794, %dma_wait3A_795] : memref<64x129xf32, #tpu.memory_space<vmem>> -> memref<8x128xf32, #tpu.memory_space<vmem>>
          tpu.wait_dma2 semaphore(%arg12 : memref<!tpu.dma_semaphore, #tpu.memory_space<semaphore_mem>>) src(%dma_wait3A_796 : memref<8x128xf32, #tpu.memory_space<vmem>>) dst(%dma_wait3A_793 : memref<8x128xf32, #tpu.memory_space<hbm>>)
        } else {
        }
        %dma_wait3A_492 = arith.constant 0 : i32
        %dma_wait3A_493 = arith.constant 0 : i32
        %dma_wait3A_494 = tpu.memref_slice %arg5[%dma_wait3A_492, %dma_wait3A_493] : memref<50x512xi32, #tpu.memory_space<vmem>> -> memref<1x128xi32, #tpu.memory_space<vmem>>
        %dma_wait3A_495 = tpu.memref_squeeze %dma_wait3A_494 : memref<1x128xi32, #tpu.memory_space<vmem>> -> memref<128xi32, #tpu.memory_space<vmem>>
        %dma_wait3A_496 = arith.constant 0 : i32
        %dma_wait3A_497 = arith.constant 0 : i32
        %dma_wait3A_498 = tpu.memref_slice %arg3[%dma_wait3A_496, %dma_wait3A_497] : memref<1000000x64xf32, #tpu.memory_space<hbm>> -> memref<1000000x64xf32, #tpu.memory_space<hbm>>
        tpu.wait_indirect_dma semaphore(%arg10 : memref<!tpu.dma_semaphore, #tpu.memory_space<semaphore_mem>>) src(%dma_wait3A_498 : memref<1000000x64xf32, #tpu.memory_space<hbm>>) dst(%arg6 : memref<128x64xf32, #tpu.memory_space<vmem>>)
        %parallel_loop3A = arith.constant 0 : i32
        %parallel_loop3A_499 = arith.constant 128 : i32
        %parallel_loop3A_500 = arith.constant 1 : i32
        scf.for %parallel_loop3A_661 = %parallel_loop3A to %parallel_loop3A_499 step %parallel_loop3A_500  : i32 {
          %parallel_loop3A_662 = arith.constant 0 : i32
          %parallel_loop3A_663 = vector.broadcast %parallel_loop3A_662 : i32 to vector<16xi32>
          %parallel_loop3A_664 = vector.broadcast %parallel_loop3A_661 : i32 to vector<16xi32>
          %parallel_loop3A_665 = arith.addi %parallel_loop3A_663, %parallel_loop3A_664 : vector<16xi32>
          %parallel_loop3A_666 = arith.index_cast %parallel_loop3A_661 : i32 to index
          %parallel_loop3A_667 = arith.constant 0 : index
          %parallel_loop3A_668 = tpu.vector_load %arg6[%parallel_loop3A_666, %parallel_loop3A_667] {strides = array<i32>} : memref<128x64xf32, #tpu.memory_space<vmem>>, vector<16xf32>,
          %parallel_loop3A_669 = arith.constant 8.000000e+00 : f32
          %parallel_loop3A_670 = vector.broadcast %parallel_loop3A_669 : f32 to vector<16xf32>
          %parallel_loop3A_671 = arith.mulf %parallel_loop3A_668, %parallel_loop3A_670 : vector<16xf32>
          tpu.vector_store_idx %arg8[%add3A_7, %parallel_loop3A_665], %parallel_loop3A_671 : memref<64x129xf32, #tpu.memory_space<vmem>>[vector<16xi32>, vector<16xi32>], vector<16xf32>,
          %parallel_loop3A_672 = arith.index_cast %parallel_loop3A_661 : i32 to index
          %parallel_loop3A_673 = arith.constant 16 : index
          %parallel_loop3A_674 = tpu.vector_load %arg6[%parallel_loop3A_672, %parallel_loop3A_673] {strides = array<i32>} : memref<128x64xf32, #tpu.memory_space<vmem>>, vector<16xf32>,
          %parallel_loop3A_675 = arith.constant 8.000000e+00 : f32
          %parallel_loop3A_676 = vector.broadcast %parallel_loop3A_675 : f32 to vector<16xf32>
          %parallel_loop3A_677 = arith.mulf %parallel_loop3A_674, %parallel_loop3A_676 : vector<16xf32>
          tpu.vector_store_idx %arg8[%add3A_10, %parallel_loop3A_665], %parallel_loop3A_677 : memref<64x129xf32, #tpu.memory_space<vmem>>[vector<16xi32>, vector<16xi32>], vector<16xf32>,
          %parallel_loop3A_678 = arith.index_cast %parallel_loop3A_661 : i32 to index
          %parallel_loop3A_679 = arith.constant 32 : index
          %parallel_loop3A_680 = tpu.vector_load %arg6[%parallel_loop3A_678, %parallel_loop3A_679] {strides = array<i32>} : memref<128x64xf32, #tpu.memory_space<vmem>>, vector<16xf32>,
          %parallel_loop3A_681 = arith.constant 8.000000e+00 : f32
          %parallel_loop3A_682 = vector.broadcast %parallel_loop3A_681 : f32 to vector<16xf32>
          %parallel_loop3A_683 = arith.mulf %parallel_loop3A_680, %parallel_loop3A_682 : vector<16xf32>
          tpu.vector_store_idx %arg8[%add3A_13, %parallel_loop3A_665], %parallel_loop3A_683 : memref<64x129xf32, #tpu.memory_space<vmem>>[vector<16xi32>, vector<16xi32>], vector<16xf32>,
          %parallel_loop3A_684 = arith.index_cast %parallel_loop3A_661 : i32 to index
          %parallel_loop3A_685 = arith.constant 48 : index
          %parallel_loop3A_686 = tpu.vector_load %arg6[%parallel_loop3A_684, %parallel_loop3A_685] {strides = array<i32>} : memref<128x64xf32, #tpu.memory_space<vmem>>, vector<16xf32>,
          %parallel_loop3A_687 = arith.constant 8.000000e+00 : f32
          %parallel_loop3A_688 = vector.broadcast %parallel_loop3A_687 : f32 to vector<16xf32>
          %parallel_loop3A_689 = arith.mulf %parallel_loop3A_686, %parallel_loop3A_688 : vector<16xf32>
          tpu.vector_store_idx %arg8[%add3A_16, %parallel_loop3A_665], %parallel_loop3A_689 : memref<64x129xf32, #tpu.memory_space<vmem>>[vector<16xi32>, vector<16xi32>], vector<16xf32>,
        } {sc.loop_unroll_factor = 8 : i64, sc.parallel_access}
        %jit3A_501 = arith.constant 4 : i32
        %div3A_502 = arith.divsi %scan3A_478, %jit3A_501 : i32
        %sign3A_503 = arith.constant 0 : i32
        %sign3A_504 = arith.cmpi sgt, %scan3A_478, %sign3A_503 : i32
        %sign3A_505 = arith.extui %sign3A_504 : i1 to i32
        %sign3A_506 = arith.constant 0 : i32
        %sign3A_507 = arith.cmpi slt, %scan3A_478, %sign3A_506 : i32
        %sign3A_508 = arith.extui %sign3A_507 : i1 to i32
        %sign3A_509 = arith.subi %sign3A_505, %sign3A_508 : i32
        %sign3A_510 = arith.constant 0 : i32
        %sign3A_511 = arith.cmpi sgt, %jit3A_501, %sign3A_510 : i32
        %sign3A_512 = arith.extui %sign3A_511 : i1 to i32
        %sign3A_513 = arith.constant 0 : i32
        %sign3A_514 = arith.cmpi slt, %jit3A_501, %sign3A_513 : i32
        %sign3A_515 = arith.extui %sign3A_514 : i1 to i32
        %sign3A_516 = arith.subi %sign3A_512, %sign3A_515 : i32
        %ne3A_517 = arith.cmpi ne, %sign3A_509, %sign3A_516 : i32
        %rem3A_518 = arith.remsi %scan3A_478, %jit3A_501 : i32
        %ne3A_519 = arith.constant 0 : i32
        %ne3A_520 = arith.cmpi ne, %rem3A_518, %ne3A_519 : i32
        %and3A_521 = arith.andi %ne3A_517, %ne3A_520 : i1
        %sub3A_522 = arith.constant 1 : i32
        %sub3A_523 = arith.subi %div3A_502, %sub3A_522 : i32
        %select_n3A_524 = arith.select %and3A_521, %sub3A_523, %div3A_502 : i32
        %rem3A_525 = arith.constant 4 : i32
        %rem3A_526 = arith.remsi %scan3A_478, %rem3A_525 : i32
        %add3A_527 = arith.addi %mul3A_4, %rem3A_526 : i32
        %dma_start3A_528 = arith.constant 0 : i32
        %dma_start3A_529 = arith.constant 0 : i32
        %dma_start3A_530 = arith.constant 0 : i32
        %dma_start3A_531 = tpu.memref_slice %arg8[%dma_start3A_529, %dma_start3A_530] : memref<64x129xf32, #tpu.memory_space<vmem>> -> memref<8x128xf32, #tpu.memory_space<vmem>>
        %dma_start3A_532 = arith.constant 0 : i32
        %dma_start3A_533 = arith.constant 0 : i32
        %dma_start3A_534 = tpu.memref_slice %arg4[%select_n3A_524, %dma_start3A_528, %add3A_527, %dma_start3A_532, %dma_start3A_533] : memref<50x8x128x8x128xf32, #tpu.memory_space<hbm>> -> memref<1x1x1x8x128xf32, #tpu.memory_space<hbm>>
        %dma_start3A_535 = tpu.memref_squeeze %dma_start3A_534 : memref<1x1x1x8x128xf32, #tpu.memory_space<hbm>> -> memref<8x128xf32, #tpu.memory_space<hbm>>
        %dma_start3A_536 = arith.constant 0 : i32
        %dma_start3A_537 = arith.constant 0 : i32
        %dma_start3A_538 = tpu.memref_slice %arg4[%select_n3A_524, %dma_start3A_528, %add3A_527, %dma_start3A_536, %dma_start3A_537] : memref<50x8x128x8x128xf32, #tpu.memory_space<hbm>> -> memref<1x1x1x8x128xf32, #tpu.memory_space<hbm>>
        %dma_start3A_539 = tpu.memref_squeeze %dma_start3A_538 : memref<1x1x1x8x128xf32, #tpu.memory_space<hbm>> -> memref<8x128xf32, #tpu.memory_space<hbm>>
        %dma_start3A_540 = arith.constant 0 : i32
        %dma_start3A_541 = arith.constant 0 : i32
        %dma_start3A_542 = tpu.memref_slice %arg8[%dma_start3A_540, %dma_start3A_541] : memref<64x129xf32, #tpu.memory_space<vmem>> -> memref<8x128xf32, #tpu.memory_space<vmem>>
        tpu.enqueue_dma source(%dma_start3A_542 : memref<8x128xf32, #tpu.memory_space<vmem>>) target(%dma_start3A_539 : memref<8x128xf32, #tpu.memory_space<hbm>>) target_semaphore(%arg12 : memref<!tpu.dma_semaphore, #tpu.memory_space<semaphore_mem>>)
        %add3A_543 = arith.addi %mul3A_4, %rem3A_526 : i32
        %dma_start3A_544 = arith.constant 1 : i32
        %dma_start3A_545 = arith.constant 8 : i32
        %dma_start3A_546 = arith.constant 0 : i32
        %dma_start3A_547 = tpu.memref_slice %arg8[%dma_start3A_545, %dma_start3A_546] : memref<64x129xf32, #tpu.memory_space<vmem>> -> memref<8x128xf32, #tpu.memory_space<vmem>>
        %dma_start3A_548 = arith.constant 0 : i32
        %dma_start3A_549 = arith.constant 0 : i32
        %dma_start3A_550 = tpu.memref_slice %arg4[%select_n3A_524, %dma_start3A_544, %add3A_543, %dma_start3A_548, %dma_start3A_549] : memref<50x8x128x8x128xf32, #tpu.memory_space<hbm>> -> memref<1x1x1x8x128xf32, #tpu.memory_space<hbm>>
        %dma_start3A_551 = tpu.memref_squeeze %dma_start3A_550 : memref<1x1x1x8x128xf32, #tpu.memory_space<hbm>> -> memref<8x128xf32, #tpu.memory_space<hbm>>
        %dma_start3A_552 = arith.constant 0 : i32
        %dma_start3A_553 = arith.constant 0 : i32
        %dma_start3A_554 = tpu.memref_slice %arg4[%select_n3A_524, %dma_start3A_544, %add3A_543, %dma_start3A_552, %dma_start3A_553] : memref<50x8x128x8x128xf32, #tpu.memory_space<hbm>> -> memref<1x1x1x8x128xf32, #tpu.memory_space<hbm>>
        %dma_start3A_555 = tpu.memref_squeeze %dma_start3A_554 : memref<1x1x1x8x128xf32, #tpu.memory_space<hbm>> -> memref<8x128xf32, #tpu.memory_space<hbm>>
        %dma_start3A_556 = arith.constant 8 : i32
        %dma_start3A_557 = arith.constant 0 : i32
        %dma_start3A_558 = tpu.memref_slice %arg8[%dma_start3A_556, %dma_start3A_557] : memref<64x129xf32, #tpu.memory_space<vmem>> -> memref<8x128xf32, #tpu.memory_space<vmem>>
        tpu.enqueue_dma source(%dma_start3A_558 : memref<8x128xf32, #tpu.memory_space<vmem>>) target(%dma_start3A_555 : memref<8x128xf32, #tpu.memory_space<hbm>>) target_semaphore(%arg12 : memref<!tpu.dma_semaphore, #tpu.memory_space<semaphore_mem>>)
        %add3A_559 = arith.addi %mul3A_4, %rem3A_526 : i32
        %dma_start3A_560 = arith.constant 2 : i32
        %dma_start3A_561 = arith.constant 16 : i32
        %dma_start3A_562 = arith.constant 0 : i32
        %dma_start3A_563 = tpu.memref_slice %arg8[%dma_start3A_561, %dma_start3A_562] : memref<64x129xf32, #tpu.memory_space<vmem>> -> memref<8x128xf32, #tpu.memory_space<vmem>>
        %dma_start3A_564 = arith.constant 0 : i32
        %dma_start3A_565 = arith.constant 0 : i32
        %dma_start3A_566 = tpu.memref_slice %arg4[%select_n3A_524, %dma_start3A_560, %add3A_559, %dma_start3A_564, %dma_start3A_565] : memref<50x8x128x8x128xf32, #tpu.memory_space<hbm>> -> memref<1x1x1x8x128xf32, #tpu.memory_space<hbm>>
        %dma_start3A_567 = tpu.memref_squeeze %dma_start3A_566 : memref<1x1x1x8x128xf32, #tpu.memory_space<hbm>> -> memref<8x128xf32, #tpu.memory_space<hbm>>
        %dma_start3A_568 = arith.constant 0 : i32
        %dma_start3A_569 = arith.constant 0 : i32
        %dma_start3A_570 = tpu.memref_slice %arg4[%select_n3A_524, %dma_start3A_560, %add3A_559, %dma_start3A_568, %dma_start3A_569] : memref<50x8x128x8x128xf32, #tpu.memory_space<hbm>> -> memref<1x1x1x8x128xf32, #tpu.memory_space<hbm>>
        %dma_start3A_571 = tpu.memref_squeeze %dma_start3A_570 : memref<1x1x1x8x128xf32, #tpu.memory_space<hbm>> -> memref<8x128xf32, #tpu.memory_space<hbm>>
        %dma_start3A_572 = arith.constant 16 : i32
        %dma_start3A_573 = arith.constant 0 : i32
        %dma_start3A_574 = tpu.memref_slice %arg8[%dma_start3A_572, %dma_start3A_573] : memref<64x129xf32, #tpu.memory_space<vmem>> -> memref<8x128xf32, #tpu.memory_space<vmem>>
        tpu.enqueue_dma source(%dma_start3A_574 : memref<8x128xf32, #tpu.memory_space<vmem>>) target(%dma_start3A_571 : memref<8x128xf32, #tpu.memory_space<hbm>>) target_semaphore(%arg12 : memref<!tpu.dma_semaphore, #tpu.memory_space<semaphore_mem>>)
        %add3A_575 = arith.addi %mul3A_4, %rem3A_526 : i32
        %dma_start3A_576 = arith.constant 3 : i32
        %dma_start3A_577 = arith.constant 24 : i32
        %dma_start3A_578 = arith.constant 0 : i32
        %dma_start3A_579 = tpu.memref_slice %arg8[%dma_start3A_577, %dma_start3A_578] : memref<64x129xf32, #tpu.memory_space<vmem>> -> memref<8x128xf32, #tpu.memory_space<vmem>>
        %dma_start3A_580 = arith.constant 0 : i32
        %dma_start3A_581 = arith.constant 0 : i32
        %dma_start3A_582 = tpu.memref_slice %arg4[%select_n3A_524, %dma_start3A_576, %add3A_575, %dma_start3A_580, %dma_start3A_581] : memref<50x8x128x8x128xf32, #tpu.memory_space<hbm>> -> memref<1x1x1x8x128xf32, #tpu.memory_space<hbm>>
        %dma_start3A_583 = tpu.memref_squeeze %dma_start3A_582 : memref<1x1x1x8x128xf32, #tpu.memory_space<hbm>> -> memref<8x128xf32, #tpu.memory_space<hbm>>
        %dma_start3A_584 = arith.constant 0 : i32
        %dma_start3A_585 = arith.constant 0 : i32
        %dma_start3A_586 = tpu.memref_slice %arg4[%select_n3A_524, %dma_start3A_576, %add3A_575, %dma_start3A_584, %dma_start3A_585] : memref<50x8x128x8x128xf32, #tpu.memory_space<hbm>> -> memref<1x1x1x8x128xf32, #tpu.memory_space<hbm>>
        %dma_start3A_587 = tpu.memref_squeeze %dma_start3A_586 : memref<1x1x1x8x128xf32, #tpu.memory_space<hbm>> -> memref<8x128xf32, #tpu.memory_space<hbm>>
        %dma_start3A_588 = arith.constant 24 : i32
        %dma_start3A_589 = arith.constant 0 : i32
        %dma_start3A_590 = tpu.memref_slice %arg8[%dma_start3A_588, %dma_start3A_589] : memref<64x129xf32, #tpu.memory_space<vmem>> -> memref<8x128xf32, #tpu.memory_space<vmem>>
        tpu.enqueue_dma source(%dma_start3A_590 : memref<8x128xf32, #tpu.memory_space<vmem>>) target(%dma_start3A_587 : memref<8x128xf32, #tpu.memory_space<hbm>>) target_semaphore(%arg12 : memref<!tpu.dma_semaphore, #tpu.memory_space<semaphore_mem>>)
        %add3A_591 = arith.addi %mul3A_4, %rem3A_526 : i32
        %dma_start3A_592 = arith.constant 4 : i32
        %dma_start3A_593 = arith.constant 32 : i32
        %dma_start3A_594 = arith.constant 0 : i32
        %dma_start3A_595 = tpu.memref_slice %arg8[%dma_start3A_593, %dma_start3A_594] : memref<64x129xf32, #tpu.memory_space<vmem>> -> memref<8x128xf32, #tpu.memory_space<vmem>>
        %dma_start3A_596 = arith.constant 0 : i32
        %dma_start3A_597 = arith.constant 0 : i32
        %dma_start3A_598 = tpu.memref_slice %arg4[%select_n3A_524, %dma_start3A_592, %add3A_591, %dma_start3A_596, %dma_start3A_597] : memref<50x8x128x8x128xf32, #tpu.memory_space<hbm>> -> memref<1x1x1x8x128xf32, #tpu.memory_space<hbm>>
        %dma_start3A_599 = tpu.memref_squeeze %dma_start3A_598 : memref<1x1x1x8x128xf32, #tpu.memory_space<hbm>> -> memref<8x128xf32, #tpu.memory_space<hbm>>
        %dma_start3A_600 = arith.constant 0 : i32
        %dma_start3A_601 = arith.constant 0 : i32
        %dma_start3A_602 = tpu.memref_slice %arg4[%select_n3A_524, %dma_start3A_592, %add3A_591, %dma_start3A_600, %dma_start3A_601] : memref<50x8x128x8x128xf32, #tpu.memory_space<hbm>> -> memref<1x1x1x8x128xf32, #tpu.memory_space<hbm>>
        %dma_start3A_603 = tpu.memref_squeeze %dma_start3A_602 : memref<1x1x1x8x128xf32, #tpu.memory_space<hbm>> -> memref<8x128xf32, #tpu.memory_space<hbm>>
        %dma_start3A_604 = arith.constant 32 : i32
        %dma_start3A_605 = arith.constant 0 : i32
        %dma_start3A_606 = tpu.memref_slice %arg8[%dma_start3A_604, %dma_start3A_605] : memref<64x129xf32, #tpu.memory_space<vmem>> -> memref<8x128xf32, #tpu.memory_space<vmem>>
        tpu.enqueue_dma source(%dma_start3A_606 : memref<8x128xf32, #tpu.memory_space<vmem>>) target(%dma_start3A_603 : memref<8x128xf32, #tpu.memory_space<hbm>>) target_semaphore(%arg12 : memref<!tpu.dma_semaphore, #tpu.memory_space<semaphore_mem>>)
        %add3A_607 = arith.addi %mul3A_4, %rem3A_526 : i32
        %dma_start3A_608 = arith.constant 5 : i32
        %dma_start3A_609 = arith.constant 40 : i32
        %dma_start3A_610 = arith.constant 0 : i32
        %dma_start3A_611 = tpu.memref_slice %arg8[%dma_start3A_609, %dma_start3A_610] : memref<64x129xf32, #tpu.memory_space<vmem>> -> memref<8x128xf32, #tpu.memory_space<vmem>>
        %dma_start3A_612 = arith.constant 0 : i32
        %dma_start3A_613 = arith.constant 0 : i32
        %dma_start3A_614 = tpu.memref_slice %arg4[%select_n3A_524, %dma_start3A_608, %add3A_607, %dma_start3A_612, %dma_start3A_613] : memref<50x8x128x8x128xf32, #tpu.memory_space<hbm>> -> memref<1x1x1x8x128xf32, #tpu.memory_space<hbm>>
        %dma_start3A_615 = tpu.memref_squeeze %dma_start3A_614 : memref<1x1x1x8x128xf32, #tpu.memory_space<hbm>> -> memref<8x128xf32, #tpu.memory_space<hbm>>
        %dma_start3A_616 = arith.constant 0 : i32
        %dma_start3A_617 = arith.constant 0 : i32
        %dma_start3A_618 = tpu.memref_slice %arg4[%select_n3A_524, %dma_start3A_608, %add3A_607, %dma_start3A_616, %dma_start3A_617] : memref<50x8x128x8x128xf32, #tpu.memory_space<hbm>> -> memref<1x1x1x8x128xf32, #tpu.memory_space<hbm>>
        %dma_start3A_619 = tpu.memref_squeeze %dma_start3A_618 : memref<1x1x1x8x128xf32, #tpu.memory_space<hbm>> -> memref<8x128xf32, #tpu.memory_space<hbm>>
        %dma_start3A_620 = arith.constant 40 : i32
        %dma_start3A_621 = arith.constant 0 : i32
        %dma_start3A_622 = tpu.memref_slice %arg8[%dma_start3A_620, %dma_start3A_621] : memref<64x129xf32, #tpu.memory_space<vmem>> -> memref<8x128xf32, #tpu.memory_space<vmem>>
        tpu.enqueue_dma source(%dma_start3A_622 : memref<8x128xf32, #tpu.memory_space<vmem>>) target(%dma_start3A_619 : memref<8x128xf32, #tpu.memory_space<hbm>>) target_semaphore(%arg12 : memref<!tpu.dma_semaphore, #tpu.memory_space<semaphore_mem>>)
        %add3A_623 = arith.addi %mul3A_4, %rem3A_526 : i32
        %dma_start3A_624 = arith.constant 6 : i32
        %dma_start3A_625 = arith.constant 48 : i32
        %dma_start3A_626 = arith.constant 0 : i32
        %dma_start3A_627 = tpu.memref_slice %arg8[%dma_start3A_625, %dma_start3A_626] : memref<64x129xf32, #tpu.memory_space<vmem>> -> memref<8x128xf32, #tpu.memory_space<vmem>>
        %dma_start3A_628 = arith.constant 0 : i32
        %dma_start3A_629 = arith.constant 0 : i32
        %dma_start3A_630 = tpu.memref_slice %arg4[%select_n3A_524, %dma_start3A_624, %add3A_623, %dma_start3A_628, %dma_start3A_629] : memref<50x8x128x8x128xf32, #tpu.memory_space<hbm>> -> memref<1x1x1x8x128xf32, #tpu.memory_space<hbm>>
        %dma_start3A_631 = tpu.memref_squeeze %dma_start3A_630 : memref<1x1x1x8x128xf32, #tpu.memory_space<hbm>> -> memref<8x128xf32, #tpu.memory_space<hbm>>
        %dma_start3A_632 = arith.constant 0 : i32
        %dma_start3A_633 = arith.constant 0 : i32
        %dma_start3A_634 = tpu.memref_slice %arg4[%select_n3A_524, %dma_start3A_624, %add3A_623, %dma_start3A_632, %dma_start3A_633] : memref<50x8x128x8x128xf32, #tpu.memory_space<hbm>> -> memref<1x1x1x8x128xf32, #tpu.memory_space<hbm>>
        %dma_start3A_635 = tpu.memref_squeeze %dma_start3A_634 : memref<1x1x1x8x128xf32, #tpu.memory_space<hbm>> -> memref<8x128xf32, #tpu.memory_space<hbm>>
        %dma_start3A_636 = arith.constant 48 : i32
        %dma_start3A_637 = arith.constant 0 : i32
        %dma_start3A_638 = tpu.memref_slice %arg8[%dma_start3A_636, %dma_start3A_637] : memref<64x129xf32, #tpu.memory_space<vmem>> -> memref<8x128xf32, #tpu.memory_space<vmem>>
        tpu.enqueue_dma source(%dma_start3A_638 : memref<8x128xf32, #tpu.memory_space<vmem>>) target(%dma_start3A_635 : memref<8x128xf32, #tpu.memory_space<hbm>>) target_semaphore(%arg12 : memref<!tpu.dma_semaphore, #tpu.memory_space<semaphore_mem>>)
        %add3A_639 = arith.addi %mul3A_4, %rem3A_526 : i32
        %dma_start3A_640 = arith.constant 7 : i32
        %dma_start3A_641 = arith.constant 56 : i32
        %dma_start3A_642 = arith.constant 0 : i32
        %dma_start3A_643 = tpu.memref_slice %arg8[%dma_start3A_641, %dma_start3A_642] : memref<64x129xf32, #tpu.memory_space<vmem>> -> memref<8x128xf32, #tpu.memory_space<vmem>>
        %dma_start3A_644 = arith.constant 0 : i32
        %dma_start3A_645 = arith.constant 0 : i32
        %dma_start3A_646 = tpu.memref_slice %arg4[%select_n3A_524, %dma_start3A_640, %add3A_639, %dma_start3A_644, %dma_start3A_645] : memref<50x8x128x8x128xf32, #tpu.memory_space<hbm>> -> memref<1x1x1x8x128xf32, #tpu.memory_space<hbm>>
        %dma_start3A_647 = tpu.memref_squeeze %dma_start3A_646 : memref<1x1x1x8x128xf32, #tpu.memory_space<hbm>> -> memref<8x128xf32, #tpu.memory_space<hbm>>
        %dma_start3A_648 = arith.constant 0 : i32
        %dma_start3A_649 = arith.constant 0 : i32
        %dma_start3A_650 = tpu.memref_slice %arg4[%select_n3A_524, %dma_start3A_640, %add3A_639, %dma_start3A_648, %dma_start3A_649] : memref<50x8x128x8x128xf32, #tpu.memory_space<hbm>> -> memref<1x1x1x8x128xf32, #tpu.memory_space<hbm>>
        %dma_start3A_651 = tpu.memref_squeeze %dma_start3A_650 : memref<1x1x1x8x128xf32, #tpu.memory_space<hbm>> -> memref<8x128xf32, #tpu.memory_space<hbm>>
        %dma_start3A_652 = arith.constant 56 : i32
        %dma_start3A_653 = arith.constant 0 : i32
        %dma_start3A_654 = tpu.memref_slice %arg8[%dma_start3A_652, %dma_start3A_653] : memref<64x129xf32, #tpu.memory_space<vmem>> -> memref<8x128xf32, #tpu.memory_space<vmem>>
        tpu.enqueue_dma source(%dma_start3A_654 : memref<8x128xf32, #tpu.memory_space<vmem>>) target(%dma_start3A_651 : memref<8x128xf32, #tpu.memory_space<hbm>>) target_semaphore(%arg12 : memref<!tpu.dma_semaphore, #tpu.memory_space<semaphore_mem>>)
        %add3A_655 = arith.constant 2 : i32
        %add3A_656 = arith.addi %scan3A_478, %add3A_655 : i32
        %lt3A = arith.constant 200 : i32
        %lt3A_657 = arith.cmpi slt, %add3A_656, %lt3A : i32
        %convert_element_type3A_658 = arith.extui %lt3A_657 : i1 to i32
        %cond3A_659 = arith.constant 0 : i32
        %cond3A_660 = arith.cmpi ne, %convert_element_type3A_658, %cond3A_659 : i32
        scf.if %cond3A_660 {
          %add3A_661 = arith.constant 2 : i32
          %add3A_662 = arith.addi %scan3A_478, %add3A_661 : i32
          %jit3A_663 = arith.constant 4 : i32
          %div3A_664 = arith.divsi %add3A_662, %jit3A_663 : i32
          %sign3A_665 = arith.constant 0 : i32
          %sign3A_666 = arith.cmpi sgt, %add3A_662, %sign3A_665 : i32
          %sign3A_667 = arith.extui %sign3A_666 : i1 to i32
          %sign3A_668 = arith.constant 0 : i32
          %sign3A_669 = arith.cmpi slt, %add3A_662, %sign3A_668 : i32
          %sign3A_670 = arith.extui %sign3A_669 : i1 to i32
          %sign3A_671 = arith.subi %sign3A_667, %sign3A_670 : i32
          %sign3A_672 = arith.constant 0 : i32
          %sign3A_673 = arith.cmpi sgt, %jit3A_663, %sign3A_672 : i32
          %sign3A_674 = arith.extui %sign3A_673 : i1 to i32
          %sign3A_675 = arith.constant 0 : i32
          %sign3A_676 = arith.cmpi slt, %jit3A_663, %sign3A_675 : i32
          %sign3A_677 = arith.extui %sign3A_676 : i1 to i32
          %sign3A_678 = arith.subi %sign3A_674, %sign3A_677 : i32
          %ne3A_679 = arith.cmpi ne, %sign3A_671, %sign3A_678 : i32
          %rem3A_680 = arith.remsi %add3A_662, %jit3A_663 : i32
          %ne3A_681 = arith.constant 0 : i32
          %ne3A_682 = arith.cmpi ne, %rem3A_680, %ne3A_681 : i32
          %and3A_683 = arith.andi %ne3A_679, %ne3A_682 : i1
          %sub3A_684 = arith.constant 1 : i32
          %sub3A_685 = arith.subi %div3A_664, %sub3A_684 : i32
          %select_n3A_686 = arith.select %and3A_683, %sub3A_685, %div3A_664 : i32
          %rem3A_687 = arith.constant 4 : i32
          %rem3A_688 = arith.remsi %add3A_662, %rem3A_687 : i32
          %mul3A_689 = arith.constant 128 : i32
          %mul3A_690 = arith.muli %rem3A_688, %mul3A_689 : i32
          %dma_start3A_691 = tpu.memref_slice %arg5[%select_n3A_686, %mul3A_690] : memref<50x512xi32, #tpu.memory_space<vmem>> -> memref<1x128xi32, #tpu.memory_space<vmem>>
          %dma_start3A_692 = tpu.memref_squeeze %dma_start3A_691 : memref<1x128xi32, #tpu.memory_space<vmem>> -> memref<128xi32, #tpu.memory_space<vmem>>
          %dma_start3A_693 = arith.constant 0 : i32
          %dma_start3A_694 = arith.constant 0 : i32
          %dma_start3A_695 = tpu.memref_slice %arg3[%dma_start3A_693, %dma_start3A_694] : memref<1000000x64xf32, #tpu.memory_space<hbm>> -> memref<1000000x64xf32, #tpu.memory_space<hbm>>
          tpu.enqueue_indirect_dma source(%dma_start3A_695 : memref<1000000x64xf32, #tpu.memory_space<hbm>>) target(%arg6 : memref<128x64xf32, #tpu.memory_space<vmem>>) offsets(%dma_start3A_692 : memref<128xi32, #tpu.memory_space<vmem>>) semaphore(%arg10 : memref<!tpu.dma_semaphore, #tpu.memory_space<semaphore_mem>>)
        } else {
        }
      } else {
      }
      %eq3A_483 = arith.constant 1 : i32
      %eq3A_484 = arith.cmpi eq, %rem3A_480, %eq3A_483 : i32
      %convert_element_type3A_485 = arith.extui %eq3A_484 : i1 to i32
      %cond3A_486 = arith.constant 0 : i32
      %cond3A_487 = arith.cmpi ne, %convert_element_type3A_485, %cond3A_486 : i32
      scf.if %cond3A_487 {
        %ge3A = arith.constant 2 : i32
        %ge3A_488 = arith.cmpi sge, %scan3A_478, %ge3A : i32
        %convert_element_type3A_489 = arith.extui %ge3A_488 : i1 to i32
        %cond3A_490 = arith.constant 0 : i32
        %cond3A_491 = arith.cmpi ne, %convert_element_type3A_489, %cond3A_490 : i32
        scf.if %cond3A_491 {
          %dma_wait3A_661 = arith.constant 0 : i32
          %dma_wait3A_662 = arith.constant 0 : i32
          %dma_wait3A_663 = arith.constant 0 : i32
          %dma_wait3A_664 = arith.constant 0 : i32
          %dma_wait3A_665 = arith.constant 0 : i32
          %dma_wait3A_666 = tpu.memref_slice %arg9[%dma_wait3A_664, %dma_wait3A_665] : memref<64x129xf32, #tpu.memory_space<vmem>> -> memref<8x128xf32, #tpu.memory_space<vmem>>
          %dma_wait3A_667 = arith.constant 0 : i32
          %dma_wait3A_668 = arith.constant 0 : i32
          %dma_wait3A_669 = tpu.memref_slice %arg4[%dma_wait3A_661, %dma_wait3A_662, %dma_wait3A_663, %dma_wait3A_667, %dma_wait3A_668] : memref<50x8x128x8x128xf32, #tpu.memory_space<hbm>> -> memref<1x1x1x8x128xf32, #tpu.memory_space<hbm>>
          %dma_wait3A_670 = tpu.memref_squeeze %dma_wait3A_669 : memref<1x1x1x8x128xf32, #tpu.memory_space<hbm>> -> memref<8x128xf32, #tpu.memory_space<hbm>>
          %dma_wait3A_671 = arith.constant 0 : i32
          %dma_wait3A_672 = arith.constant 0 : i32
          %dma_wait3A_673 = tpu.memref_slice %arg4[%dma_wait3A_661, %dma_wait3A_662, %dma_wait3A_663, %dma_wait3A_671, %dma_wait3A_672] : memref<50x8x128x8x128xf32, #tpu.memory_space<hbm>> -> memref<1x1x1x8x128xf32, #tpu.memory_space<hbm>>
          %dma_wait3A_674 = tpu.memref_squeeze %dma_wait3A_673 : memref<1x1x1x8x128xf32, #tpu.memory_space<hbm>> -> memref<8x128xf32, #tpu.memory_space<hbm>>
          %dma_wait3A_675 = arith.constant 0 : i32
          %dma_wait3A_676 = arith.constant 0 : i32
          %dma_wait3A_677 = tpu.memref_slice %arg9[%dma_wait3A_675, %dma_wait3A_676] : memref<64x129xf32, #tpu.memory_space<vmem>> -> memref<8x128xf32, #tpu.memory_space<vmem>>
          tpu.wait_dma2 semaphore(%arg13 : memref<!tpu.dma_semaphore, #tpu.memory_space<semaphore_mem>>) src(%dma_wait3A_677 : memref<8x128xf32, #tpu.memory_space<vmem>>) dst(%dma_wait3A_674 : memref<8x128xf32, #tpu.memory_space<hbm>>)
          %dma_wait3A_678 = arith.constant 0 : i32
          %dma_wait3A_679 = arith.constant 0 : i32
          %dma_wait3A_680 = arith.constant 0 : i32
          %dma_wait3A_681 = arith.constant 0 : i32
          %dma_wait3A_682 = arith.constant 0 : i32
          %dma_wait3A_683 = tpu.memref_slice %arg9[%dma_wait3A_681, %dma_wait3A_682] : memref<64x129xf32, #tpu.memory_space<vmem>> -> memref<8x128xf32, #tpu.memory_space<vmem>>
          %dma_wait3A_684 = arith.constant 0 : i32
          %dma_wait3A_685 = arith.constant 0 : i32
          %dma_wait3A_686 = tpu.memref_slice %arg4[%dma_wait3A_678, %dma_wait3A_679, %dma_wait3A_680, %dma_wait3A_684, %dma_wait3A_685] : memref<50x8x128x8x128xf32, #tpu.memory_space<hbm>> -> memref<1x1x1x8x128xf32, #tpu.memory_space<hbm>>
          %dma_wait3A_687 = tpu.memref_squeeze %dma_wait3A_686 : memref<1x1x1x8x128xf32, #tpu.memory_space<hbm>> -> memref<8x128xf32, #tpu.memory_space<hbm>>
          %dma_wait3A_688 = arith.constant 0 : i32
          %dma_wait3A_689 = arith.constant 0 : i32
          %dma_wait3A_690 = tpu.memref_slice %arg4[%dma_wait3A_678, %dma_wait3A_679, %dma_wait3A_680, %dma_wait3A_688, %dma_wait3A_689] : memref<50x8x128x8x128xf32, #tpu.memory_space<hbm>> -> memref<1x1x1x8x128xf32, #tpu.memory_space<hbm>>
          %dma_wait3A_691 = tpu.memref_squeeze %dma_wait3A_690 : memref<1x1x1x8x128xf32, #tpu.memory_space<hbm>> -> memref<8x128xf32, #tpu.memory_space<hbm>>
          %dma_wait3A_692 = arith.constant 0 : i32
          %dma_wait3A_693 = arith.constant 0 : i32
          %dma_wait3A_694 = tpu.memref_slice %arg9[%dma_wait3A_692, %dma_wait3A_693] : memref<64x129xf32, #tpu.memory_space<vmem>> -> memref<8x128xf32, #tpu.memory_space<vmem>>
          tpu.wait_dma2 semaphore(%arg13 : memref<!tpu.dma_semaphore, #tpu.memory_space<semaphore_mem>>) src(%dma_wait3A_694 : memref<8x128xf32, #tpu.memory_space<vmem>>) dst(%dma_wait3A_691 : memref<8x128xf32, #tpu.memory_space<hbm>>)
          %dma_wait3A_695 = arith.constant 0 : i32
          %dma_wait3A_696 = arith.constant 0 : i32
          %dma_wait3A_697 = arith.constant 0 : i32
          %dma_wait3A_698 = arith.constant 0 : i32
          %dma_wait3A_699 = arith.constant 0 : i32
          %dma_wait3A_700 = tpu.memref_slice %arg9[%dma_wait3A_698, %dma_wait3A_699] : memref<64x129xf32, #tpu.memory_space<vmem>> -> memref<8x128xf32, #tpu.memory_space<vmem>>
          %dma_wait3A_701 = arith.constant 0 : i32
          %dma_wait3A_702 = arith.constant 0 : i32
          %dma_wait3A_703 = tpu.memref_slice %arg4[%dma_wait3A_695, %dma_wait3A_696, %dma_wait3A_697, %dma_wait3A_701, %dma_wait3A_702] : memref<50x8x128x8x128xf32, #tpu.memory_space<hbm>> -> memref<1x1x1x8x128xf32, #tpu.memory_space<hbm>>
          %dma_wait3A_704 = tpu.memref_squeeze %dma_wait3A_703 : memref<1x1x1x8x128xf32, #tpu.memory_space<hbm>> -> memref<8x128xf32, #tpu.memory_space<hbm>>
          %dma_wait3A_705 = arith.constant 0 : i32
          %dma_wait3A_706 = arith.constant 0 : i32
          %dma_wait3A_707 = tpu.memref_slice %arg4[%dma_wait3A_695, %dma_wait3A_696, %dma_wait3A_697, %dma_wait3A_705, %dma_wait3A_706] : memref<50x8x128x8x128xf32, #tpu.memory_space<hbm>> -> memref<1x1x1x8x128xf32, #tpu.memory_space<hbm>>
          %dma_wait3A_708 = tpu.memref_squeeze %dma_wait3A_707 : memref<1x1x1x8x128xf32, #tpu.memory_space<hbm>> -> memref<8x128xf32, #tpu.memory_space<hbm>>
          %dma_wait3A_709 = arith.constant 0 : i32
          %dma_wait3A_710 = arith.constant 0 : i32
          %dma_wait3A_711 = tpu.memref_slice %arg9[%dma_wait3A_709, %dma_wait3A_710] : memref<64x129xf32, #tpu.memory_space<vmem>> -> memref<8x128xf32, #tpu.memory_space<vmem>>
          tpu.wait_dma2 semaphore(%arg13 : memref<!tpu.dma_semaphore, #tpu.memory_space<semaphore_mem>>) src(%dma_wait3A_711 : memref<8x128xf32, #tpu.memory_space<vmem>>) dst(%dma_wait3A_708 : memref<8x128xf32, #tpu.memory_space<hbm>>)
          %dma_wait3A_712 = arith.constant 0 : i32
          %dma_wait3A_713 = arith.constant 0 : i32
          %dma_wait3A_714 = arith.constant 0 : i32
          %dma_wait3A_715 = arith.constant 0 : i32
          %dma_wait3A_716 = arith.constant 0 : i32
          %dma_wait3A_717 = tpu.memref_slice %arg9[%dma_wait3A_715, %dma_wait3A_716] : memref<64x129xf32, #tpu.memory_space<vmem>> -> memref<8x128xf32, #tpu.memory_space<vmem>>
          %dma_wait3A_718 = arith.constant 0 : i32
          %dma_wait3A_719 = arith.constant 0 : i32
          %dma_wait3A_720 = tpu.memref_slice %arg4[%dma_wait3A_712, %dma_wait3A_713, %dma_wait3A_714, %dma_wait3A_718, %dma_wait3A_719] : memref<50x8x128x8x128xf32, #tpu.memory_space<hbm>> -> memref<1x1x1x8x128xf32, #tpu.memory_space<hbm>>
          %dma_wait3A_721 = tpu.memref_squeeze %dma_wait3A_720 : memref<1x1x1x8x128xf32, #tpu.memory_space<hbm>> -> memref<8x128xf32, #tpu.memory_space<hbm>>
          %dma_wait3A_722 = arith.constant 0 : i32
          %dma_wait3A_723 = arith.constant 0 : i32
          %dma_wait3A_724 = tpu.memref_slice %arg4[%dma_wait3A_712, %dma_wait3A_713, %dma_wait3A_714, %dma_wait3A_722, %dma_wait3A_723] : memref<50x8x128x8x128xf32, #tpu.memory_space<hbm>> -> memref<1x1x1x8x128xf32, #tpu.memory_space<hbm>>
          %dma_wait3A_725 = tpu.memref_squeeze %dma_wait3A_724 : memref<1x1x1x8x128xf32, #tpu.memory_space<hbm>> -> memref<8x128xf32, #tpu.memory_space<hbm>>
          %dma_wait3A_726 = arith.constant 0 : i32
          %dma_wait3A_727 = arith.constant 0 : i32
          %dma_wait3A_728 = tpu.memref_slice %arg9[%dma_wait3A_726, %dma_wait3A_727] : memref<64x129xf32, #tpu.memory_space<vmem>> -> memref<8x128xf32, #tpu.memory_space<vmem>>
          tpu.wait_dma2 semaphore(%arg13 : memref<!tpu.dma_semaphore, #tpu.memory_space<semaphore_mem>>) src(%dma_wait3A_728 : memref<8x128xf32, #tpu.memory_space<vmem>>) dst(%dma_wait3A_725 : memref<8x128xf32, #tpu.memory_space<hbm>>)
          %dma_wait3A_729 = arith.constant 0 : i32
          %dma_wait3A_730 = arith.constant 0 : i32
          %dma_wait3A_731 = arith.constant 0 : i32
          %dma_wait3A_732 = arith.constant 0 : i32
          %dma_wait3A_733 = arith.constant 0 : i32
          %dma_wait3A_734 = tpu.memref_slice %arg9[%dma_wait3A_732, %dma_wait3A_733] : memref<64x129xf32, #tpu.memory_space<vmem>> -> memref<8x128xf32, #tpu.memory_space<vmem>>
          %dma_wait3A_735 = arith.constant 0 : i32
          %dma_wait3A_736 = arith.constant 0 : i32
          %dma_wait3A_737 = tpu.memref_slice %arg4[%dma_wait3A_729, %dma_wait3A_730, %dma_wait3A_731, %dma_wait3A_735, %dma_wait3A_736] : memref<50x8x128x8x128xf32, #tpu.memory_space<hbm>> -> memref<1x1x1x8x128xf32, #tpu.memory_space<hbm>>
          %dma_wait3A_738 = tpu.memref_squeeze %dma_wait3A_737 : memref<1x1x1x8x128xf32, #tpu.memory_space<hbm>> -> memref<8x128xf32, #tpu.memory_space<hbm>>
          %dma_wait3A_739 = arith.constant 0 : i32
          %dma_wait3A_740 = arith.constant 0 : i32
          %dma_wait3A_741 = tpu.memref_slice %arg4[%dma_wait3A_729, %dma_wait3A_730, %dma_wait3A_731, %dma_wait3A_739, %dma_wait3A_740] : memref<50x8x128x8x128xf32, #tpu.memory_space<hbm>> -> memref<1x1x1x8x128xf32, #tpu.memory_space<hbm>>
          %dma_wait3A_742 = tpu.memref_squeeze %dma_wait3A_741 : memref<1x1x1x8x128xf32, #tpu.memory_space<hbm>> -> memref<8x128xf32, #tpu.memory_space<hbm>>
          %dma_wait3A_743 = arith.constant 0 : i32
          %dma_wait3A_744 = arith.constant 0 : i32
          %dma_wait3A_745 = tpu.memref_slice %arg9[%dma_wait3A_743, %dma_wait3A_744] : memref<64x129xf32, #tpu.memory_space<vmem>> -> memref<8x128xf32, #tpu.memory_space<vmem>>
          tpu.wait_dma2 semaphore(%arg13 : memref<!tpu.dma_semaphore, #tpu.memory_space<semaphore_mem>>) src(%dma_wait3A_745 : memref<8x128xf32, #tpu.memory_space<vmem>>) dst(%dma_wait3A_742 : memref<8x128xf32, #tpu.memory_space<hbm>>)
          %dma_wait3A_746 = arith.constant 0 : i32
          %dma_wait3A_747 = arith.constant 0 : i32
          %dma_wait3A_748 = arith.constant 0 : i32
          %dma_wait3A_749 = arith.constant 0 : i32
          %dma_wait3A_750 = arith.constant 0 : i32
          %dma_wait3A_751 = tpu.memref_slice %arg9[%dma_wait3A_749, %dma_wait3A_750] : memref<64x129xf32, #tpu.memory_space<vmem>> -> memref<8x128xf32, #tpu.memory_space<vmem>>
          %dma_wait3A_752 = arith.constant 0 : i32
          %dma_wait3A_753 = arith.constant 0 : i32
          %dma_wait3A_754 = tpu.memref_slice %arg4[%dma_wait3A_746, %dma_wait3A_747, %dma_wait3A_748, %dma_wait3A_752, %dma_wait3A_753] : memref<50x8x128x8x128xf32, #tpu.memory_space<hbm>> -> memref<1x1x1x8x128xf32, #tpu.memory_space<hbm>>
          %dma_wait3A_755 = tpu.memref_squeeze %dma_wait3A_754 : memref<1x1x1x8x128xf32, #tpu.memory_space<hbm>> -> memref<8x128xf32, #tpu.memory_space<hbm>>
          %dma_wait3A_756 = arith.constant 0 : i32
          %dma_wait3A_757 = arith.constant 0 : i32
          %dma_wait3A_758 = tpu.memref_slice %arg4[%dma_wait3A_746, %dma_wait3A_747, %dma_wait3A_748, %dma_wait3A_756, %dma_wait3A_757] : memref<50x8x128x8x128xf32, #tpu.memory_space<hbm>> -> memref<1x1x1x8x128xf32, #tpu.memory_space<hbm>>
          %dma_wait3A_759 = tpu.memref_squeeze %dma_wait3A_758 : memref<1x1x1x8x128xf32, #tpu.memory_space<hbm>> -> memref<8x128xf32, #tpu.memory_space<hbm>>
          %dma_wait3A_760 = arith.constant 0 : i32
          %dma_wait3A_761 = arith.constant 0 : i32
          %dma_wait3A_762 = tpu.memref_slice %arg9[%dma_wait3A_760, %dma_wait3A_761] : memref<64x129xf32, #tpu.memory_space<vmem>> -> memref<8x128xf32, #tpu.memory_space<vmem>>
          tpu.wait_dma2 semaphore(%arg13 : memref<!tpu.dma_semaphore, #tpu.memory_space<semaphore_mem>>) src(%dma_wait3A_762 : memref<8x128xf32, #tpu.memory_space<vmem>>) dst(%dma_wait3A_759 : memref<8x128xf32, #tpu.memory_space<hbm>>)
          %dma_wait3A_763 = arith.constant 0 : i32
          %dma_wait3A_764 = arith.constant 0 : i32
          %dma_wait3A_765 = arith.constant 0 : i32
          %dma_wait3A_766 = arith.constant 0 : i32
          %dma_wait3A_767 = arith.constant 0 : i32
          %dma_wait3A_768 = tpu.memref_slice %arg9[%dma_wait3A_766, %dma_wait3A_767] : memref<64x129xf32, #tpu.memory_space<vmem>> -> memref<8x128xf32, #tpu.memory_space<vmem>>
          %dma_wait3A_769 = arith.constant 0 : i32
          %dma_wait3A_770 = arith.constant 0 : i32
          %dma_wait3A_771 = tpu.memref_slice %arg4[%dma_wait3A_763, %dma_wait3A_764, %dma_wait3A_765, %dma_wait3A_769, %dma_wait3A_770] : memref<50x8x128x8x128xf32, #tpu.memory_space<hbm>> -> memref<1x1x1x8x128xf32, #tpu.memory_space<hbm>>
          %dma_wait3A_772 = tpu.memref_squeeze %dma_wait3A_771 : memref<1x1x1x8x128xf32, #tpu.memory_space<hbm>> -> memref<8x128xf32, #tpu.memory_space<hbm>>
          %dma_wait3A_773 = arith.constant 0 : i32
          %dma_wait3A_774 = arith.constant 0 : i32
          %dma_wait3A_775 = tpu.memref_slice %arg4[%dma_wait3A_763, %dma_wait3A_764, %dma_wait3A_765, %dma_wait3A_773, %dma_wait3A_774] : memref<50x8x128x8x128xf32, #tpu.memory_space<hbm>> -> memref<1x1x1x8x128xf32, #tpu.memory_space<hbm>>
          %dma_wait3A_776 = tpu.memref_squeeze %dma_wait3A_775 : memref<1x1x1x8x128xf32, #tpu.memory_space<hbm>> -> memref<8x128xf32, #tpu.memory_space<hbm>>
          %dma_wait3A_777 = arith.constant 0 : i32
          %dma_wait3A_778 = arith.constant 0 : i32
          %dma_wait3A_779 = tpu.memref_slice %arg9[%dma_wait3A_777, %dma_wait3A_778] : memref<64x129xf32, #tpu.memory_space<vmem>> -> memref<8x128xf32, #tpu.memory_space<vmem>>
          tpu.wait_dma2 semaphore(%arg13 : memref<!tpu.dma_semaphore, #tpu.memory_space<semaphore_mem>>) src(%dma_wait3A_779 : memref<8x128xf32, #tpu.memory_space<vmem>>) dst(%dma_wait3A_776 : memref<8x128xf32, #tpu.memory_space<hbm>>)
          %dma_wait3A_780 = arith.constant 0 : i32
          %dma_wait3A_781 = arith.constant 0 : i32
          %dma_wait3A_782 = arith.constant 0 : i32
          %dma_wait3A_783 = arith.constant 0 : i32
          %dma_wait3A_784 = arith.constant 0 : i32
          %dma_wait3A_785 = tpu.memref_slice %arg9[%dma_wait3A_783, %dma_wait3A_784] : memref<64x129xf32, #tpu.memory_space<vmem>> -> memref<8x128xf32, #tpu.memory_space<vmem>>
          %dma_wait3A_786 = arith.constant 0 : i32
          %dma_wait3A_787 = arith.constant 0 : i32
          %dma_wait3A_788 = tpu.memref_slice %arg4[%dma_wait3A_780, %dma_wait3A_781, %dma_wait3A_782, %dma_wait3A_786, %dma_wait3A_787] : memref<50x8x128x8x128xf32, #tpu.memory_space<hbm>> -> memref<1x1x1x8x128xf32, #tpu.memory_space<hbm>>
          %dma_wait3A_789 = tpu.memref_squeeze %dma_wait3A_788 : memref<1x1x1x8x128xf32, #tpu.memory_space<hbm>> -> memref<8x128xf32, #tpu.memory_space<hbm>>
          %dma_wait3A_790 = arith.constant 0 : i32
          %dma_wait3A_791 = arith.constant 0 : i32
          %dma_wait3A_792 = tpu.memref_slice %arg4[%dma_wait3A_780, %dma_wait3A_781, %dma_wait3A_782, %dma_wait3A_790, %dma_wait3A_791] : memref<50x8x128x8x128xf32, #tpu.memory_space<hbm>> -> memref<1x1x1x8x128xf32, #tpu.memory_space<hbm>>
          %dma_wait3A_793 = tpu.memref_squeeze %dma_wait3A_792 : memref<1x1x1x8x128xf32, #tpu.memory_space<hbm>> -> memref<8x128xf32, #tpu.memory_space<hbm>>
          %dma_wait3A_794 = arith.constant 0 : i32
          %dma_wait3A_795 = arith.constant 0 : i32
          %dma_wait3A_796 = tpu.memref_slice %arg9[%dma_wait3A_794, %dma_wait3A_795] : memref<64x129xf32, #tpu.memory_space<vmem>> -> memref<8x128xf32, #tpu.memory_space<vmem>>
          tpu.wait_dma2 semaphore(%arg13 : memref<!tpu.dma_semaphore, #tpu.memory_space<semaphore_mem>>) src(%dma_wait3A_796 : memref<8x128xf32, #tpu.memory_space<vmem>>) dst(%dma_wait3A_793 : memref<8x128xf32, #tpu.memory_space<hbm>>)
        } else {
        }
        %dma_wait3A_492 = arith.constant 0 : i32
        %dma_wait3A_493 = arith.constant 0 : i32
        %dma_wait3A_494 = tpu.memref_slice %arg5[%dma_wait3A_492, %dma_wait3A_493] : memref<50x512xi32, #tpu.memory_space<vmem>> -> memref<1x128xi32, #tpu.memory_space<vmem>>
        %dma_wait3A_495 = tpu.memref_squeeze %dma_wait3A_494 : memref<1x128xi32, #tpu.memory_space<vmem>> -> memref<128xi32, #tpu.memory_space<vmem>>
        %dma_wait3A_496 = arith.constant 0 : i32
        %dma_wait3A_497 = arith.constant 0 : i32
        %dma_wait3A_498 = tpu.memref_slice %arg3[%dma_wait3A_496, %dma_wait3A_497] : memref<1000000x64xf32, #tpu.memory_space<hbm>> -> memref<1000000x64xf32, #tpu.memory_space<hbm>>
        tpu.wait_indirect_dma semaphore(%arg11 : memref<!tpu.dma_semaphore, #tpu.memory_space<semaphore_mem>>) src(%dma_wait3A_498 : memref<1000000x64xf32, #tpu.memory_space<hbm>>) dst(%arg7 : memref<128x64xf32, #tpu.memory_space<vmem>>)
        %parallel_loop3A = arith.constant 0 : i32
        %parallel_loop3A_499 = arith.constant 128 : i32
        %parallel_loop3A_500 = arith.constant 1 : i32
        scf.for %parallel_loop3A_661 = %parallel_loop3A to %parallel_loop3A_499 step %parallel_loop3A_500  : i32 {
          %parallel_loop3A_662 = arith.constant 0 : i32
          %parallel_loop3A_663 = vector.broadcast %parallel_loop3A_662 : i32 to vector<16xi32>
          %parallel_loop3A_664 = vector.broadcast %parallel_loop3A_661 : i32 to vector<16xi32>
          %parallel_loop3A_665 = arith.addi %parallel_loop3A_663, %parallel_loop3A_664 : vector<16xi32>
          %parallel_loop3A_666 = arith.index_cast %parallel_loop3A_661 : i32 to index
          %parallel_loop3A_667 = arith.constant 0 : index
          %parallel_loop3A_668 = tpu.vector_load %arg7[%parallel_loop3A_666, %parallel_loop3A_667] {strides = array<i32>} : memref<128x64xf32, #tpu.memory_space<vmem>>, vector<16xf32>,
          %parallel_loop3A_669 = arith.constant 8.000000e+00 : f32
          %parallel_loop3A_670 = vector.broadcast %parallel_loop3A_669 : f32 to vector<16xf32>
          %parallel_loop3A_671 = arith.mulf %parallel_loop3A_668, %parallel_loop3A_670 : vector<16xf32>
          tpu.vector_store_idx %arg9[%add3A_7, %parallel_loop3A_665], %parallel_loop3A_671 : memref<64x129xf32, #tpu.memory_space<vmem>>[vector<16xi32>, vector<16xi32>], vector<16xf32>,
          %parallel_loop3A_672 = arith.index_cast %parallel_loop3A_661 : i32 to index
          %parallel_loop3A_673 = arith.constant 16 : index
          %parallel_loop3A_674 = tpu.vector_load %arg7[%parallel_loop3A_672, %parallel_loop3A_673] {strides = array<i32>} : memref<128x64xf32, #tpu.memory_space<vmem>>, vector<16xf32>,
          %parallel_loop3A_675 = arith.constant 8.000000e+00 : f32
          %parallel_loop3A_676 = vector.broadcast %parallel_loop3A_675 : f32 to vector<16xf32>
          %parallel_loop3A_677 = arith.mulf %parallel_loop3A_674, %parallel_loop3A_676 : vector<16xf32>
          tpu.vector_store_idx %arg9[%add3A_10, %parallel_loop3A_665], %parallel_loop3A_677 : memref<64x129xf32, #tpu.memory_space<vmem>>[vector<16xi32>, vector<16xi32>], vector<16xf32>,
          %parallel_loop3A_678 = arith.index_cast %parallel_loop3A_661 : i32 to index
          %parallel_loop3A_679 = arith.constant 32 : index
          %parallel_loop3A_680 = tpu.vector_load %arg7[%parallel_loop3A_678, %parallel_loop3A_679] {strides = array<i32>} : memref<128x64xf32, #tpu.memory_space<vmem>>, vector<16xf32>,
          %parallel_loop3A_681 = arith.constant 8.000000e+00 : f32
          %parallel_loop3A_682 = vector.broadcast %parallel_loop3A_681 : f32 to vector<16xf32>
          %parallel_loop3A_683 = arith.mulf %parallel_loop3A_680, %parallel_loop3A_682 : vector<16xf32>
          tpu.vector_store_idx %arg9[%add3A_13, %parallel_loop3A_665], %parallel_loop3A_683 : memref<64x129xf32, #tpu.memory_space<vmem>>[vector<16xi32>, vector<16xi32>], vector<16xf32>,
          %parallel_loop3A_684 = arith.index_cast %parallel_loop3A_661 : i32 to index
          %parallel_loop3A_685 = arith.constant 48 : index
          %parallel_loop3A_686 = tpu.vector_load %arg7[%parallel_loop3A_684, %parallel_loop3A_685] {strides = array<i32>} : memref<128x64xf32, #tpu.memory_space<vmem>>, vector<16xf32>,
          %parallel_loop3A_687 = arith.constant 8.000000e+00 : f32
          %parallel_loop3A_688 = vector.broadcast %parallel_loop3A_687 : f32 to vector<16xf32>
          %parallel_loop3A_689 = arith.mulf %parallel_loop3A_686, %parallel_loop3A_688 : vector<16xf32>
          tpu.vector_store_idx %arg9[%add3A_16, %parallel_loop3A_665], %parallel_loop3A_689 : memref<64x129xf32, #tpu.memory_space<vmem>>[vector<16xi32>, vector<16xi32>], vector<16xf32>,
        } {sc.loop_unroll_factor = 8 : i64, sc.parallel_access}
        %jit3A_501 = arith.constant 4 : i32
        %div3A_502 = arith.divsi %scan3A_478, %jit3A_501 : i32
        %sign3A_503 = arith.constant 0 : i32
        %sign3A_504 = arith.cmpi sgt, %scan3A_478, %sign3A_503 : i32
        %sign3A_505 = arith.extui %sign3A_504 : i1 to i32
        %sign3A_506 = arith.constant 0 : i32
        %sign3A_507 = arith.cmpi slt, %scan3A_478, %sign3A_506 : i32
        %sign3A_508 = arith.extui %sign3A_507 : i1 to i32
        %sign3A_509 = arith.subi %sign3A_505, %sign3A_508 : i32
        %sign3A_510 = arith.constant 0 : i32
        %sign3A_511 = arith.cmpi sgt, %jit3A_501, %sign3A_510 : i32
        %sign3A_512 = arith.extui %sign3A_511 : i1 to i32
        %sign3A_513 = arith.constant 0 : i32
        %sign3A_514 = arith.cmpi slt, %jit3A_501, %sign3A_513 : i32
        %sign3A_515 = arith.extui %sign3A_514 : i1 to i32
        %sign3A_516 = arith.subi %sign3A_512, %sign3A_515 : i32
        %ne3A_517 = arith.cmpi ne, %sign3A_509, %sign3A_516 : i32
        %rem3A_518 = arith.remsi %scan3A_478, %jit3A_501 : i32
        %ne3A_519 = arith.constant 0 : i32
        %ne3A_520 = arith.cmpi ne, %rem3A_518, %ne3A_519 : i32
        %and3A_521 = arith.andi %ne3A_517, %ne3A_520 : i1
        %sub3A_522 = arith.constant 1 : i32
        %sub3A_523 = arith.subi %div3A_502, %sub3A_522 : i32
        %select_n3A_524 = arith.select %and3A_521, %sub3A_523, %div3A_502 : i32
        %rem3A_525 = arith.constant 4 : i32
        %rem3A_526 = arith.remsi %scan3A_478, %rem3A_525 : i32
        %add3A_527 = arith.addi %mul3A_4, %rem3A_526 : i32
        %dma_start3A_528 = arith.constant 0 : i32
        %dma_start3A_529 = arith.constant 0 : i32
        %dma_start3A_530 = arith.constant 0 : i32
        %dma_start3A_531 = tpu.memref_slice %arg9[%dma_start3A_529, %dma_start3A_530] : memref<64x129xf32, #tpu.memory_space<vmem>> -> memref<8x128xf32, #tpu.memory_space<vmem>>
        %dma_start3A_532 = arith.constant 0 : i32
        %dma_start3A_533 = arith.constant 0 : i32
        %dma_start3A_534 = tpu.memref_slice %arg4[%select_n3A_524, %dma_start3A_528, %add3A_527, %dma_start3A_532, %dma_start3A_533] : memref<50x8x128x8x128xf32, #tpu.memory_space<hbm>> -> memref<1x1x1x8x128xf32, #tpu.memory_space<hbm>>
        %dma_start3A_535 = tpu.memref_squeeze %dma_start3A_534 : memref<1x1x1x8x128xf32, #tpu.memory_space<hbm>> -> memref<8x128xf32, #tpu.memory_space<hbm>>
        %dma_start3A_536 = arith.constant 0 : i32
        %dma_start3A_537 = arith.constant 0 : i32
        %dma_start3A_538 = tpu.memref_slice %arg4[%select_n3A_524, %dma_start3A_528, %add3A_527, %dma_start3A_536, %dma_start3A_537] : memref<50x8x128x8x128xf32, #tpu.memory_space<hbm>> -> memref<1x1x1x8x128xf32, #tpu.memory_space<hbm>>
        %dma_start3A_539 = tpu.memref_squeeze %dma_start3A_538 : memref<1x1x1x8x128xf32, #tpu.memory_space<hbm>> -> memref<8x128xf32, #tpu.memory_space<hbm>>
        %dma_start3A_540 = arith.constant 0 : i32
        %dma_start3A_541 = arith.constant 0 : i32
        %dma_start3A_542 = tpu.memref_slice %arg9[%dma_start3A_540, %dma_start3A_541] : memref<64x129xf32, #tpu.memory_space<vmem>> -> memref<8x128xf32, #tpu.memory_space<vmem>>
        tpu.enqueue_dma source(%dma_start3A_542 : memref<8x128xf32, #tpu.memory_space<vmem>>) target(%dma_start3A_539 : memref<8x128xf32, #tpu.memory_space<hbm>>) target_semaphore(%arg13 : memref<!tpu.dma_semaphore, #tpu.memory_space<semaphore_mem>>)
        %add3A_543 = arith.addi %mul3A_4, %rem3A_526 : i32
        %dma_start3A_544 = arith.constant 1 : i32
        %dma_start3A_545 = arith.constant 8 : i32
        %dma_start3A_546 = arith.constant 0 : i32
        %dma_start3A_547 = tpu.memref_slice %arg9[%dma_start3A_545, %dma_start3A_546] : memref<64x129xf32, #tpu.memory_space<vmem>> -> memref<8x128xf32, #tpu.memory_space<vmem>>
        %dma_start3A_548 = arith.constant 0 : i32
        %dma_start3A_549 = arith.constant 0 : i32
        %dma_start3A_550 = tpu.memref_slice %arg4[%select_n3A_524, %dma_start3A_544, %add3A_543, %dma_start3A_548, %dma_start3A_549] : memref<50x8x128x8x128xf32, #tpu.memory_space<hbm>> -> memref<1x1x1x8x128xf32, #tpu.memory_space<hbm>>
        %dma_start3A_551 = tpu.memref_squeeze %dma_start3A_550 : memref<1x1x1x8x128xf32, #tpu.memory_space<hbm>> -> memref<8x128xf32, #tpu.memory_space<hbm>>
        %dma_start3A_552 = arith.constant 0 : i32
        %dma_start3A_553 = arith.constant 0 : i32
        %dma_start3A_554 = tpu.memref_slice %arg4[%select_n3A_524, %dma_start3A_544, %add3A_543, %dma_start3A_552, %dma_start3A_553] : memref<50x8x128x8x128xf32, #tpu.memory_space<hbm>> -> memref<1x1x1x8x128xf32, #tpu.memory_space<hbm>>
        %dma_start3A_555 = tpu.memref_squeeze %dma_start3A_554 : memref<1x1x1x8x128xf32, #tpu.memory_space<hbm>> -> memref<8x128xf32, #tpu.memory_space<hbm>>
        %dma_start3A_556 = arith.constant 8 : i32
        %dma_start3A_557 = arith.constant 0 : i32
        %dma_start3A_558 = tpu.memref_slice %arg9[%dma_start3A_556, %dma_start3A_557] : memref<64x129xf32, #tpu.memory_space<vmem>> -> memref<8x128xf32, #tpu.memory_space<vmem>>
        tpu.enqueue_dma source(%dma_start3A_558 : memref<8x128xf32, #tpu.memory_space<vmem>>) target(%dma_start3A_555 : memref<8x128xf32, #tpu.memory_space<hbm>>) target_semaphore(%arg13 : memref<!tpu.dma_semaphore, #tpu.memory_space<semaphore_mem>>)
        %add3A_559 = arith.addi %mul3A_4, %rem3A_526 : i32
        %dma_start3A_560 = arith.constant 2 : i32
        %dma_start3A_561 = arith.constant 16 : i32
        %dma_start3A_562 = arith.constant 0 : i32
        %dma_start3A_563 = tpu.memref_slice %arg9[%dma_start3A_561, %dma_start3A_562] : memref<64x129xf32, #tpu.memory_space<vmem>> -> memref<8x128xf32, #tpu.memory_space<vmem>>
        %dma_start3A_564 = arith.constant 0 : i32
        %dma_start3A_565 = arith.constant 0 : i32
        %dma_start3A_566 = tpu.memref_slice %arg4[%select_n3A_524, %dma_start3A_560, %add3A_559, %dma_start3A_564, %dma_start3A_565] : memref<50x8x128x8x128xf32, #tpu.memory_space<hbm>> -> memref<1x1x1x8x128xf32, #tpu.memory_space<hbm>>
        %dma_start3A_567 = tpu.memref_squeeze %dma_start3A_566 : memref<1x1x1x8x128xf32, #tpu.memory_space<hbm>> -> memref<8x128xf32, #tpu.memory_space<hbm>>
        %dma_start3A_568 = arith.constant 0 : i32
        %dma_start3A_569 = arith.constant 0 : i32
        %dma_start3A_570 = tpu.memref_slice %arg4[%select_n3A_524, %dma_start3A_560, %add3A_559, %dma_start3A_568, %dma_start3A_569] : memref<50x8x128x8x128xf32, #tpu.memory_space<hbm>> -> memref<1x1x1x8x128xf32, #tpu.memory_space<hbm>>
        %dma_start3A_571 = tpu.memref_squeeze %dma_start3A_570 : memref<1x1x1x8x128xf32, #tpu.memory_space<hbm>> -> memref<8x128xf32, #tpu.memory_space<hbm>>
        %dma_start3A_572 = arith.constant 16 : i32
        %dma_start3A_573 = arith.constant 0 : i32
        %dma_start3A_574 = tpu.memref_slice %arg9[%dma_start3A_572, %dma_start3A_573] : memref<64x129xf32, #tpu.memory_space<vmem>> -> memref<8x128xf32, #tpu.memory_space<vmem>>
        tpu.enqueue_dma source(%dma_start3A_574 : memref<8x128xf32, #tpu.memory_space<vmem>>) target(%dma_start3A_571 : memref<8x128xf32, #tpu.memory_space<hbm>>) target_semaphore(%arg13 : memref<!tpu.dma_semaphore, #tpu.memory_space<semaphore_mem>>)
        %add3A_575 = arith.addi %mul3A_4, %rem3A_526 : i32
        %dma_start3A_576 = arith.constant 3 : i32
        %dma_start3A_577 = arith.constant 24 : i32
        %dma_start3A_578 = arith.constant 0 : i32
        %dma_start3A_579 = tpu.memref_slice %arg9[%dma_start3A_577, %dma_start3A_578] : memref<64x129xf32, #tpu.memory_space<vmem>> -> memref<8x128xf32, #tpu.memory_space<vmem>>
        %dma_start3A_580 = arith.constant 0 : i32
        %dma_start3A_581 = arith.constant 0 : i32
        %dma_start3A_582 = tpu.memref_slice %arg4[%select_n3A_524, %dma_start3A_576, %add3A_575, %dma_start3A_580, %dma_start3A_581] : memref<50x8x128x8x128xf32, #tpu.memory_space<hbm>> -> memref<1x1x1x8x128xf32, #tpu.memory_space<hbm>>
        %dma_start3A_583 = tpu.memref_squeeze %dma_start3A_582 : memref<1x1x1x8x128xf32, #tpu.memory_space<hbm>> -> memref<8x128xf32, #tpu.memory_space<hbm>>
        %dma_start3A_584 = arith.constant 0 : i32
        %dma_start3A_585 = arith.constant 0 : i32
        %dma_start3A_586 = tpu.memref_slice %arg4[%select_n3A_524, %dma_start3A_576, %add3A_575, %dma_start3A_584, %dma_start3A_585] : memref<50x8x128x8x128xf32, #tpu.memory_space<hbm>> -> memref<1x1x1x8x128xf32, #tpu.memory_space<hbm>>
        %dma_start3A_587 = tpu.memref_squeeze %dma_start3A_586 : memref<1x1x1x8x128xf32, #tpu.memory_space<hbm>> -> memref<8x128xf32, #tpu.memory_space<hbm>>
        %dma_start3A_588 = arith.constant 24 : i32
        %dma_start3A_589 = arith.constant 0 : i32
        %dma_start3A_590 = tpu.memref_slice %arg9[%dma_start3A_588, %dma_start3A_589] : memref<64x129xf32, #tpu.memory_space<vmem>> -> memref<8x128xf32, #tpu.memory_space<vmem>>
        tpu.enqueue_dma source(%dma_start3A_590 : memref<8x128xf32, #tpu.memory_space<vmem>>) target(%dma_start3A_587 : memref<8x128xf32, #tpu.memory_space<hbm>>) target_semaphore(%arg13 : memref<!tpu.dma_semaphore, #tpu.memory_space<semaphore_mem>>)
        %add3A_591 = arith.addi %mul3A_4, %rem3A_526 : i32
        %dma_start3A_592 = arith.constant 4 : i32
        %dma_start3A_593 = arith.constant 32 : i32
        %dma_start3A_594 = arith.constant 0 : i32
        %dma_start3A_595 = tpu.memref_slice %arg9[%dma_start3A_593, %dma_start3A_594] : memref<64x129xf32, #tpu.memory_space<vmem>> -> memref<8x128xf32, #tpu.memory_space<vmem>>
        %dma_start3A_596 = arith.constant 0 : i32
        %dma_start3A_597 = arith.constant 0 : i32
        %dma_start3A_598 = tpu.memref_slice %arg4[%select_n3A_524, %dma_start3A_592, %add3A_591, %dma_start3A_596, %dma_start3A_597] : memref<50x8x128x8x128xf32, #tpu.memory_space<hbm>> -> memref<1x1x1x8x128xf32, #tpu.memory_space<hbm>>
        %dma_start3A_599 = tpu.memref_squeeze %dma_start3A_598 : memref<1x1x1x8x128xf32, #tpu.memory_space<hbm>> -> memref<8x128xf32, #tpu.memory_space<hbm>>
        %dma_start3A_600 = arith.constant 0 : i32
        %dma_start3A_601 = arith.constant 0 : i32
        %dma_start3A_602 = tpu.memref_slice %arg4[%select_n3A_524, %dma_start3A_592, %add3A_591, %dma_start3A_600, %dma_start3A_601] : memref<50x8x128x8x128xf32, #tpu.memory_space<hbm>> -> memref<1x1x1x8x128xf32, #tpu.memory_space<hbm>>
        %dma_start3A_603 = tpu.memref_squeeze %dma_start3A_602 : memref<1x1x1x8x128xf32, #tpu.memory_space<hbm>> -> memref<8x128xf32, #tpu.memory_space<hbm>>
        %dma_start3A_604 = arith.constant 32 : i32
        %dma_start3A_605 = arith.constant 0 : i32
        %dma_start3A_606 = tpu.memref_slice %arg9[%dma_start3A_604, %dma_start3A_605] : memref<64x129xf32, #tpu.memory_space<vmem>> -> memref<8x128xf32, #tpu.memory_space<vmem>>
        tpu.enqueue_dma source(%dma_start3A_606 : memref<8x128xf32, #tpu.memory_space<vmem>>) target(%dma_start3A_603 : memref<8x128xf32, #tpu.memory_space<hbm>>) target_semaphore(%arg13 : memref<!tpu.dma_semaphore, #tpu.memory_space<semaphore_mem>>)
        %add3A_607 = arith.addi %mul3A_4, %rem3A_526 : i32
        %dma_start3A_608 = arith.constant 5 : i32
        %dma_start3A_609 = arith.constant 40 : i32
        %dma_start3A_610 = arith.constant 0 : i32
        %dma_start3A_611 = tpu.memref_slice %arg9[%dma_start3A_609, %dma_start3A_610] : memref<64x129xf32, #tpu.memory_space<vmem>> -> memref<8x128xf32, #tpu.memory_space<vmem>>
        %dma_start3A_612 = arith.constant 0 : i32
        %dma_start3A_613 = arith.constant 0 : i32
        %dma_start3A_614 = tpu.memref_slice %arg4[%select_n3A_524, %dma_start3A_608, %add3A_607, %dma_start3A_612, %dma_start3A_613] : memref<50x8x128x8x128xf32, #tpu.memory_space<hbm>> -> memref<1x1x1x8x128xf32, #tpu.memory_space<hbm>>
        %dma_start3A_615 = tpu.memref_squeeze %dma_start3A_614 : memref<1x1x1x8x128xf32, #tpu.memory_space<hbm>> -> memref<8x128xf32, #tpu.memory_space<hbm>>
        %dma_start3A_616 = arith.constant 0 : i32
        %dma_start3A_617 = arith.constant 0 : i32
        %dma_start3A_618 = tpu.memref_slice %arg4[%select_n3A_524, %dma_start3A_608, %add3A_607, %dma_start3A_616, %dma_start3A_617] : memref<50x8x128x8x128xf32, #tpu.memory_space<hbm>> -> memref<1x1x1x8x128xf32, #tpu.memory_space<hbm>>
        %dma_start3A_619 = tpu.memref_squeeze %dma_start3A_618 : memref<1x1x1x8x128xf32, #tpu.memory_space<hbm>> -> memref<8x128xf32, #tpu.memory_space<hbm>>
        %dma_start3A_620 = arith.constant 40 : i32
        %dma_start3A_621 = arith.constant 0 : i32
        %dma_start3A_622 = tpu.memref_slice %arg9[%dma_start3A_620, %dma_start3A_621] : memref<64x129xf32, #tpu.memory_space<vmem>> -> memref<8x128xf32, #tpu.memory_space<vmem>>
        tpu.enqueue_dma source(%dma_start3A_622 : memref<8x128xf32, #tpu.memory_space<vmem>>) target(%dma_start3A_619 : memref<8x128xf32, #tpu.memory_space<hbm>>) target_semaphore(%arg13 : memref<!tpu.dma_semaphore, #tpu.memory_space<semaphore_mem>>)
        %add3A_623 = arith.addi %mul3A_4, %rem3A_526 : i32
        %dma_start3A_624 = arith.constant 6 : i32
        %dma_start3A_625 = arith.constant 48 : i32
        %dma_start3A_626 = arith.constant 0 : i32
        %dma_start3A_627 = tpu.memref_slice %arg9[%dma_start3A_625, %dma_start3A_626] : memref<64x129xf32, #tpu.memory_space<vmem>> -> memref<8x128xf32, #tpu.memory_space<vmem>>
        %dma_start3A_628 = arith.constant 0 : i32
        %dma_start3A_629 = arith.constant 0 : i32
        %dma_start3A_630 = tpu.memref_slice %arg4[%select_n3A_524, %dma_start3A_624, %add3A_623, %dma_start3A_628, %dma_start3A_629] : memref<50x8x128x8x128xf32, #tpu.memory_space<hbm>> -> memref<1x1x1x8x128xf32, #tpu.memory_space<hbm>>
        %dma_start3A_631 = tpu.memref_squeeze %dma_start3A_630 : memref<1x1x1x8x128xf32, #tpu.memory_space<hbm>> -> memref<8x128xf32, #tpu.memory_space<hbm>>
        %dma_start3A_632 = arith.constant 0 : i32
        %dma_start3A_633 = arith.constant 0 : i32
        %dma_start3A_634 = tpu.memref_slice %arg4[%select_n3A_524, %dma_start3A_624, %add3A_623, %dma_start3A_632, %dma_start3A_633] : memref<50x8x128x8x128xf32, #tpu.memory_space<hbm>> -> memref<1x1x1x8x128xf32, #tpu.memory_space<hbm>>
        %dma_start3A_635 = tpu.memref_squeeze %dma_start3A_634 : memref<1x1x1x8x128xf32, #tpu.memory_space<hbm>> -> memref<8x128xf32, #tpu.memory_space<hbm>>
        %dma_start3A_636 = arith.constant 48 : i32
        %dma_start3A_637 = arith.constant 0 : i32
        %dma_start3A_638 = tpu.memref_slice %arg9[%dma_start3A_636, %dma_start3A_637] : memref<64x129xf32, #tpu.memory_space<vmem>> -> memref<8x128xf32, #tpu.memory_space<vmem>>
        tpu.enqueue_dma source(%dma_start3A_638 : memref<8x128xf32, #tpu.memory_space<vmem>>) target(%dma_start3A_635 : memref<8x128xf32, #tpu.memory_space<hbm>>) target_semaphore(%arg13 : memref<!tpu.dma_semaphore, #tpu.memory_space<semaphore_mem>>)
        %add3A_639 = arith.addi %mul3A_4, %rem3A_526 : i32
        %dma_start3A_640 = arith.constant 7 : i32
        %dma_start3A_641 = arith.constant 56 : i32
        %dma_start3A_642 = arith.constant 0 : i32
        %dma_start3A_643 = tpu.memref_slice %arg9[%dma_start3A_641, %dma_start3A_642] : memref<64x129xf32, #tpu.memory_space<vmem>> -> memref<8x128xf32, #tpu.memory_space<vmem>>
        %dma_start3A_644 = arith.constant 0 : i32
        %dma_start3A_645 = arith.constant 0 : i32
        %dma_start3A_646 = tpu.memref_slice %arg4[%select_n3A_524, %dma_start3A_640, %add3A_639, %dma_start3A_644, %dma_start3A_645] : memref<50x8x128x8x128xf32, #tpu.memory_space<hbm>> -> memref<1x1x1x8x128xf32, #tpu.memory_space<hbm>>
        %dma_start3A_647 = tpu.memref_squeeze %dma_start3A_646 : memref<1x1x1x8x128xf32, #tpu.memory_space<hbm>> -> memref<8x128xf32, #tpu.memory_space<hbm>>
        %dma_start3A_648 = arith.constant 0 : i32
        %dma_start3A_649 = arith.constant 0 : i32
        %dma_start3A_650 = tpu.memref_slice %arg4[%select_n3A_524, %dma_start3A_640, %add3A_639, %dma_start3A_648, %dma_start3A_649] : memref<50x8x128x8x128xf32, #tpu.memory_space<hbm>> -> memref<1x1x1x8x128xf32, #tpu.memory_space<hbm>>
        %dma_start3A_651 = tpu.memref_squeeze %dma_start3A_650 : memref<1x1x1x8x128xf32, #tpu.memory_space<hbm>> -> memref<8x128xf32, #tpu.memory_space<hbm>>
        %dma_start3A_652 = arith.constant 56 : i32
        %dma_start3A_653 = arith.constant 0 : i32
        %dma_start3A_654 = tpu.memref_slice %arg9[%dma_start3A_652, %dma_start3A_653] : memref<64x129xf32, #tpu.memory_space<vmem>> -> memref<8x128xf32, #tpu.memory_space<vmem>>
        tpu.enqueue_dma source(%dma_start3A_654 : memref<8x128xf32, #tpu.memory_space<vmem>>) target(%dma_start3A_651 : memref<8x128xf32, #tpu.memory_space<hbm>>) target_semaphore(%arg13 : memref<!tpu.dma_semaphore, #tpu.memory_space<semaphore_mem>>)
        %add3A_655 = arith.constant 2 : i32
        %add3A_656 = arith.addi %scan3A_478, %add3A_655 : i32
        %lt3A = arith.constant 200 : i32
        %lt3A_657 = arith.cmpi slt, %add3A_656, %lt3A : i32
        %convert_element_type3A_658 = arith.extui %lt3A_657 : i1 to i32
        %cond3A_659 = arith.constant 0 : i32
        %cond3A_660 = arith.cmpi ne, %convert_element_type3A_658, %cond3A_659 : i32
        scf.if %cond3A_660 {
          %add3A_661 = arith.constant 2 : i32
          %add3A_662 = arith.addi %scan3A_478, %add3A_661 : i32
          %jit3A_663 = arith.constant 4 : i32
          %div3A_664 = arith.divsi %add3A_662, %jit3A_663 : i32
          %sign3A_665 = arith.constant 0 : i32
          %sign3A_666 = arith.cmpi sgt, %add3A_662, %sign3A_665 : i32
          %sign3A_667 = arith.extui %sign3A_666 : i1 to i32
          %sign3A_668 = arith.constant 0 : i32
          %sign3A_669 = arith.cmpi slt, %add3A_662, %sign3A_668 : i32
          %sign3A_670 = arith.extui %sign3A_669 : i1 to i32
          %sign3A_671 = arith.subi %sign3A_667, %sign3A_670 : i32
          %sign3A_672 = arith.constant 0 : i32
          %sign3A_673 = arith.cmpi sgt, %jit3A_663, %sign3A_672 : i32
          %sign3A_674 = arith.extui %sign3A_673 : i1 to i32
          %sign3A_675 = arith.constant 0 : i32
          %sign3A_676 = arith.cmpi slt, %jit3A_663, %sign3A_675 : i32
          %sign3A_677 = arith.extui %sign3A_676 : i1 to i32
          %sign3A_678 = arith.subi %sign3A_674, %sign3A_677 : i32
          %ne3A_679 = arith.cmpi ne, %sign3A_671, %sign3A_678 : i32
          %rem3A_680 = arith.remsi %add3A_662, %jit3A_663 : i32
          %ne3A_681 = arith.constant 0 : i32
          %ne3A_682 = arith.cmpi ne, %rem3A_680, %ne3A_681 : i32
          %and3A_683 = arith.andi %ne3A_679, %ne3A_682 : i1
          %sub3A_684 = arith.constant 1 : i32
          %sub3A_685 = arith.subi %div3A_664, %sub3A_684 : i32
          %select_n3A_686 = arith.select %and3A_683, %sub3A_685, %div3A_664 : i32
          %rem3A_687 = arith.constant 4 : i32
          %rem3A_688 = arith.remsi %add3A_662, %rem3A_687 : i32
          %mul3A_689 = arith.constant 128 : i32
          %mul3A_690 = arith.muli %rem3A_688, %mul3A_689 : i32
          %dma_start3A_691 = tpu.memref_slice %arg5[%select_n3A_686, %mul3A_690] : memref<50x512xi32, #tpu.memory_space<vmem>> -> memref<1x128xi32, #tpu.memory_space<vmem>>
          %dma_start3A_692 = tpu.memref_squeeze %dma_start3A_691 : memref<1x128xi32, #tpu.memory_space<vmem>> -> memref<128xi32, #tpu.memory_space<vmem>>
          %dma_start3A_693 = arith.constant 0 : i32
          %dma_start3A_694 = arith.constant 0 : i32
          %dma_start3A_695 = tpu.memref_slice %arg3[%dma_start3A_693, %dma_start3A_694] : memref<1000000x64xf32, #tpu.memory_space<hbm>> -> memref<1000000x64xf32, #tpu.memory_space<hbm>>
          tpu.enqueue_indirect_dma source(%dma_start3A_695 : memref<1000000x64xf32, #tpu.memory_space<hbm>>) target(%arg7 : memref<128x64xf32, #tpu.memory_space<vmem>>) offsets(%dma_start3A_692 : memref<128xi32, #tpu.memory_space<vmem>>) semaphore(%arg11 : memref<!tpu.dma_semaphore, #tpu.memory_space<semaphore_mem>>)
        } else {
        }
      } else {
      }
    }
    %scan3A_206 = arith.constant 200 : i32
    %dma_wait3A = arith.constant 0 : i32
    %dma_wait3A_207 = arith.constant 0 : i32
    %dma_wait3A_208 = arith.constant 0 : i32
    %dma_wait3A_209 = arith.constant 0 : i32
    %dma_wait3A_210 = arith.constant 0 : i32
    %dma_wait3A_211 = tpu.memref_slice %arg8[%dma_wait3A_209, %dma_wait3A_210] : memref<64x129xf32, #tpu.memory_space<vmem>> -> memref<8x128xf32, #tpu.memory_space<vmem>>
    %dma_wait3A_212 = arith.constant 0 : i32
    %dma_wait3A_213 = arith.constant 0 : i32
    %dma_wait3A_214 = tpu.memref_slice %arg4[%dma_wait3A, %dma_wait3A_207, %dma_wait3A_208, %dma_wait3A_212, %dma_wait3A_213] : memref<50x8x128x8x128xf32, #tpu.memory_space<hbm>> -> memref<1x1x1x8x128xf32, #tpu.memory_space<hbm>>
    %dma_wait3A_215 = tpu.memref_squeeze %dma_wait3A_214 : memref<1x1x1x8x128xf32, #tpu.memory_space<hbm>> -> memref<8x128xf32, #tpu.memory_space<hbm>>
    %dma_wait3A_216 = arith.constant 0 : i32
    %dma_wait3A_217 = arith.constant 0 : i32
    %dma_wait3A_218 = tpu.memref_slice %arg4[%dma_wait3A, %dma_wait3A_207, %dma_wait3A_208, %dma_wait3A_216, %dma_wait3A_217] : memref<50x8x128x8x128xf32, #tpu.memory_space<hbm>> -> memref<1x1x1x8x128xf32, #tpu.memory_space<hbm>>
    %dma_wait3A_219 = tpu.memref_squeeze %dma_wait3A_218 : memref<1x1x1x8x128xf32, #tpu.memory_space<hbm>> -> memref<8x128xf32, #tpu.memory_space<hbm>>
    %dma_wait3A_220 = arith.constant 0 : i32
    %dma_wait3A_221 = arith.constant 0 : i32
    %dma_wait3A_222 = tpu.memref_slice %arg8[%dma_wait3A_220, %dma_wait3A_221] : memref<64x129xf32, #tpu.memory_space<vmem>> -> memref<8x128xf32, #tpu.memory_space<vmem>>
    tpu.wait_dma2 semaphore(%arg12 : memref<!tpu.dma_semaphore, #tpu.memory_space<semaphore_mem>>) src(%dma_wait3A_222 : memref<8x128xf32, #tpu.memory_space<vmem>>) dst(%dma_wait3A_219 : memref<8x128xf32, #tpu.memory_space<hbm>>)
    %dma_wait3A_223 = arith.constant 0 : i32
    %dma_wait3A_224 = arith.constant 0 : i32
    %dma_wait3A_225 = arith.constant 0 : i32
    %dma_wait3A_226 = arith.constant 0 : i32
    %dma_wait3A_227 = arith.constant 0 : i32
    %dma_wait3A_228 = tpu.memref_slice %arg8[%dma_wait3A_226, %dma_wait3A_227] : memref<64x129xf32, #tpu.memory_space<vmem>> -> memref<8x128xf32, #tpu.memory_space<vmem>>
    %dma_wait3A_229 = arith.constant 0 : i32
    %dma_wait3A_230 = arith.constant 0 : i32
    %dma_wait3A_231 = tpu.memref_slice %arg4[%dma_wait3A_223, %dma_wait3A_224, %dma_wait3A_225, %dma_wait3A_229, %dma_wait3A_230] : memref<50x8x128x8x128xf32, #tpu.memory_space<hbm>> -> memref<1x1x1x8x128xf32, #tpu.memory_space<hbm>>
    %dma_wait3A_232 = tpu.memref_squeeze %dma_wait3A_231 : memref<1x1x1x8x128xf32, #tpu.memory_space<hbm>> -> memref<8x128xf32, #tpu.memory_space<hbm>>
    %dma_wait3A_233 = arith.constant 0 : i32
    %dma_wait3A_234 = arith.constant 0 : i32
    %dma_wait3A_235 = tpu.memref_slice %arg4[%dma_wait3A_223, %dma_wait3A_224, %dma_wait3A_225, %dma_wait3A_233, %dma_wait3A_234] : memref<50x8x128x8x128xf32, #tpu.memory_space<hbm>> -> memref<1x1x1x8x128xf32, #tpu.memory_space<hbm>>
    %dma_wait3A_236 = tpu.memref_squeeze %dma_wait3A_235 : memref<1x1x1x8x128xf32, #tpu.memory_space<hbm>> -> memref<8x128xf32, #tpu.memory_space<hbm>>
    %dma_wait3A_237 = arith.constant 0 : i32
    %dma_wait3A_238 = arith.constant 0 : i32
    %dma_wait3A_239 = tpu.memref_slice %arg8[%dma_wait3A_237, %dma_wait3A_238] : memref<64x129xf32, #tpu.memory_space<vmem>> -> memref<8x128xf32, #tpu.memory_space<vmem>>
    tpu.wait_dma2 semaphore(%arg12 : memref<!tpu.dma_semaphore, #tpu.memory_space<semaphore_mem>>) src(%dma_wait3A_239 : memref<8x128xf32, #tpu.memory_space<vmem>>) dst(%dma_wait3A_236 : memref<8x128xf32, #tpu.memory_space<hbm>>)
    %dma_wait3A_240 = arith.constant 0 : i32
    %dma_wait3A_241 = arith.constant 0 : i32
    %dma_wait3A_242 = arith.constant 0 : i32
    %dma_wait3A_243 = arith.constant 0 : i32
    %dma_wait3A_244 = arith.constant 0 : i32
    %dma_wait3A_245 = tpu.memref_slice %arg8[%dma_wait3A_243, %dma_wait3A_244] : memref<64x129xf32, #tpu.memory_space<vmem>> -> memref<8x128xf32, #tpu.memory_space<vmem>>
    %dma_wait3A_246 = arith.constant 0 : i32
    %dma_wait3A_247 = arith.constant 0 : i32
    %dma_wait3A_248 = tpu.memref_slice %arg4[%dma_wait3A_240, %dma_wait3A_241, %dma_wait3A_242, %dma_wait3A_246, %dma_wait3A_247] : memref<50x8x128x8x128xf32, #tpu.memory_space<hbm>> -> memref<1x1x1x8x128xf32, #tpu.memory_space<hbm>>
    %dma_wait3A_249 = tpu.memref_squeeze %dma_wait3A_248 : memref<1x1x1x8x128xf32, #tpu.memory_space<hbm>> -> memref<8x128xf32, #tpu.memory_space<hbm>>
    %dma_wait3A_250 = arith.constant 0 : i32
    %dma_wait3A_251 = arith.constant 0 : i32
    %dma_wait3A_252 = tpu.memref_slice %arg4[%dma_wait3A_240, %dma_wait3A_241, %dma_wait3A_242, %dma_wait3A_250, %dma_wait3A_251] : memref<50x8x128x8x128xf32, #tpu.memory_space<hbm>> -> memref<1x1x1x8x128xf32, #tpu.memory_space<hbm>>
    %dma_wait3A_253 = tpu.memref_squeeze %dma_wait3A_252 : memref<1x1x1x8x128xf32, #tpu.memory_space<hbm>> -> memref<8x128xf32, #tpu.memory_space<hbm>>
    %dma_wait3A_254 = arith.constant 0 : i32
    %dma_wait3A_255 = arith.constant 0 : i32
    %dma_wait3A_256 = tpu.memref_slice %arg8[%dma_wait3A_254, %dma_wait3A_255] : memref<64x129xf32, #tpu.memory_space<vmem>> -> memref<8x128xf32, #tpu.memory_space<vmem>>
    tpu.wait_dma2 semaphore(%arg12 : memref<!tpu.dma_semaphore, #tpu.memory_space<semaphore_mem>>) src(%dma_wait3A_256 : memref<8x128xf32, #tpu.memory_space<vmem>>) dst(%dma_wait3A_253 : memref<8x128xf32, #tpu.memory_space<hbm>>)
    %dma_wait3A_257 = arith.constant 0 : i32
    %dma_wait3A_258 = arith.constant 0 : i32
    %dma_wait3A_259 = arith.constant 0 : i32
    %dma_wait3A_260 = arith.constant 0 : i32
    %dma_wait3A_261 = arith.constant 0 : i32
    %dma_wait3A_262 = tpu.memref_slice %arg8[%dma_wait3A_260, %dma_wait3A_261] : memref<64x129xf32, #tpu.memory_space<vmem>> -> memref<8x128xf32, #tpu.memory_space<vmem>>
    %dma_wait3A_263 = arith.constant 0 : i32
    %dma_wait3A_264 = arith.constant 0 : i32
    %dma_wait3A_265 = tpu.memref_slice %arg4[%dma_wait3A_257, %dma_wait3A_258, %dma_wait3A_259, %dma_wait3A_263, %dma_wait3A_264] : memref<50x8x128x8x128xf32, #tpu.memory_space<hbm>> -> memref<1x1x1x8x128xf32, #tpu.memory_space<hbm>>
    %dma_wait3A_266 = tpu.memref_squeeze %dma_wait3A_265 : memref<1x1x1x8x128xf32, #tpu.memory_space<hbm>> -> memref<8x128xf32, #tpu.memory_space<hbm>>
    %dma_wait3A_267 = arith.constant 0 : i32
    %dma_wait3A_268 = arith.constant 0 : i32
    %dma_wait3A_269 = tpu.memref_slice %arg4[%dma_wait3A_257, %dma_wait3A_258, %dma_wait3A_259, %dma_wait3A_267, %dma_wait3A_268] : memref<50x8x128x8x128xf32, #tpu.memory_space<hbm>> -> memref<1x1x1x8x128xf32, #tpu.memory_space<hbm>>
    %dma_wait3A_270 = tpu.memref_squeeze %dma_wait3A_269 : memref<1x1x1x8x128xf32, #tpu.memory_space<hbm>> -> memref<8x128xf32, #tpu.memory_space<hbm>>
    %dma_wait3A_271 = arith.constant 0 : i32
    %dma_wait3A_272 = arith.constant 0 : i32
    %dma_wait3A_273 = tpu.memref_slice %arg8[%dma_wait3A_271, %dma_wait3A_272] : memref<64x129xf32, #tpu.memory_space<vmem>> -> memref<8x128xf32, #tpu.memory_space<vmem>>
    tpu.wait_dma2 semaphore(%arg12 : memref<!tpu.dma_semaphore, #tpu.memory_space<semaphore_mem>>) src(%dma_wait3A_273 : memref<8x128xf32, #tpu.memory_space<vmem>>) dst(%dma_wait3A_270 : memref<8x128xf32, #tpu.memory_space<hbm>>)
    %dma_wait3A_274 = arith.constant 0 : i32
    %dma_wait3A_275 = arith.constant 0 : i32
    %dma_wait3A_276 = arith.constant 0 : i32
    %dma_wait3A_277 = arith.constant 0 : i32
    %dma_wait3A_278 = arith.constant 0 : i32
    %dma_wait3A_279 = tpu.memref_slice %arg8[%dma_wait3A_277, %dma_wait3A_278] : memref<64x129xf32, #tpu.memory_space<vmem>> -> memref<8x128xf32, #tpu.memory_space<vmem>>
    %dma_wait3A_280 = arith.constant 0 : i32
    %dma_wait3A_281 = arith.constant 0 : i32
    %dma_wait3A_282 = tpu.memref_slice %arg4[%dma_wait3A_274, %dma_wait3A_275, %dma_wait3A_276, %dma_wait3A_280, %dma_wait3A_281] : memref<50x8x128x8x128xf32, #tpu.memory_space<hbm>> -> memref<1x1x1x8x128xf32, #tpu.memory_space<hbm>>
    %dma_wait3A_283 = tpu.memref_squeeze %dma_wait3A_282 : memref<1x1x1x8x128xf32, #tpu.memory_space<hbm>> -> memref<8x128xf32, #tpu.memory_space<hbm>>
    %dma_wait3A_284 = arith.constant 0 : i32
    %dma_wait3A_285 = arith.constant 0 : i32
    %dma_wait3A_286 = tpu.memref_slice %arg4[%dma_wait3A_274, %dma_wait3A_275, %dma_wait3A_276, %dma_wait3A_284, %dma_wait3A_285] : memref<50x8x128x8x128xf32, #tpu.memory_space<hbm>> -> memref<1x1x1x8x128xf32, #tpu.memory_space<hbm>>
    %dma_wait3A_287 = tpu.memref_squeeze %dma_wait3A_286 : memref<1x1x1x8x128xf32, #tpu.memory_space<hbm>> -> memref<8x128xf32, #tpu.memory_space<hbm>>
    %dma_wait3A_288 = arith.constant 0 : i32
    %dma_wait3A_289 = arith.constant 0 : i32
    %dma_wait3A_290 = tpu.memref_slice %arg8[%dma_wait3A_288, %dma_wait3A_289] : memref<64x129xf32, #tpu.memory_space<vmem>> -> memref<8x128xf32, #tpu.memory_space<vmem>>
    tpu.wait_dma2 semaphore(%arg12 : memref<!tpu.dma_semaphore, #tpu.memory_space<semaphore_mem>>) src(%dma_wait3A_290 : memref<8x128xf32, #tpu.memory_space<vmem>>) dst(%dma_wait3A_287 : memref<8x128xf32, #tpu.memory_space<hbm>>)
    %dma_wait3A_291 = arith.constant 0 : i32
    %dma_wait3A_292 = arith.constant 0 : i32
    %dma_wait3A_293 = arith.constant 0 : i32
    %dma_wait3A_294 = arith.constant 0 : i32
    %dma_wait3A_295 = arith.constant 0 : i32
    %dma_wait3A_296 = tpu.memref_slice %arg8[%dma_wait3A_294, %dma_wait3A_295] : memref<64x129xf32, #tpu.memory_space<vmem>> -> memref<8x128xf32, #tpu.memory_space<vmem>>
    %dma_wait3A_297 = arith.constant 0 : i32
    %dma_wait3A_298 = arith.constant 0 : i32
    %dma_wait3A_299 = tpu.memref_slice %arg4[%dma_wait3A_291, %dma_wait3A_292, %dma_wait3A_293, %dma_wait3A_297, %dma_wait3A_298] : memref<50x8x128x8x128xf32, #tpu.memory_space<hbm>> -> memref<1x1x1x8x128xf32, #tpu.memory_space<hbm>>
    %dma_wait3A_300 = tpu.memref_squeeze %dma_wait3A_299 : memref<1x1x1x8x128xf32, #tpu.memory_space<hbm>> -> memref<8x128xf32, #tpu.memory_space<hbm>>
    %dma_wait3A_301 = arith.constant 0 : i32
    %dma_wait3A_302 = arith.constant 0 : i32
    %dma_wait3A_303 = tpu.memref_slice %arg4[%dma_wait3A_291, %dma_wait3A_292, %dma_wait3A_293, %dma_wait3A_301, %dma_wait3A_302] : memref<50x8x128x8x128xf32, #tpu.memory_space<hbm>> -> memref<1x1x1x8x128xf32, #tpu.memory_space<hbm>>
    %dma_wait3A_304 = tpu.memref_squeeze %dma_wait3A_303 : memref<1x1x1x8x128xf32, #tpu.memory_space<hbm>> -> memref<8x128xf32, #tpu.memory_space<hbm>>
    %dma_wait3A_305 = arith.constant 0 : i32
    %dma_wait3A_306 = arith.constant 0 : i32
    %dma_wait3A_307 = tpu.memref_slice %arg8[%dma_wait3A_305, %dma_wait3A_306] : memref<64x129xf32, #tpu.memory_space<vmem>> -> memref<8x128xf32, #tpu.memory_space<vmem>>
    tpu.wait_dma2 semaphore(%arg12 : memref<!tpu.dma_semaphore, #tpu.memory_space<semaphore_mem>>) src(%dma_wait3A_307 : memref<8x128xf32, #tpu.memory_space<vmem>>) dst(%dma_wait3A_304 : memref<8x128xf32, #tpu.memory_space<hbm>>)
    %dma_wait3A_308 = arith.constant 0 : i32
    %dma_wait3A_309 = arith.constant 0 : i32
    %dma_wait3A_310 = arith.constant 0 : i32
    %dma_wait3A_311 = arith.constant 0 : i32
    %dma_wait3A_312 = arith.constant 0 : i32
    %dma_wait3A_313 = tpu.memref_slice %arg8[%dma_wait3A_311, %dma_wait3A_312] : memref<64x129xf32, #tpu.memory_space<vmem>> -> memref<8x128xf32, #tpu.memory_space<vmem>>
    %dma_wait3A_314 = arith.constant 0 : i32
    %dma_wait3A_315 = arith.constant 0 : i32
    %dma_wait3A_316 = tpu.memref_slice %arg4[%dma_wait3A_308, %dma_wait3A_309, %dma_wait3A_310, %dma_wait3A_314, %dma_wait3A_315] : memref<50x8x128x8x128xf32, #tpu.memory_space<hbm>> -> memref<1x1x1x8x128xf32, #tpu.memory_space<hbm>>
    %dma_wait3A_317 = tpu.memref_squeeze %dma_wait3A_316 : memref<1x1x1x8x128xf32, #tpu.memory_space<hbm>> -> memref<8x128xf32, #tpu.memory_space<hbm>>
    %dma_wait3A_318 = arith.constant 0 : i32
    %dma_wait3A_319 = arith.constant 0 : i32
    %dma_wait3A_320 = tpu.memref_slice %arg4[%dma_wait3A_308, %dma_wait3A_309, %dma_wait3A_310, %dma_wait3A_318, %dma_wait3A_319] : memref<50x8x128x8x128xf32, #tpu.memory_space<hbm>> -> memref<1x1x1x8x128xf32, #tpu.memory_space<hbm>>
    %dma_wait3A_321 = tpu.memref_squeeze %dma_wait3A_320 : memref<1x1x1x8x128xf32, #tpu.memory_space<hbm>> -> memref<8x128xf32, #tpu.memory_space<hbm>>
    %dma_wait3A_322 = arith.constant 0 : i32
    %dma_wait3A_323 = arith.constant 0 : i32
    %dma_wait3A_324 = tpu.memref_slice %arg8[%dma_wait3A_322, %dma_wait3A_323] : memref<64x129xf32, #tpu.memory_space<vmem>> -> memref<8x128xf32, #tpu.memory_space<vmem>>
    tpu.wait_dma2 semaphore(%arg12 : memref<!tpu.dma_semaphore, #tpu.memory_space<semaphore_mem>>) src(%dma_wait3A_324 : memref<8x128xf32, #tpu.memory_space<vmem>>) dst(%dma_wait3A_321 : memref<8x128xf32, #tpu.memory_space<hbm>>)
    %dma_wait3A_325 = arith.constant 0 : i32
    %dma_wait3A_326 = arith.constant 0 : i32
    %dma_wait3A_327 = arith.constant 0 : i32
    %dma_wait3A_328 = arith.constant 0 : i32
    %dma_wait3A_329 = arith.constant 0 : i32
    %dma_wait3A_330 = tpu.memref_slice %arg8[%dma_wait3A_328, %dma_wait3A_329] : memref<64x129xf32, #tpu.memory_space<vmem>> -> memref<8x128xf32, #tpu.memory_space<vmem>>
    %dma_wait3A_331 = arith.constant 0 : i32
    %dma_wait3A_332 = arith.constant 0 : i32
    %dma_wait3A_333 = tpu.memref_slice %arg4[%dma_wait3A_325, %dma_wait3A_326, %dma_wait3A_327, %dma_wait3A_331, %dma_wait3A_332] : memref<50x8x128x8x128xf32, #tpu.memory_space<hbm>> -> memref<1x1x1x8x128xf32, #tpu.memory_space<hbm>>
    %dma_wait3A_334 = tpu.memref_squeeze %dma_wait3A_333 : memref<1x1x1x8x128xf32, #tpu.memory_space<hbm>> -> memref<8x128xf32, #tpu.memory_space<hbm>>
    %dma_wait3A_335 = arith.constant 0 : i32
    %dma_wait3A_336 = arith.constant 0 : i32
    %dma_wait3A_337 = tpu.memref_slice %arg4[%dma_wait3A_325, %dma_wait3A_326, %dma_wait3A_327, %dma_wait3A_335, %dma_wait3A_336] : memref<50x8x128x8x128xf32, #tpu.memory_space<hbm>> -> memref<1x1x1x8x128xf32, #tpu.memory_space<hbm>>
    %dma_wait3A_338 = tpu.memref_squeeze %dma_wait3A_337 : memref<1x1x1x8x128xf32, #tpu.memory_space<hbm>> -> memref<8x128xf32, #tpu.memory_space<hbm>>
    %dma_wait3A_339 = arith.constant 0 : i32
    %dma_wait3A_340 = arith.constant 0 : i32
    %dma_wait3A_341 = tpu.memref_slice %arg8[%dma_wait3A_339, %dma_wait3A_340] : memref<64x129xf32, #tpu.memory_space<vmem>> -> memref<8x128xf32, #tpu.memory_space<vmem>>
    tpu.wait_dma2 semaphore(%arg12 : memref<!tpu.dma_semaphore, #tpu.memory_space<semaphore_mem>>) src(%dma_wait3A_341 : memref<8x128xf32, #tpu.memory_space<vmem>>) dst(%dma_wait3A_338 : memref<8x128xf32, #tpu.memory_space<hbm>>)
    %dma_wait3A_342 = arith.constant 0 : i32
    %dma_wait3A_343 = arith.constant 0 : i32
    %dma_wait3A_344 = arith.constant 0 : i32
    %dma_wait3A_345 = arith.constant 0 : i32
    %dma_wait3A_346 = arith.constant 0 : i32
    %dma_wait3A_347 = tpu.memref_slice %arg9[%dma_wait3A_345, %dma_wait3A_346] : memref<64x129xf32, #tpu.memory_space<vmem>> -> memref<8x128xf32, #tpu.memory_space<vmem>>
    %dma_wait3A_348 = arith.constant 0 : i32
    %dma_wait3A_349 = arith.constant 0 : i32
    %dma_wait3A_350 = tpu.memref_slice %arg4[%dma_wait3A_342, %dma_wait3A_343, %dma_wait3A_344, %dma_wait3A_348, %dma_wait3A_349] : memref<50x8x128x8x128xf32, #tpu.memory_space<hbm>> -> memref<1x1x1x8x128xf32, #tpu.memory_space<hbm>>
    %dma_wait3A_351 = tpu.memref_squeeze %dma_wait3A_350 : memref<1x1x1x8x128xf32, #tpu.memory_space<hbm>> -> memref<8x128xf32, #tpu.memory_space<hbm>>
    %dma_wait3A_352 = arith.constant 0 : i32
    %dma_wait3A_353 = arith.constant 0 : i32
    %dma_wait3A_354 = tpu.memref_slice %arg4[%dma_wait3A_342, %dma_wait3A_343, %dma_wait3A_344, %dma_wait3A_352, %dma_wait3A_353] : memref<50x8x128x8x128xf32, #tpu.memory_space<hbm>> -> memref<1x1x1x8x128xf32, #tpu.memory_space<hbm>>
    %dma_wait3A_355 = tpu.memref_squeeze %dma_wait3A_354 : memref<1x1x1x8x128xf32, #tpu.memory_space<hbm>> -> memref<8x128xf32, #tpu.memory_space<hbm>>
    %dma_wait3A_356 = arith.constant 0 : i32
    %dma_wait3A_357 = arith.constant 0 : i32
    %dma_wait3A_358 = tpu.memref_slice %arg9[%dma_wait3A_356, %dma_wait3A_357] : memref<64x129xf32, #tpu.memory_space<vmem>> -> memref<8x128xf32, #tpu.memory_space<vmem>>
    tpu.wait_dma2 semaphore(%arg13 : memref<!tpu.dma_semaphore, #tpu.memory_space<semaphore_mem>>) src(%dma_wait3A_358 : memref<8x128xf32, #tpu.memory_space<vmem>>) dst(%dma_wait3A_355 : memref<8x128xf32, #tpu.memory_space<hbm>>)
    %dma_wait3A_359 = arith.constant 0 : i32
    %dma_wait3A_360 = arith.constant 0 : i32
    %dma_wait3A_361 = arith.constant 0 : i32
    %dma_wait3A_362 = arith.constant 0 : i32
    %dma_wait3A_363 = arith.constant 0 : i32
    %dma_wait3A_364 = tpu.memref_slice %arg9[%dma_wait3A_362, %dma_wait3A_363] : memref<64x129xf32, #tpu.memory_space<vmem>> -> memref<8x128xf32, #tpu.memory_space<vmem>>
    %dma_wait3A_365 = arith.constant 0 : i32
    %dma_wait3A_366 = arith.constant 0 : i32
    %dma_wait3A_367 = tpu.memref_slice %arg4[%dma_wait3A_359, %dma_wait3A_360, %dma_wait3A_361, %dma_wait3A_365, %dma_wait3A_366] : memref<50x8x128x8x128xf32, #tpu.memory_space<hbm>> -> memref<1x1x1x8x128xf32, #tpu.memory_space<hbm>>
    %dma_wait3A_368 = tpu.memref_squeeze %dma_wait3A_367 : memref<1x1x1x8x128xf32, #tpu.memory_space<hbm>> -> memref<8x128xf32, #tpu.memory_space<hbm>>
    %dma_wait3A_369 = arith.constant 0 : i32
    %dma_wait3A_370 = arith.constant 0 : i32
    %dma_wait3A_371 = tpu.memref_slice %arg4[%dma_wait3A_359, %dma_wait3A_360, %dma_wait3A_361, %dma_wait3A_369, %dma_wait3A_370] : memref<50x8x128x8x128xf32, #tpu.memory_space<hbm>> -> memref<1x1x1x8x128xf32, #tpu.memory_space<hbm>>
    %dma_wait3A_372 = tpu.memref_squeeze %dma_wait3A_371 : memref<1x1x1x8x128xf32, #tpu.memory_space<hbm>> -> memref<8x128xf32, #tpu.memory_space<hbm>>
    %dma_wait3A_373 = arith.constant 0 : i32
    %dma_wait3A_374 = arith.constant 0 : i32
    %dma_wait3A_375 = tpu.memref_slice %arg9[%dma_wait3A_373, %dma_wait3A_374] : memref<64x129xf32, #tpu.memory_space<vmem>> -> memref<8x128xf32, #tpu.memory_space<vmem>>
    tpu.wait_dma2 semaphore(%arg13 : memref<!tpu.dma_semaphore, #tpu.memory_space<semaphore_mem>>) src(%dma_wait3A_375 : memref<8x128xf32, #tpu.memory_space<vmem>>) dst(%dma_wait3A_372 : memref<8x128xf32, #tpu.memory_space<hbm>>)
    %dma_wait3A_376 = arith.constant 0 : i32
    %dma_wait3A_377 = arith.constant 0 : i32
    %dma_wait3A_378 = arith.constant 0 : i32
    %dma_wait3A_379 = arith.constant 0 : i32
    %dma_wait3A_380 = arith.constant 0 : i32
    %dma_wait3A_381 = tpu.memref_slice %arg9[%dma_wait3A_379, %dma_wait3A_380] : memref<64x129xf32, #tpu.memory_space<vmem>> -> memref<8x128xf32, #tpu.memory_space<vmem>>
    %dma_wait3A_382 = arith.constant 0 : i32
    %dma_wait3A_383 = arith.constant 0 : i32
    %dma_wait3A_384 = tpu.memref_slice %arg4[%dma_wait3A_376, %dma_wait3A_377, %dma_wait3A_378, %dma_wait3A_382, %dma_wait3A_383] : memref<50x8x128x8x128xf32, #tpu.memory_space<hbm>> -> memref<1x1x1x8x128xf32, #tpu.memory_space<hbm>>
    %dma_wait3A_385 = tpu.memref_squeeze %dma_wait3A_384 : memref<1x1x1x8x128xf32, #tpu.memory_space<hbm>> -> memref<8x128xf32, #tpu.memory_space<hbm>>
    %dma_wait3A_386 = arith.constant 0 : i32
    %dma_wait3A_387 = arith.constant 0 : i32
    %dma_wait3A_388 = tpu.memref_slice %arg4[%dma_wait3A_376, %dma_wait3A_377, %dma_wait3A_378, %dma_wait3A_386, %dma_wait3A_387] : memref<50x8x128x8x128xf32, #tpu.memory_space<hbm>> -> memref<1x1x1x8x128xf32, #tpu.memory_space<hbm>>
    %dma_wait3A_389 = tpu.memref_squeeze %dma_wait3A_388 : memref<1x1x1x8x128xf32, #tpu.memory_space<hbm>> -> memref<8x128xf32, #tpu.memory_space<hbm>>
    %dma_wait3A_390 = arith.constant 0 : i32
    %dma_wait3A_391 = arith.constant 0 : i32
    %dma_wait3A_392 = tpu.memref_slice %arg9[%dma_wait3A_390, %dma_wait3A_391] : memref<64x129xf32, #tpu.memory_space<vmem>> -> memref<8x128xf32, #tpu.memory_space<vmem>>
    tpu.wait_dma2 semaphore(%arg13 : memref<!tpu.dma_semaphore, #tpu.memory_space<semaphore_mem>>) src(%dma_wait3A_392 : memref<8x128xf32, #tpu.memory_space<vmem>>) dst(%dma_wait3A_389 : memref<8x128xf32, #tpu.memory_space<hbm>>)
    %dma_wait3A_393 = arith.constant 0 : i32
    %dma_wait3A_394 = arith.constant 0 : i32
    %dma_wait3A_395 = arith.constant 0 : i32
    %dma_wait3A_396 = arith.constant 0 : i32
    %dma_wait3A_397 = arith.constant 0 : i32
    %dma_wait3A_398 = tpu.memref_slice %arg9[%dma_wait3A_396, %dma_wait3A_397] : memref<64x129xf32, #tpu.memory_space<vmem>> -> memref<8x128xf32, #tpu.memory_space<vmem>>
    %dma_wait3A_399 = arith.constant 0 : i32
    %dma_wait3A_400 = arith.constant 0 : i32
    %dma_wait3A_401 = tpu.memref_slice %arg4[%dma_wait3A_393, %dma_wait3A_394, %dma_wait3A_395, %dma_wait3A_399, %dma_wait3A_400] : memref<50x8x128x8x128xf32, #tpu.memory_space<hbm>> -> memref<1x1x1x8x128xf32, #tpu.memory_space<hbm>>
    %dma_wait3A_402 = tpu.memref_squeeze %dma_wait3A_401 : memref<1x1x1x8x128xf32, #tpu.memory_space<hbm>> -> memref<8x128xf32, #tpu.memory_space<hbm>>
    %dma_wait3A_403 = arith.constant 0 : i32
    %dma_wait3A_404 = arith.constant 0 : i32
    %dma_wait3A_405 = tpu.memref_slice %arg4[%dma_wait3A_393, %dma_wait3A_394, %dma_wait3A_395, %dma_wait3A_403, %dma_wait3A_404] : memref<50x8x128x8x128xf32, #tpu.memory_space<hbm>> -> memref<1x1x1x8x128xf32, #tpu.memory_space<hbm>>
    %dma_wait3A_406 = tpu.memref_squeeze %dma_wait3A_405 : memref<1x1x1x8x128xf32, #tpu.memory_space<hbm>> -> memref<8x128xf32, #tpu.memory_space<hbm>>
    %dma_wait3A_407 = arith.constant 0 : i32
    %dma_wait3A_408 = arith.constant 0 : i32
    %dma_wait3A_409 = tpu.memref_slice %arg9[%dma_wait3A_407, %dma_wait3A_408] : memref<64x129xf32, #tpu.memory_space<vmem>> -> memref<8x128xf32, #tpu.memory_space<vmem>>
    tpu.wait_dma2 semaphore(%arg13 : memref<!tpu.dma_semaphore, #tpu.memory_space<semaphore_mem>>) src(%dma_wait3A_409 : memref<8x128xf32, #tpu.memory_space<vmem>>) dst(%dma_wait3A_406 : memref<8x128xf32, #tpu.memory_space<hbm>>)
    %dma_wait3A_410 = arith.constant 0 : i32
    %dma_wait3A_411 = arith.constant 0 : i32
    %dma_wait3A_412 = arith.constant 0 : i32
    %dma_wait3A_413 = arith.constant 0 : i32
    %dma_wait3A_414 = arith.constant 0 : i32
    %dma_wait3A_415 = tpu.memref_slice %arg9[%dma_wait3A_413, %dma_wait3A_414] : memref<64x129xf32, #tpu.memory_space<vmem>> -> memref<8x128xf32, #tpu.memory_space<vmem>>
    %dma_wait3A_416 = arith.constant 0 : i32
    %dma_wait3A_417 = arith.constant 0 : i32
    %dma_wait3A_418 = tpu.memref_slice %arg4[%dma_wait3A_410, %dma_wait3A_411, %dma_wait3A_412, %dma_wait3A_416, %dma_wait3A_417] : memref<50x8x128x8x128xf32, #tpu.memory_space<hbm>> -> memref<1x1x1x8x128xf32, #tpu.memory_space<hbm>>
    %dma_wait3A_419 = tpu.memref_squeeze %dma_wait3A_418 : memref<1x1x1x8x128xf32, #tpu.memory_space<hbm>> -> memref<8x128xf32, #tpu.memory_space<hbm>>
    %dma_wait3A_420 = arith.constant 0 : i32
    %dma_wait3A_421 = arith.constant 0 : i32
    %dma_wait3A_422 = tpu.memref_slice %arg4[%dma_wait3A_410, %dma_wait3A_411, %dma_wait3A_412, %dma_wait3A_420, %dma_wait3A_421] : memref<50x8x128x8x128xf32, #tpu.memory_space<hbm>> -> memref<1x1x1x8x128xf32, #tpu.memory_space<hbm>>
    %dma_wait3A_423 = tpu.memref_squeeze %dma_wait3A_422 : memref<1x1x1x8x128xf32, #tpu.memory_space<hbm>> -> memref<8x128xf32, #tpu.memory_space<hbm>>
    %dma_wait3A_424 = arith.constant 0 : i32
    %dma_wait3A_425 = arith.constant 0 : i32
    %dma_wait3A_426 = tpu.memref_slice %arg9[%dma_wait3A_424, %dma_wait3A_425] : memref<64x129xf32, #tpu.memory_space<vmem>> -> memref<8x128xf32, #tpu.memory_space<vmem>>
    tpu.wait_dma2 semaphore(%arg13 : memref<!tpu.dma_semaphore, #tpu.memory_space<semaphore_mem>>) src(%dma_wait3A_426 : memref<8x128xf32, #tpu.memory_space<vmem>>) dst(%dma_wait3A_423 : memref<8x128xf32, #tpu.memory_space<hbm>>)
    %dma_wait3A_427 = arith.constant 0 : i32
    %dma_wait3A_428 = arith.constant 0 : i32
    %dma_wait3A_429 = arith.constant 0 : i32
    %dma_wait3A_430 = arith.constant 0 : i32
    %dma_wait3A_431 = arith.constant 0 : i32
    %dma_wait3A_432 = tpu.memref_slice %arg9[%dma_wait3A_430, %dma_wait3A_431] : memref<64x129xf32, #tpu.memory_space<vmem>> -> memref<8x128xf32, #tpu.memory_space<vmem>>
    %dma_wait3A_433 = arith.constant 0 : i32
    %dma_wait3A_434 = arith.constant 0 : i32
    %dma_wait3A_435 = tpu.memref_slice %arg4[%dma_wait3A_427, %dma_wait3A_428, %dma_wait3A_429, %dma_wait3A_433, %dma_wait3A_434] : memref<50x8x128x8x128xf32, #tpu.memory_space<hbm>> -> memref<1x1x1x8x128xf32, #tpu.memory_space<hbm>>
    %dma_wait3A_436 = tpu.memref_squeeze %dma_wait3A_435 : memref<1x1x1x8x128xf32, #tpu.memory_space<hbm>> -> memref<8x128xf32, #tpu.memory_space<hbm>>
    %dma_wait3A_437 = arith.constant 0 : i32
    %dma_wait3A_438 = arith.constant 0 : i32
    %dma_wait3A_439 = tpu.memref_slice %arg4[%dma_wait3A_427, %dma_wait3A_428, %dma_wait3A_429, %dma_wait3A_437, %dma_wait3A_438] : memref<50x8x128x8x128xf32, #tpu.memory_space<hbm>> -> memref<1x1x1x8x128xf32, #tpu.memory_space<hbm>>
    %dma_wait3A_440 = tpu.memref_squeeze %dma_wait3A_439 : memref<1x1x1x8x128xf32, #tpu.memory_space<hbm>> -> memref<8x128xf32, #tpu.memory_space<hbm>>
    %dma_wait3A_441 = arith.constant 0 : i32
    %dma_wait3A_442 = arith.constant 0 : i32
    %dma_wait3A_443 = tpu.memref_slice %arg9[%dma_wait3A_441, %dma_wait3A_442] : memref<64x129xf32, #tpu.memory_space<vmem>> -> memref<8x128xf32, #tpu.memory_space<vmem>>
    tpu.wait_dma2 semaphore(%arg13 : memref<!tpu.dma_semaphore, #tpu.memory_space<semaphore_mem>>) src(%dma_wait3A_443 : memref<8x128xf32, #tpu.memory_space<vmem>>) dst(%dma_wait3A_440 : memref<8x128xf32, #tpu.memory_space<hbm>>)
    %dma_wait3A_444 = arith.constant 0 : i32
    %dma_wait3A_445 = arith.constant 0 : i32
    %dma_wait3A_446 = arith.constant 0 : i32
    %dma_wait3A_447 = arith.constant 0 : i32
    %dma_wait3A_448 = arith.constant 0 : i32
    %dma_wait3A_449 = tpu.memref_slice %arg9[%dma_wait3A_447, %dma_wait3A_448] : memref<64x129xf32, #tpu.memory_space<vmem>> -> memref<8x128xf32, #tpu.memory_space<vmem>>
    %dma_wait3A_450 = arith.constant 0 : i32
    %dma_wait3A_451 = arith.constant 0 : i32
    %dma_wait3A_452 = tpu.memref_slice %arg4[%dma_wait3A_444, %dma_wait3A_445, %dma_wait3A_446, %dma_wait3A_450, %dma_wait3A_451] : memref<50x8x128x8x128xf32, #tpu.memory_space<hbm>> -> memref<1x1x1x8x128xf32, #tpu.memory_space<hbm>>
    %dma_wait3A_453 = tpu.memref_squeeze %dma_wait3A_452 : memref<1x1x1x8x128xf32, #tpu.memory_space<hbm>> -> memref<8x128xf32, #tpu.memory_space<hbm>>
    %dma_wait3A_454 = arith.constant 0 : i32
    %dma_wait3A_455 = arith.constant 0 : i32
    %dma_wait3A_456 = tpu.memref_slice %arg4[%dma_wait3A_444, %dma_wait3A_445, %dma_wait3A_446, %dma_wait3A_454, %dma_wait3A_455] : memref<50x8x128x8x128xf32, #tpu.memory_space<hbm>> -> memref<1x1x1x8x128xf32, #tpu.memory_space<hbm>>
    %dma_wait3A_457 = tpu.memref_squeeze %dma_wait3A_456 : memref<1x1x1x8x128xf32, #tpu.memory_space<hbm>> -> memref<8x128xf32, #tpu.memory_space<hbm>>
    %dma_wait3A_458 = arith.constant 0 : i32
    %dma_wait3A_459 = arith.constant 0 : i32
    %dma_wait3A_460 = tpu.memref_slice %arg9[%dma_wait3A_458, %dma_wait3A_459] : memref<64x129xf32, #tpu.memory_space<vmem>> -> memref<8x128xf32, #tpu.memory_space<vmem>>
    tpu.wait_dma2 semaphore(%arg13 : memref<!tpu.dma_semaphore, #tpu.memory_space<semaphore_mem>>) src(%dma_wait3A_460 : memref<8x128xf32, #tpu.memory_space<vmem>>) dst(%dma_wait3A_457 : memref<8x128xf32, #tpu.memory_space<hbm>>)
    %dma_wait3A_461 = arith.constant 0 : i32
    %dma_wait3A_462 = arith.constant 0 : i32
    %dma_wait3A_463 = arith.constant 0 : i32
    %dma_wait3A_464 = arith.constant 0 : i32
    %dma_wait3A_465 = arith.constant 0 : i32
    %dma_wait3A_466 = tpu.memref_slice %arg9[%dma_wait3A_464, %dma_wait3A_465] : memref<64x129xf32, #tpu.memory_space<vmem>> -> memref<8x128xf32, #tpu.memory_space<vmem>>
    %dma_wait3A_467 = arith.constant 0 : i32
    %dma_wait3A_468 = arith.constant 0 : i32
    %dma_wait3A_469 = tpu.memref_slice %arg4[%dma_wait3A_461, %dma_wait3A_462, %dma_wait3A_463, %dma_wait3A_467, %dma_wait3A_468] : memref<50x8x128x8x128xf32, #tpu.memory_space<hbm>> -> memref<1x1x1x8x128xf32, #tpu.memory_space<hbm>>
    %dma_wait3A_470 = tpu.memref_squeeze %dma_wait3A_469 : memref<1x1x1x8x128xf32, #tpu.memory_space<hbm>> -> memref<8x128xf32, #tpu.memory_space<hbm>>
    %dma_wait3A_471 = arith.constant 0 : i32
    %dma_wait3A_472 = arith.constant 0 : i32
    %dma_wait3A_473 = tpu.memref_slice %arg4[%dma_wait3A_461, %dma_wait3A_462, %dma_wait3A_463, %dma_wait3A_471, %dma_wait3A_472] : memref<50x8x128x8x128xf32, #tpu.memory_space<hbm>> -> memref<1x1x1x8x128xf32, #tpu.memory_space<hbm>>
    %dma_wait3A_474 = tpu.memref_squeeze %dma_wait3A_473 : memref<1x1x1x8x128xf32, #tpu.memory_space<hbm>> -> memref<8x128xf32, #tpu.memory_space<hbm>>
    %dma_wait3A_475 = arith.constant 0 : i32
    %dma_wait3A_476 = arith.constant 0 : i32
    %dma_wait3A_477 = tpu.memref_slice %arg9[%dma_wait3A_475, %dma_wait3A_476] : memref<64x129xf32, #tpu.memory_space<vmem>> -> memref<8x128xf32, #tpu.memory_space<vmem>>
    tpu.wait_dma2 semaphore(%arg13 : memref<!tpu.dma_semaphore, #tpu.memory_space<semaphore_mem>>) src(%dma_wait3A_477 : memref<8x128xf32, #tpu.memory_space<vmem>>) dst(%dma_wait3A_474 : memref<8x128xf32, #tpu.memory_space<hbm>>)
    return
  }
}

</mosaic_0001>

<sc_bundles>
// kernel: kernel.3.cloned.1.call-start
scs
__scs_entry_jumppad:
0x0: {  	(pc) =	sbr.rel $0x88, $3  }
0x1: {  	(tag) =	ssettag $0x0;
	lr =	simm.s32 $0x1  }
0x2: {  	[smem:$0x3F9F] =	sst lr;
	_ =	strace $0xD0000000  }
0x3: {  	_ = 	snop  }
0x4: {  	_ = 	snop  }
0x5: {  	_ = 	snop  }
0x6: {  	_ = 	snop  }
0x7: {  	_ = 	snop  }
__scs_overlays_trampoline_lowered:
0x8: {  	[smem:$0x3FAE] =	sst s0  }
0x9: {  	[smem:$0x3FAF] =	sst s1  }
0xa: {  	[smem:$0x3FB0] =	sst s2  }
0xb: {  	[smem:$0x3FB1] =	sst s3  }
0xc: {  	[smem:$0x3FB2] =	sst s4  }
0xd: {  	[smem:$0x3FB3] =	sst s5  }
0xe: {  	[smem:$0x3FB4] =	sst s6  }
0xf: {  	[smem:$0x3FB5] =	sst s7  }
0x10: {  	[smem:$0x3FB6] =	sst s8  }
0x11: {  	[smem:$0x3FB7] =	sst s9;
	s0 =	simm.s32 @!p0 $0x0  }
0x12: {  	s1 =	sld [smem:$0x3F9D];
	s0 =	simm.s32 @p0 $0x1  }
0x13: {  	[smem:$0x3FB8] =	sst s0;
	s0 =	simm.s32 @!p1 $0x0  }
0x14: {  	s2 =	sld [smem:$0x3F9C];
	s0 =	simm.s32 @p1 $0x1  }
0x15: {  	[smem:$0x3FB9] =	sst s0;
	s0 =	simm.s32 @!p2 $0x0  }
0x16: {  	s3 =	sld [smem:$0x3FDB];
	s0 =	simm.s32 @p2 $0x1  }
0x17: {  	s4 =	simm.s32 $0x1BF5;
	[smem:$0x3FBB] =	sst s0  }
0x18: {  	s0 =	sld [smem:$0x3F9E];
	_ =	swait.ge [sflag:s4], $0x0  }
0x19: {  	s7 =	sld [smem:$0x3F9F]  }
0x1a: {  	s8 =	sadd.s32 $0xFFFFE003, lr  }
0x1b: {  	s9 =	sadd.s32 $0xFFFFFEF7, lr;
	s5 =	simm.s32 $0xFFFFFFFF;
	p2 =	slt.u32 s8, $0xFFFFF086  }
0x1c: {  	p1 =	slt.u32 s9, $0xF7A;
	s5 =	simm.s32 @!p2 $0x0  }
0x1d: {  	s5 =	simm.s32 @p1 $0x1;
	p0 =	seq.s32 s7, s2  }
0x1e: {  	s7 =	smul.u32 @!p0 $0xF7A, s2;
	p2 =	seq.s32 @!p0 s5, $0x0  }
0x1f: {  	s9 =	smul.u32 $0xF7A, s1;
	s8 =	simm.s32 @!p0 $0x1BF5;
	p2 =	por !p2, p0  }
0x20: {  	[sflag:s8] =	ssyncset.s32 @!p0 $0xFFFFF086;
	s6 =	sadd.s32 @!p0 s3, s7;
	s7 =	simm.s32 @!p0 $0x108  }
0x21: {  	s3 =	sadd.s32 s3, s9;
	s6 =	sadd.s32 @!p0 $0x88, s6;
	s7 =	simm.s32 @p2 $0x1082  }
0x22: {  	[simem:s7], [sflag:s8] =	dma.local @!p0 [hbm:s6], $0xF7A  }
0x23: {  	s9 =	sor.u32 $0xD0000000, s2;
	s6 =	simm.s32 $0x108;
	_ =	swait.ge @!p0 [sflag:s8], $0x0  }
0x24: {  	s3 =	sadd.s32 $0x88, s3;
	s6 =	simm.s32 @!p1 $0x1082;
	[sflag:s4] =	ssyncset.s32 $0xFFFFF086  }
0x25: {  	[simem:s6], [sflag:s4] =	dma.local [hbm:s3], $0xF7A  }
0x26: {  	[smem:$0x3F9F] =	sst s1;
	(tag) =	ssettag s2;
	_ =	strace s9  }
0x27: {  	s1 =	sld [smem:$0x3FAF]  }
0x28: {  	s2 =	sld [smem:$0x3FB0]  }
0x29: {  	s4 =	sld [smem:$0x3FB2]  }
0x2a: {  	p0 =	seq.s32 s5, $0x0;
	s5 =	sld [smem:$0x3FB3]  }
0x2b: {  	s6 =	sld [smem:$0x3FB4]  }
0x2c: {  	s7 =	sld [smem:$0x3FB5]  }
0x2d: {  	s3 =	simm.s32 $0x108;
	s8 =	sld [smem:$0x3FB6]  }
0x2e: {  	s3 =	simm.s32 @!p0 $0x1082;
	s9 =	sld [smem:$0x3FB7]  }
0x2f: {  	lr =	sadd.s32 s0, s3;
	s0 =	sld [smem:$0x3FAE]  }
0x30: {  	s3 =	sld [smem:$0x3FB1]  }
0x31: {  	[smem:$0x3FBA] =	sst s10  }
0x32: {  	s10 =	sld [smem:$0x3FB8];
	_ =	sdelay $0x3  }
0x33: {  	p0 =	seq.s32 s10, $0x1;
	s10 =	sld [smem:$0x3FBA];
	_ =	sdelay $0x3  }
0x34: {  	[smem:$0x3FBA] =	sst s10  }
0x35: {  	s10 =	sld [smem:$0x3FB9];
	_ =	sdelay $0x3  }
0x36: {  	p1 =	seq.s32 s10, $0x1;
	s10 =	sld [smem:$0x3FBA];
	_ =	sdelay $0x3  }
0x37: {  	[smem:$0x3FBA] =	sst s10  }
0x38: {  	s10 =	sld [smem:$0x3FBB]  }
0x39: {  	_ = 	snop;
	(pc) =	sbr.ind lr, $3  }
0x3a: {  	_ = 	snop  }
0x3b: {  	_ = 	snop  }
0x3c: {  	p2 =	seq.s32 s10, $0x1;
	s10 =	sld [smem:$0x3FBA]  }
0x3d: {  	_ =	shalt  }
0x3e: {  	_ =	shalt  }
0x3f: {  	_ =	shalt  }
0x40: {  	_ =	shalt  }
0x41: {  	_ =	shalt  }
0x42: {  	_ =	shalt  }
0x43: {  	_ =	shalt  }
0x44: {  	_ =	shalt  }
0x45: {  	_ =	shalt  }
0x46: {  	_ =	shalt  }
0x47: {  	_ =	shalt  }
0x48: {  	_ =	shalt  }
0x49: {  	_ =	shalt  }
0x4a: {  	_ =	shalt  }
0x4b: {  	_ =	shalt  }
0x4c: {  	_ =	shalt  }
0x4d: {  	_ =	shalt  }
0x4e: {  	_ =	shalt  }
0x4f: {  	_ =	shalt  }
0x50: {  	_ =	shalt  }
0x51: {  	_ =	shalt  }
0x52: {  	_ =	shalt  }
0x53: {  	_ =	shalt  }
0x54: {  	_ =	shalt  }
0x55: {  	_ =	shalt  }
0x56: {  	_ =	shalt  }
0x57: {  	_ =	shalt  }
0x58: {  	_ =	shalt  }
0x59: {  	_ =	shalt  }
0x5a: {  	_ =	shalt  }
0x5b: {  	_ =	shalt  }
0x5c: {  	_ =	shalt  }
0x5d: {  	_ =	shalt  }
0x5e: {  	_ =	shalt  }
0x5f: {  	_ =	shalt  }
0x60: {  	_ =	shalt  }
0x61: {  	_ =	shalt  }
0x62: {  	_ =	shalt  }
0x63: {  	_ =	shalt  }
0x64: {  	_ =	shalt  }
0x65: {  	_ =	shalt  }
0x66: {  	_ =	shalt  }
0x67: {  	_ =	shalt  }
0x68: {  	_ =	shalt  }
0x69: {  	_ =	shalt  }
0x6a: {  	_ =	shalt  }
0x6b: {  	_ =	shalt  }
0x6c: {  	_ =	shalt  }
0x6d: {  	_ =	shalt  }
0x6e: {  	_ =	shalt  }
0x6f: {  	_ =	shalt  }
0x70: {  	_ =	shalt  }
0x71: {  	_ =	shalt  }
0x72: {  	_ =	shalt  }
0x73: {  	_ =	shalt  }
0x74: {  	_ =	shalt  }
0x75: {  	_ =	shalt  }
0x76: {  	_ =	shalt  }
0x77: {  	_ =	shalt  }
0x78: {  	_ =	shalt  }
0x79: {  	_ =	shalt  }
0x7a: {  	_ =	shalt  }
0x7b: {  	_ =	shalt  }
0x7c: {  	_ =	shalt  }
0x7d: {  	_ =	shalt  }
0x7e: {  	_ =	shalt  }
0x7f: {  	_ =	shalt  }
0x80: {  	_ =	shalt  }
0x81: {  	_ =	shalt  }
0x82: {  	_ =	shalt  }
0x83: {  	_ =	shalt  }
0x84: {  	_ =	shalt  }
0x85: {  	_ =	shalt  }
0x86: {  	_ =	shalt  }
0x87: {  	_ =	shalt  }
.Lfunc_end0:
.L_simem_size_0:
called_computation_lowered:
.L_overlay_start_0:
0x88: {  	s2 =	sld [smem:$0x3FD9]  }
0x89: {  	s3 =	sld [smem:$0x3FFE];
	_ =	sdelay $0x1  }
0x8a: {  	s1 =	srdreg.scid  }
0x8b: {  	s0 =	sand.u32 $0x1, s1  }
0x8c: {  	s17 =	sshll.u32 s0, $0xA;
	s2 =	sadd.s32 s3, s2  }
0x8d: {  	s2 =	sadd.s32 s2, s17  }
0x8e: {  	[smem:$0x3FC6] =	sst s2  }
0x8f: {  	_ = 	snop  }
0x90: {  	s2 =	sld [smem:$0x3FD0];
	(tm) =	ssettm $0x1  }
0x91: {  	s18 =	sld [smem:$0x3FFB];
	_ =	sdelay $0x3  }
0x92: {  	_ =	strace s18  }
0x93: {  	s3 =	sld [smem:$0x3FFC];
	_ =	sdelay $0x3  }
0x94: {  	_ =	strace s3  }
0x95: {  	s3 =	sld [smem:$0x3FFD];
	_ =	sdelay $0x3  }
0x96: {  	_ =	strace s3  }
0x97: {  	_ =	strace $0x8FFFFFFF  }
0x98: {  	s19 =	sld [smem:$0x3FDB];
	_ =	sdelay $0x1  }
0x99: {  	s4 =	simm.s32 $_scs_section_size  }
0x9a: {  	s5 =	simm.s32 $_size__tile_overlayer_lowered;
	s6 =	simm.s32 $_tile_overlayer_lowered  }
0x9b: {  	s22 =	simm.s32 $0x1BFF;
	s21 =	sshll.u32 s6, $0x1;
	s3 =	sadd.s32 s4, s19  }
0x9c: {  	s7 =	simm.s32 $0x0;
	s20 =	sshll.u32 s5, $0x1;
	s5 =	sadd.s32 s21, s3  }
0x9d: {  	[timem:s7], [sflag:s22] =	dma.local [hbm:s5], s20  }
0x9e: {  	_ =	swait.ge [sflag:s22], s20  }
0x9f: {  	s4 =	ssub.s32 $0x0, s20;
	[sflag:s22] =	ssyncset.done $0x0  }
0xa0: {  	[sflag:s22] =	ssyncadd.s32 s4;
	_ =	sdelay $0x1  }
0xa1: {  	s23 =	simm.s32 $0x1B8B  }
0xa2: {  	_ =	swait.ge [sflag:s23], $0x1  }
0xa3: {  	[sflag:s23] =	ssyncset.done $0x0  }
0xa4: {  	s25 =	simm.s32 $0x1B8E;
	s24 =	sld [smem:$0x3FFE];
	[sflag:s23] =	ssyncadd.s32 $0xFFFFFFFF  }
0xa5: {  	s26 =	simm.s32 $execute0_lowered;
	[smem:$0x3FD2] =	sst s25  }
0xa6: {  	s5 =	sshll.u32 s26, $0x1;
	_ =	strace $0x80000046;
	[dreg:$0x1] =	wrdreg $0xFFFFFFFF  }
0xa7: {  	s28 =	simm.s32 $_size_execute0_lowered;
	s3 =	sadd.s32 s3, s5;
	[dreg:$0x0] =	wrdreg $0x0  }
0xa8: {  	s5 =	sshll.u32 s28, $0x1;
	[dreg:$0x2] =	wrdreg s3  }
0xa9: {  	[dreg:$0x3] =	wrdreg s5  }
0xaa: {  	[dreg:$0x4] =	wrdreg $0xC0  }
0xab: {  	_ =	task [dreg:s7], $0x5FFFF  }
0xac: {  	[dreg:$0x1] =	wrdreg $0xFFFFFFFF  }
0xad: {  	[dreg:$0x0] =	wrdreg $0x60  }
0xae: {  	[dreg:$0x2] =	wrdreg s24  }
0xaf: {  	[dreg:$0x3] =	wrdreg s2  }
0xb0: {  	[dreg:$0x4] =	wrdreg $0x9  }
0xb1: {  	_ =	task.clear_ibuf [dreg:s7], $0x5FFFF;
	_ =	strace $0x90000046  }
0xb2: {  	s29 =	simm.s32 $0x9;
	_ =	strace $0x80000048  }
0xb3: {  	_ =	swait.ge [sflag:s29], $0x1  }
0xb4: {  	[sflag:s29] =	ssyncadd.s32 $0xFFFFFFFF  }
0xb5: {  	_ =	strace $0x90000048  }
0xb6: {  	_ =	sfence  }
0xb7: {  	s30 =	sld [smem:$0x0];
	_ =	sdelay $0x2  }
0xb8: {  	s31 =	sshll.u32 s1, $0xD;
	s1 =	sshrl.u32 s1, $0x2  }
0xb9: {  	s3 =	sand.u32 $0x4000, s31;
	s1 =	sadd.s32 s1, s30  }
0xba: {  	s0 =	sor.u32 s3, s0;
	s1 =	sshll.u32 s1, $0x11  }
0xbb: {  	s0 =	sor.u32 s1, s0  }
0xbc: {  	s0 =	sadd.s32 $0x8F2B, s0  }
0xbd: {  	[sflag:s0] =	ssyncadd.remote.s32 $0x1  }
0xbe: {  	_ =	sfence.sel $0xFFFF  }
0xbf: {  	[dreg:$0x0] =	wrdreg $0xFFFFFFFF;
	(pc) =	sbr.abs _section_cstart, $3  }
0xc0: {  	[dreg:$0x1] =	wrdreg $0xFFFFFFFF  }
0xc1: {  	_ =	task.clear_ibuf [dreg:s7], $0x2FFFF;
	_ =	strace $0x9FFFFFFF  }
0xc2: {  	(tm) =	ssettm $0x7FFFFFFF  }
0xc3: {  	_ =	shalt  }
tec
execute0_lowered:
.L_overlay_start_1:
0x0: {  	(tag) =	ssettag $0x1  }
0x1: {  	v0 =	vlaneseq.u32  }
0x2: {  	v0 =	vmul.u32 $0x88, v0;
	_ =	sdelay $0x1  }
0x3: {  	v56 =	vadd.s32 $0x880, v0  }
0x4: {  	v62 =	vadd.s32 $0x1100, v0;
	v59 =	vadd.s32 $0x1980, v0;
	v12 =	vor.u32 $0x1, v0  }
0x5: {  	v11 =	vadd.s32 $0x881, v0;
	v63 =	vadd.s32 $0x1101, v0;
	v60 =	vadd.s32 $0x1981, v0  }
0x6: {  	v52 =	vor.u32 $0x2, v0;
	v61 =	vadd.s32 $0x882, v0;
	v18 =	vadd.s32 $0x1102, v0  }
0x7: {  	s0 =	rddreg [dreg:$0x0];
	v2 =	vadd.s32 $0x1982, v0;
	v53 =	vor.u32 $0x3, v0;
	v15 =	vadd.s32 $0x883, v0  }
0x8: {  	s1 =	srdreg.scid;
	s3 =	stileid.u32;
	v17 =	vadd.s32 $0x1103, v0;
	v19 =	vadd.s32 $0x1983, v0;
	v7 =	vor.u32 $0x4, v0  }
0x9: {  	s2 =	rddreg [dreg:$0x1];
	s14 =	simm.s32 $0x2;
	s15 =	simm.s32 $0xC600;
	v22 =	vadd.s32 $0x884, v0;
	v6 =	vadd.s32 $0x1104, v0;
	v23 =	vadd.s32 $0x1984, v0  }
0xa: {  	s10 =	simm.s32 $0xBE90;
	s4 =	sshll.u32 s3, $0x1;
	s3 =	simm.s32 $0x0;
	v5 =	vor.u32 $0x5, v0;
	v29 =	vadd.s32 $0x885, v0;
	v3 =	vadd.s32 $0x1105, v0  }
0xb: {  	s16 =	simm.s32 $0xBF18;
	s17 =	simm.s32 $0xBFA0;
	[smem:$0x7FF] =	sst s3;
	v27 =	vadd.s32 $0x1985, v0;
	v4 =	vor.u32 $0x6, v0;
	v32 =	vadd.s32 $0x886, v0  }
0xc: {  	s30 =	simm.s32 $0x3;
	s18 =	simm.s32 $0xC028;
	_ =	strace $0x80000047;
	v8 =	vadd.s32 $0x1106, v0;
	v31 =	vadd.s32 $0x1986, v0;
	v21 =	vor.u32 $0x7, v0;
	[tilespmem:$0x1FF60] =	vst v0  }
0xd: {  	s31 =	simm.s32 $0x4;
	s19 =	simm.s32 $0xC0B0;
	s20 =	simm.s32 $0xC138;
	v57 =	vadd.s32 $0x887, v0;
	v26 =	vadd.s32 $0x1107, v0;
	v0 =	vadd.s32 $0x1987, v0;
	[tilespmem:$0x1FF50] =	vst v8  }
0xe: {  	s21 =	simm.s32 $0xC1C0;
	s22 =	simm.s32 $0xC248;
	s23 =	simm.s32 $0xC2D0;
	[tilespmem:$0x1FF70] =	vst v0  }
0xf: {  	s24 =	simm.s32 $0xC358;
	s28 =	simm.s32 $0xC4F0;
	s1 =	sand.u32 $0x1, s1;
	[tilespmem:$0x1FF80] =	vst v2  }
0x10: {  	s29 =	simm.s32 $0xC578;
	s5 =	sor.u32 s1, s4;
	s1 =	ssub.s32 $0x2, s1;
	[tilespmem:$0x1FF90] =	vst v19  }
0x11: {  	s9 =	simm.s32 $0x0;
	s4 =	sshll.u32 s5, $0x6;
	s7 =	sshrl.u32 s1, $0x1;
	[tilespmem:$0x1FFA0] =	vst v60  }
.Ltmp0:
0x12: {  	s5 =	sshll.u32 s5, $0x2;
	s6 =	sadd.s32 s4, s0;
	[tilespmem:$0x1FFB0] =	vst v3;
	(pc) =	sbr.rel .LBB2_1-.Ltmp0, $4  }
0x13: {  	s4 =	sadd.s32 $0xF42A00, s0;
	s25 =	ssub.s32 s1, s7;
	s1 =	simm.s32 $0x1;
	[tilespmem:$0x1FFC0] =	vst v59  }
0x14: {  	s7 =	simm.s32 $0xBE08;
	[tilespmem:$0x1FFD0] =	vst v56;
	s26 =	sadd.s32 $0x600, s6;
	s0 =	smax.u32 s25, $0x1  }
0x15: {  	v1 =	vimm.s32 $0x0;
	vm0 =	vcmask $0x300;
	[tilespmem:$0x1FFE0] =	vst v11;
	s6 =	simm.s32 $0xBD80;
	s25 =	simm.s32 $0xC3E0;
	[dreg:$0x3] =	wrdreg s26  }
0x16: {  	v1 =	vsel vm0, $0x3, v1;
	[tilespmem:$0x1FFF0] =	vst v22;
	[dreg:$0x4] =	wrdreg s0;
	s0 =	simm.s32 $0xA400;
	s26 =	simm.s32 $0xC468  }
.LBB2_10:
0x17: {  	_ =	swait.ge [sflag:s30], $0x400  }
0x18: {  	[sflag:s30] =	ssyncset.done $0x0  }
0x19: {  	[sflag:s30] =	ssyncadd.s32 $0xFFFFFC00  }
0x1a: {  	_ =	swait.ge [sflag:s30], $0x400  }
0x1b: {  	[sflag:s30] =	ssyncset.done $0x0  }
0x1c: {  	[sflag:s30] =	ssyncadd.s32 $0xFFFFFC00  }
0x1d: {  	_ =	swait.ge [sflag:s30], $0x400  }
0x1e: {  	[sflag:s30] =	ssyncset.done $0x0  }
0x1f: {  	[sflag:s30] =	ssyncadd.s32 $0xFFFFFC00  }
0x20: {  	_ =	swait.ge [sflag:s30], $0x400  }
0x21: {  	[sflag:s30] =	ssyncset.done $0x0  }
0x22: {  	[sflag:s30] =	ssyncadd.s32 $0xFFFFFC00  }
0x23: {  	_ =	swait.ge [sflag:s30], $0x400  }
0x24: {  	[sflag:s30] =	ssyncset.done $0x0  }
0x25: {  	[sflag:s30] =	ssyncadd.s32 $0xFFFFFC00  }
0x26: {  	_ =	swait.ge [sflag:s30], $0x400  }
0x27: {  	[sflag:s30] =	ssyncset.done $0x0  }
0x28: {  	[sflag:s30] =	ssyncadd.s32 $0xFFFFFC00  }
0x29: {  	_ =	swait.ge [sflag:s30], $0x400  }
0x2a: {  	[sflag:s30] =	ssyncset.done $0x0  }
0x2b: {  	[sflag:s30] =	ssyncadd.s32 $0xFFFFFC00  }
0x2c: {  	_ =	swait.ge [sflag:s30], $0x400  }
0x2d: {  	[sflag:s30] =	ssyncset.done $0x0  }
0x2e: {  	[sflag:s30] =	ssyncadd.s32 $0xFFFFFC00  }
0x2f: {  	_ =	swait.ge [sflag:s31], $0x400  }
0x30: {  	[sflag:s31] =	ssyncset.done $0x0  }
0x31: {  	[sflag:s31] =	ssyncadd.s32 $0xFFFFFC00  }
0x32: {  	_ =	swait.ge [sflag:s31], $0x400  }
0x33: {  	[sflag:s31] =	ssyncset.done $0x0  }
0x34: {  	[sflag:s31] =	ssyncadd.s32 $0xFFFFFC00  }
0x35: {  	_ =	swait.ge [sflag:s31], $0x400  }
0x36: {  	[sflag:s31] =	ssyncset.done $0x0  }
0x37: {  	[sflag:s31] =	ssyncadd.s32 $0xFFFFFC00  }
0x38: {  	_ =	swait.ge [sflag:s31], $0x400  }
0x39: {  	[sflag:s31] =	ssyncset.done $0x0  }
0x3a: {  	[sflag:s31] =	ssyncadd.s32 $0xFFFFFC00  }
0x3b: {  	_ =	swait.ge [sflag:s31], $0x400  }
0x3c: {  	[sflag:s31] =	ssyncset.done $0x0  }
0x3d: {  	[sflag:s31] =	ssyncadd.s32 $0xFFFFFC00  }
0x3e: {  	_ =	swait.ge [sflag:s31], $0x400  }
0x3f: {  	[sflag:s31] =	ssyncset.done $0x0  }
0x40: {  	[sflag:s31] =	ssyncadd.s32 $0xFFFFFC00  }
0x41: {  	_ =	swait.ge [sflag:s31], $0x400  }
0x42: {  	[sflag:s31] =	ssyncset.done $0x0  }
0x43: {  	[sflag:s31] =	ssyncadd.s32 $0xFFFFFC00  }
0x44: {  	_ =	swait.ge [sflag:s31], $0x400  }
0x45: {  	s9 =	rddreg [dreg:$0x5]  }
0x46: {  	s8 =	rddreg [dreg:$0x4];
	s9 =	sadd.s32 $0x1, s9  }
0x47: {  	p0 =	sne.s32 s9, s8  }
.Ltmp1:
0x48: {  	_ = 	snop;
	(pc) =	sbr.rel @!p0 .LBB2_11-.Ltmp1, $3  }
0x49: {  	_ =	sdelay $0x1  }
0x4a: {  	[sflag:s31] =	ssyncset.done $0x0  }
0x4b: {  	[sflag:s31] =	ssyncadd.s32 $0xFFFFFC00  }
.LBB2_1:
0x4c: {  	[dreg:$0x5] =	wrdreg s9  }
0x4d: {  	s8 =	rddreg [dreg:$0x3]  }
0x4e: {  	s13 =	simm.s32 $0x200;
	s11 =	simm.s32 $0x4000;
	s9 =	simm.s32 $0x5  }
0x4f: {  	[tilespmem:s3], [sflag:$0x5] =	stream.strided.gather [hbm4b:s8+s13], $0x6400, s11, s13, $0x38;
	[tilespmem:$0xE800] =	vst v63  }
0x50: {  	_ =	swait.ge [sflag:s9], $0x6400  }
.Ltmp2:
0x51: {  	[sflag:s9] =	ssyncset.done $0x0;
	(pc) =	sbr.rel .LBB2_2-.Ltmp2, $4  }
0x52: {  	s12 =	simm.s32 $0x6400;
	s11 =	simm.s32 $0x80;
	[sflag:s9] =	ssyncadd.s32 $0xFFFF9C00  }
0x53: {  	[tilespmem:s12], [sflag:$0x1] =	stream.indirect.gather [hbm4b:s4+s11], $0x40, s3, s11, $0xb8;
	[tilespmem:$0xE800] =	vst v63  }
0x54: {  	s13 =	simm.s32 $0x8400;
	s8 =	simm.s32 $0x0  }
0x55: {  	[tilespmem:s13], [sflag:$0x2] =	stream.indirect.gather [hbm4b:s4+s11], $0x40, s11, s11, $0xb8;
	[tilespmem:$0xE800] =	vst v63  }
.LBB2_5:
0x56: {  	_ =	sdelay $0x3  }
0x57: {  	v2 =	vadd.s32 v21, v37;
	[tilespmem:v55+s0+$0x0] =	vst.idx.msk $0xffff, v39;
	v57 =	vmul.f32 $8.000000000e+00, v56  }
0x58: {  	v3 =	vld [tilespmem:s9+$0x30];
	v58 =	vmul.f32 $8.000000000e+00, v50;
	[tilespmem:v51+s0+$0x0] =	vst.idx.msk $0xffff, v40  }
0x59: {  	v61 =	vmul.f32 $8.000000000e+00, v52;
	[tilespmem:v53+s0+$0x0] =	vst.idx.msk $0xffff, v57  }
0x5a: {  	v55 =	vmul.f32 $8.000000000e+00, v49;
	[tilespmem:v48+s0+$0x0] =	vst.idx.msk $0xffff, v58  }
0x5b: {  	[tilespmem:v41+s0+$0x0] =	vst.idx.msk $0xffff, v61  }
0x5c: {  	v0 =	vmov s13;
	v50 =	vld [tilespmem:s9+$0x70];
	[tilespmem:v2+s0+$0x0] =	vst.idx.msk $0xffff, v55  }
0x5d: {  	v36 =	vadd.s32 v19, v36;
	v0 =	vshrl.u32 v0, $0x3;
	v2 =	vmul.f32 $8.000000000e+00, v3;
	v3 =	vld [tilespmem:$0x1FF60]  }
0x5e: {  	v35 =	vadd.s32 v23, v35;
	s11 =	sadd.s32 $0x200, s9;
	v51 =	vld [tilespmem:s9+$0xB0];
	v0 =	vshll.u32 v0, v1  }
0x5f: {  	v33 =	vadd.s32 v27, v33;
	v37 =	vld [tilespmem:s11+$0xC0];
	v0 =	vbroadcast v0, $0x0  }
0x60: {  	v34 =	vadd.s32 v31, v34;
	v56 =	vld [tilespmem:s11+$0xFFFFFF00];
	v57 =	vmul.f32 $8.000000000e+00, v54  }
0x61: {  	v42 =	vshll.u32 v42, v1;
	v47 =	vbroadcast v47, $0x0;
	v41 =	vld [tilespmem:s11+$0xFFFFFF40];
	v49 =	vadd.s32 v28, v0  }
0x62: {  	v44 =	vbroadcast v44, $0x0;
	v58 =	vld [tilespmem:s11+$0xFFFFFF80];
	[tilespmem:v36+s0+$0x0] =	vst.idx.msk $0xffff, v57;
	v61 =	vmul.f32 $8.000000000e+00, v50;
	v3 =	vadd.s32 v3, v38  }
0x63: {  	v45 =	vbroadcast v45, $0x0;
	v40 =	vadd.s32 v12, v47;
	v54 =	vld [tilespmem:s11+$0xFFFFFFC0];
	[tilespmem:v35+s0+$0x0] =	vst.idx.msk $0xffff, v2;
	v2 =	vmul.f32 $8.000000000e+00, v51  }
0x64: {  	v46 =	vbroadcast v46, $0x0;
	v37 =	vmul.f32 $8.000000000e+00, v37;
	v35 =	vadd.s32 v16, v44;
	v51 =	vld [tilespmem:s11+$0x0];
	[tilespmem:v33+s0+$0x0] =	vst.idx.msk $0xffff, v61  }
0x65: {  	v43 =	vbroadcast v43, $0x0;
	v55 =	vmul.f32 $8.000000000e+00, v56;
	v56 =	vadd.s32 v20, v45;
	v57 =	vld [tilespmem:s11+$0x40];
	[tilespmem:v34+s0+$0x0] =	vst.idx.msk $0xffff, v2  }
0x66: {  	v42 =	vbroadcast v42, $0x0;
	v2 =	vmul.f32 $8.000000000e+00, v41;
	v34 =	vadd.s32 v7, v46;
	v41 =	vld [tilespmem:s11+$0x80];
	[tilespmem:v49+s0+$0x0] =	vst.idx.msk $0xffff, v37  }
0x67: {  	v37 =	vld [tilespmem:s11+$0xD0];
	[tilespmem:v3+s0+$0x0] =	vst.idx.msk $0xffff, v55;
	v3 =	vmul.f32 $8.000000000e+00, v58;
	v58 =	vadd.s32 v5, v43  }
0x68: {  	[tilespmem:v40+s0+$0x0] =	vst.idx.msk $0xffff, v2;
	v2 =	vmul.f32 $8.000000000e+00, v54;
	v40 =	vadd.s32 v4, v42;
	v61 =	vld [tilespmem:s11+$0xFFFFFF10]  }
0x69: {  	v54 =	vld [tilespmem:s11+$0xFFFFFF50];
	[tilespmem:v35+s0+$0x0] =	vst.idx.msk $0xffff, v3;
	v3 =	vmul.f32 $8.000000000e+00, v51;
	v35 =	vadd.s32 v8, v0  }
0x6a: {  	v50 =	vadd.s32 v24, v38;
	[tilespmem:v56+s0+$0x0] =	vst.idx.msk $0xffff, v2;
	v2 =	vmul.f32 $8.000000000e+00, v57;
	v55 =	vld [tilespmem:s11+$0xFFFFFF90]  }
0x6b: {  	v56 =	vadd.s32 v11, v47;
	v57 =	vld [tilespmem:s11+$0xFFFFFFD0];
	[tilespmem:v34+s0+$0x0] =	vst.idx.msk $0xffff, v3;
	v3 =	vmul.f32 $8.000000000e+00, v41  }
0x6c: {  	v52 =	vadd.s32 v14, v44;
	v53 =	vld [tilespmem:s11+$0x10];
	[tilespmem:v58+s0+$0x0] =	vst.idx.msk $0xffff, v2;
	v2 =	vmul.f32 $8.000000000e+00, v37  }
0x6d: {  	v37 =	vadd.s32 v15, v45;
	v58 =	vmul.f32 $8.000000000e+00, v61;
	v61 =	vld [tilespmem:s11+$0x50];
	[tilespmem:v40+s0+$0x0] =	vst.idx.msk $0xffff, v3  }
0x6e: {  	v3 =	vmul.f32 $8.000000000e+00, v54;
	v40 =	vadd.s32 v22, v46;
	v54 =	vld [tilespmem:s11+$0x90];
	[tilespmem:v35+s0+$0x0] =	vst.idx.msk $0xffff, v2  }
0x6f: {  	[tilespmem:v50+s0+$0x0] =	vst.idx.msk $0xffff, v58;
	v2 =	vmul.f32 $8.000000000e+00, v55;
	v55 =	vadd.s32 v29, v43;
	v35 =	vld [tilespmem:s11+$0xE0]  }
0x70: {  	[tilespmem:v56+s0+$0x0] =	vst.idx.msk $0xffff, v3;
	v3 =	vmul.f32 $8.000000000e+00, v57;
	v56 =	vadd.s32 v32, v42;
	v50 =	vld [tilespmem:s11+$0xFFFFFF20]  }
0x71: {  	v34 =	vadd.s32 v26, v0;
	v57 =	vld [tilespmem:s11+$0xFFFFFF60];
	[tilespmem:v52+s0+$0x0] =	vst.idx.msk $0xffff, v2;
	v2 =	vmul.f32 $8.000000000e+00, v53  }
0x72: {  	v41 =	vadd.s32 v10, v38;
	[tilespmem:v37+s0+$0x0] =	vst.idx.msk $0xffff, v3;
	v58 =	vld [tilespmem:s11+$0xFFFFFFA0];
	v3 =	vmul.f32 $8.000000000e+00, v61  }
0x73: {  	v37 =	vadd.s32 v17, v47;
	v61 =	vld [tilespmem:s11+$0xFFFFFFE0];
	[tilespmem:v40+s0+$0x0] =	vst.idx.msk $0xffff, v2;
	v2 =	vmul.f32 $8.000000000e+00, v54  }
0x74: {  	v40 =	vadd.s32 v18, v44;
	v52 =	vld [tilespmem:s11+$0x20];
	[tilespmem:v55+s0+$0x0] =	vst.idx.msk $0xffff, v3;
	v3 =	vmul.f32 $8.000000000e+00, v35  }
0x75: {  	v54 =	vadd.s32 v25, v45;
	v53 =	vmul.f32 $8.000000000e+00, v50;
	v55 =	vld [tilespmem:s11+$0x60];
	[tilespmem:v56+s0+$0x0] =	vst.idx.msk $0xffff, v2  }
0x76: {  	v2 =	vmul.f32 $8.000000000e+00, v57;
	v56 =	vadd.s32 v6, v46;
	v57 =	vld [tilespmem:s11+$0xA0];
	[tilespmem:v34+s0+$0x0] =	vst.idx.msk $0xffff, v3  }
0x77: {  	[tilespmem:v41+s0+$0x0] =	vst.idx.msk $0xffff, v53;
	v3 =	vmul.f32 $8.000000000e+00, v58;
	v58 =	vadd.s32 v30, v43;
	v34 =	vld [tilespmem:s11+$0xF0]  }
0x78: {  	[tilespmem:v37+s0+$0x0] =	vst.idx.msk $0xffff, v2;
	v2 =	vmul.f32 $8.000000000e+00, v61;
	v61 =	vadd.s32 v62, v42;
	v41 =	vld [tilespmem:s11+$0xFFFFFF30]  }
0x79: {  	v0 =	vadd.s32 v63, v0;
	v62 =	vld [tilespmem:s11+$0xFFFFFF70];
	[tilespmem:v40+s0+$0x0] =	vst.idx.msk $0xffff, v3;
	v3 =	vmul.f32 $8.000000000e+00, v52  }
0x7a: {  	v51 =	vadd.s32 v9, v38;
	[tilespmem:v54+s0+$0x0] =	vst.idx.msk $0xffff, v2;
	v40 =	vld [tilespmem:s11+$0xFFFFFFB0];
	v2 =	vmul.f32 $8.000000000e+00, v55  }
0x7b: {  	v52 =	vadd.s32 v13, v47;
	v53 =	vld [tilespmem:s11+$0xFFFFFFF0];
	[tilespmem:v56+s0+$0x0] =	vst.idx.msk $0xffff, v3;
	v3 =	vmul.f32 $8.000000000e+00, v57  }
0x7c: {  	v54 =	vadd.s32 v21, v44;
	v55 =	vld [tilespmem:s11+$0x30];
	[tilespmem:v58+s0+$0x0] =	vst.idx.msk $0xffff, v2;
	v2 =	vmul.f32 $8.000000000e+00, v34  }
0x7d: {  	v57 =	vadd.s32 v19, v45;
	v56 =	vmul.f32 $8.000000000e+00, v41;
	v58 =	vld [tilespmem:s11+$0x70];
	[tilespmem:v61+s0+$0x0] =	vst.idx.msk $0xffff, v3  }
0x7e: {  	v3 =	vmul.f32 $8.000000000e+00, v62;
	v61 =	vadd.s32 v23, v46;
	v62 =	vld [tilespmem:s11+$0xB0];
	[tilespmem:v0+s0+$0x0] =	vst.idx.msk $0xffff, v2  }
0x7f: {  	v2 =	vadd.s32 v27, v43;
	[tilespmem:v51+s0+$0x0] =	vst.idx.msk $0xffff, v56;
	v0 =	vmul.f32 $8.000000000e+00, v40  }
0x80: {  	s12 =	sand.u32 $0x2, s8;
	v63 =	vadd.s32 v31, v42;
	[tilespmem:v52+s0+$0x0] =	vst.idx.msk $0xffff, v3;
	v3 =	vmul.f32 $8.000000000e+00, v53  }
0x81: {  	s9 =	sor.u32 s5, s12;
	s11 =	sshll.u32 s8, $0x12;
	[tilespmem:v54+s0+$0x0] =	vst.idx.msk $0xffff, v0;
	v0 =	vmul.f32 $8.000000000e+00, v55  }
0x82: {  	s9 =	sshll.u32 s9, $0xA;
	s11 =	sand.u32 $0x3F00000, s11;
	[tilespmem:v57+s0+$0x0] =	vst.idx.msk $0xffff, v3;
	v3 =	vmul.f32 $8.000000000e+00, v58  }
0x83: {  	s9 =	sor.u32 s11, s9;
	[tilespmem:v61+s0+$0x0] =	vst.idx.msk $0xffff, v0;
	v0 =	vmul.f32 $8.000000000e+00, v62  }
0x84: {  	s9 =	sshrl.u32 s9, $0x3;
	[tilespmem:v2+s0+$0x0] =	vst.idx.msk $0xffff, v3  }
0x85: {  	s9 =	sadd.s32 s2, s9;
	[tilespmem:v63+s0+$0x0] =	vst.idx.msk $0xffff, v0  }
0x86: {  	[hbm4b:s9+s3] =	stream.linear.scatter [tilespmem:s0], [sflag:$0x3], $0x80, $0x38;
	[tilespmem:$0xE800] =	vst v63  }
0x87: {  	s12 =	simm.s32 $0xA488;
	s13 =	sadd.s32 $0x10, s9  }
0x88: {  	[hbm4b:s13+s3] =	stream.linear.scatter [tilespmem:s12], [sflag:$0x3], $0x80, $0x38;
	[tilespmem:$0xE800] =	vst v63  }
0x89: {  	s12 =	sadd.s32 $0x20, s9;
	s13 =	simm.s32 $0xA510  }
0x8a: {  	[hbm4b:s12+s3] =	stream.linear.scatter [tilespmem:s13], [sflag:$0x3], $0x80, $0x38;
	[tilespmem:$0xE800] =	vst v63  }
0x8b: {  	s12 =	sadd.s32 $0x30, s9;
	s13 =	simm.s32 $0xA598  }
0x8c: {  	[hbm4b:s12+s3] =	stream.linear.scatter [tilespmem:s13], [sflag:$0x3], $0x80, $0x38;
	[tilespmem:$0xE800] =	vst v63  }
0x8d: {  	s12 =	sadd.s32 $0x40, s9;
	s13 =	simm.s32 $0xA620  }
0x8e: {  	[hbm4b:s12+s3] =	stream.linear.scatter [tilespmem:s13], [sflag:$0x3], $0x80, $0x38;
	[tilespmem:$0xE800] =	vst v63  }
0x8f: {  	s12 =	sadd.s32 $0x50, s9;
	s13 =	simm.s32 $0xA6A8  }
0x90: {  	[hbm4b:s12+s3] =	stream.linear.scatter [tilespmem:s13], [sflag:$0x3], $0x80, $0x38;
	[tilespmem:$0xE800] =	vst v63  }
0x91: {  	s12 =	sadd.s32 $0x60, s9;
	s13 =	simm.s32 $0xA730  }
0x92: {  	[hbm4b:s12+s3] =	stream.linear.scatter [tilespmem:s13], [sflag:$0x3], $0x80, $0x38;
	[tilespmem:$0xE800] =	vst v63  }
0x93: {  	s12 =	sadd.s32 $0x70, s9;
	s13 =	simm.s32 $0xA7B8  }
0x94: {  	[hbm4b:s12+s3] =	stream.linear.scatter [tilespmem:s13], [sflag:$0x3], $0x80, $0x38;
	[tilespmem:$0xE800] =	vst v63  }
0x95: {  	s12 =	sadd.s32 $0x4000, s9;
	s13 =	simm.s32 $0xA840  }
0x96: {  	[hbm4b:s12+s3] =	stream.linear.scatter [tilespmem:s13], [sflag:$0x3], $0x80, $0x38;
	[tilespmem:$0xE800] =	vst v63  }
0x97: {  	s12 =	sadd.s32 $0x4010, s9;
	s13 =	simm.s32 $0xA8C8  }
0x98: {  	[hbm4b:s12+s3] =	stream.linear.scatter [tilespmem:s13], [sflag:$0x3], $0x80, $0x38;
	[tilespmem:$0xE800] =	vst v63  }
0x99: {  	s12 =	sadd.s32 $0x4020, s9;
	s13 =	simm.s32 $0xA950  }
0x9a: {  	[hbm4b:s12+s3] =	stream.linear.scatter [tilespmem:s13], [sflag:$0x3], $0x80, $0x38;
	[tilespmem:$0xE800] =	vst v63  }
0x9b: {  	s12 =	sadd.s32 $0x4030, s9;
	s13 =	simm.s32 $0xA9D8  }
0x9c: {  	[hbm4b:s12+s3] =	stream.linear.scatter [tilespmem:s13], [sflag:$0x3], $0x80, $0x38;
	[tilespmem:$0xE800] =	vst v63  }
0x9d: {  	s12 =	sadd.s32 $0x4040, s9;
	s13 =	simm.s32 $0xAA60  }
0x9e: {  	[hbm4b:s12+s3] =	stream.linear.scatter [tilespmem:s13], [sflag:$0x3], $0x80, $0x38;
	[tilespmem:$0xE800] =	vst v63  }
0x9f: {  	s12 =	sadd.s32 $0x4050, s9;
	s13 =	simm.s32 $0xAAE8  }
0xa0: {  	[hbm4b:s12+s3] =	stream.linear.scatter [tilespmem:s13], [sflag:$0x3], $0x80, $0x38;
	[tilespmem:$0xE800] =	vst v63  }
0xa1: {  	s12 =	sadd.s32 $0x4060, s9;
	s13 =	simm.s32 $0xAB70  }
0xa2: {  	[hbm4b:s12+s3] =	stream.linear.scatter [tilespmem:s13], [sflag:$0x3], $0x80, $0x38;
	[tilespmem:$0xE800] =	vst v63  }
0xa3: {  	s12 =	sadd.s32 $0x4070, s9;
	s13 =	simm.s32 $0xABF8  }
0xa4: {  	[hbm4b:s12+s3] =	stream.linear.scatter [tilespmem:s13], [sflag:$0x3], $0x80, $0x38;
	[tilespmem:$0xE800] =	vst v63  }
0xa5: {  	s12 =	sadd.s32 $0x8000, s9;
	s13 =	simm.s32 $0xAC80  }
0xa6: {  	[hbm4b:s12+s3] =	stream.linear.scatter [tilespmem:s13], [sflag:$0x3], $0x80, $0x38;
	[tilespmem:$0xE800] =	vst v63  }
0xa7: {  	s12 =	sadd.s32 $0x8010, s9;
	s13 =	simm.s32 $0xAD08  }
0xa8: {  	[hbm4b:s12+s3] =	stream.linear.scatter [tilespmem:s13], [sflag:$0x3], $0x80, $0x38;
	[tilespmem:$0xE800] =	vst v63  }
0xa9: {  	s12 =	sadd.s32 $0x8020, s9;
	s13 =	simm.s32 $0xAD90  }
0xaa: {  	[hbm4b:s12+s3] =	stream.linear.scatter [tilespmem:s13], [sflag:$0x3], $0x80, $0x38;
	[tilespmem:$0xE800] =	vst v63  }
0xab: {  	s12 =	sadd.s32 $0x8030, s9;
	s13 =	simm.s32 $0xAE18  }
0xac: {  	[hbm4b:s12+s3] =	stream.linear.scatter [tilespmem:s13], [sflag:$0x3], $0x80, $0x38;
	[tilespmem:$0xE800] =	vst v63  }
0xad: {  	s12 =	sadd.s32 $0x8040, s9;
	s13 =	simm.s32 $0xAEA0  }
0xae: {  	[hbm4b:s12+s3] =	stream.linear.scatter [tilespmem:s13], [sflag:$0x3], $0x80, $0x38;
	[tilespmem:$0xE800] =	vst v63  }
0xaf: {  	s12 =	sadd.s32 $0x8050, s9;
	s13 =	simm.s32 $0xAF28  }
0xb0: {  	[hbm4b:s12+s3] =	stream.linear.scatter [tilespmem:s13], [sflag:$0x3], $0x80, $0x38;
	[tilespmem:$0xE800] =	vst v63  }
0xb1: {  	s12 =	sadd.s32 $0x8060, s9;
	s13 =	simm.s32 $0xAFB0  }
0xb2: {  	[hbm4b:s12+s3] =	stream.linear.scatter [tilespmem:s13], [sflag:$0x3], $0x80, $0x38;
	[tilespmem:$0xE800] =	vst v63  }
0xb3: {  	s12 =	sadd.s32 $0x8070, s9;
	s13 =	simm.s32 $0xB038  }
0xb4: {  	[hbm4b:s12+s3] =	stream.linear.scatter [tilespmem:s13], [sflag:$0x3], $0x80, $0x38;
	[tilespmem:$0xE800] =	vst v63  }
0xb5: {  	s12 =	sadd.s32 $0xC000, s9;
	s13 =	simm.s32 $0xB0C0  }
0xb6: {  	[hbm4b:s12+s3] =	stream.linear.scatter [tilespmem:s13], [sflag:$0x3], $0x80, $0x38;
	[tilespmem:$0xE800] =	vst v63  }
0xb7: {  	s12 =	sadd.s32 $0xC010, s9;
	s13 =	simm.s32 $0xB148  }
0xb8: {  	[hbm4b:s12+s3] =	stream.linear.scatter [tilespmem:s13], [sflag:$0x3], $0x80, $0x38;
	[tilespmem:$0xE800] =	vst v63  }
0xb9: {  	s12 =	sadd.s32 $0xC020, s9;
	s13 =	simm.s32 $0xB1D0  }
0xba: {  	[hbm4b:s12+s3] =	stream.linear.scatter [tilespmem:s13], [sflag:$0x3], $0x80, $0x38;
	[tilespmem:$0xE800] =	vst v63  }
0xbb: {  	s12 =	sadd.s32 $0xC030, s9;
	s13 =	simm.s32 $0xB258  }
0xbc: {  	[hbm4b:s12+s3] =	stream.linear.scatter [tilespmem:s13], [sflag:$0x3], $0x80, $0x38;
	[tilespmem:$0xE800] =	vst v63  }
0xbd: {  	s12 =	sadd.s32 $0xC040, s9;
	s13 =	simm.s32 $0xB2E0  }
0xbe: {  	[hbm4b:s12+s3] =	stream.linear.scatter [tilespmem:s13], [sflag:$0x3], $0x80, $0x38;
	[tilespmem:$0xE800] =	vst v63  }
0xbf: {  	s12 =	sadd.s32 $0xC050, s9;
	s13 =	simm.s32 $0xB368  }
0xc0: {  	[hbm4b:s12+s3] =	stream.linear.scatter [tilespmem:s13], [sflag:$0x3], $0x80, $0x38;
	[tilespmem:$0xE800] =	vst v63  }
0xc1: {  	s12 =	sadd.s32 $0xC060, s9;
	s13 =	simm.s32 $0xB3F0  }
0xc2: {  	[hbm4b:s12+s3] =	stream.linear.scatter [tilespmem:s13], [sflag:$0x3], $0x80, $0x38;
	[tilespmem:$0xE800] =	vst v63  }
0xc3: {  	s12 =	sadd.s32 $0xC070, s9;
	s13 =	simm.s32 $0xB478  }
0xc4: {  	[hbm4b:s12+s3] =	stream.linear.scatter [tilespmem:s13], [sflag:$0x3], $0x80, $0x38;
	[tilespmem:$0xE800] =	vst v63  }
0xc5: {  	s11 =	sadd.s32 $0x10000, s9;
	s13 =	simm.s32 $0xB500  }
0xc6: {  	[hbm4b:s11+s3] =	stream.linear.scatter [tilespmem:s13], [sflag:$0x3], $0x80, $0x38;
	[tilespmem:$0xE800] =	vst v63  }
0xc7: {  	s12 =	sadd.s32 $0x10, s11;
	s13 =	simm.s32 $0xB588  }
0xc8: {  	[hbm4b:s12+s3] =	stream.linear.scatter [tilespmem:s13], [sflag:$0x3], $0x80, $0x38;
	[tilespmem:$0xE800] =	vst v63  }
0xc9: {  	s12 =	sadd.s32 $0x20, s11;
	s13 =	simm.s32 $0xB610  }
0xca: {  	[hbm4b:s12+s3] =	stream.linear.scatter [tilespmem:s13], [sflag:$0x3], $0x80, $0x38;
	[tilespmem:$0xE800] =	vst v63  }
0xcb: {  	s12 =	sadd.s32 $0x30, s11;
	s13 =	simm.s32 $0xB698  }
0xcc: {  	[hbm4b:s12+s3] =	stream.linear.scatter [tilespmem:s13], [sflag:$0x3], $0x80, $0x38;
	[tilespmem:$0xE800] =	vst v63  }
0xcd: {  	s12 =	sadd.s32 $0x40, s11;
	s13 =	simm.s32 $0xB720  }
0xce: {  	[hbm4b:s12+s3] =	stream.linear.scatter [tilespmem:s13], [sflag:$0x3], $0x80, $0x38;
	[tilespmem:$0xE800] =	vst v63  }
0xcf: {  	s12 =	sadd.s32 $0x50, s11;
	s13 =	simm.s32 $0xB7A8  }
0xd0: {  	[hbm4b:s12+s3] =	stream.linear.scatter [tilespmem:s13], [sflag:$0x3], $0x80, $0x38;
	[tilespmem:$0xE800] =	vst v63  }
0xd1: {  	s12 =	sadd.s32 $0x60, s11;
	s13 =	simm.s32 $0xB830  }
0xd2: {  	[hbm4b:s12+s3] =	stream.linear.scatter [tilespmem:s13], [sflag:$0x3], $0x80, $0x38;
	[tilespmem:$0xE800] =	vst v63  }
0xd3: {  	s11 =	sadd.s32 $0x70, s11;
	s13 =	simm.s32 $0xB8B8  }
0xd4: {  	[hbm4b:s11+s3] =	stream.linear.scatter [tilespmem:s13], [sflag:$0x3], $0x80, $0x38;
	[tilespmem:$0xE800] =	vst v63  }
0xd5: {  	s11 =	sadd.s32 $0x14000, s9;
	s13 =	simm.s32 $0xB940  }
0xd6: {  	[hbm4b:s11+s3] =	stream.linear.scatter [tilespmem:s13], [sflag:$0x3], $0x80, $0x38;
	[tilespmem:$0xE800] =	vst v63  }
0xd7: {  	s12 =	sadd.s32 $0x10, s11;
	s13 =	simm.s32 $0xB9C8  }
0xd8: {  	[hbm4b:s12+s3] =	stream.linear.scatter [tilespmem:s13], [sflag:$0x3], $0x80, $0x38;
	[tilespmem:$0xE800] =	vst v63  }
0xd9: {  	s12 =	sadd.s32 $0x20, s11;
	s13 =	simm.s32 $0xBA50  }
0xda: {  	[hbm4b:s12+s3] =	stream.linear.scatter [tilespmem:s13], [sflag:$0x3], $0x80, $0x38;
	[tilespmem:$0xE800] =	vst v63  }
0xdb: {  	s12 =	sadd.s32 $0x30, s11;
	s13 =	simm.s32 $0xBAD8  }
0xdc: {  	[hbm4b:s12+s3] =	stream.linear.scatter [tilespmem:s13], [sflag:$0x3], $0x80, $0x38;
	[tilespmem:$0xE800] =	vst v63  }
0xdd: {  	s12 =	sadd.s32 $0x40, s11;
	s13 =	simm.s32 $0xBB60  }
0xde: {  	[hbm4b:s12+s3] =	stream.linear.scatter [tilespmem:s13], [sflag:$0x3], $0x80, $0x38;
	[tilespmem:$0xE800] =	vst v63  }
0xdf: {  	s12 =	sadd.s32 $0x50, s11;
	s13 =	simm.s32 $0xBBE8  }
0xe0: {  	[hbm4b:s12+s3] =	stream.linear.scatter [tilespmem:s13], [sflag:$0x3], $0x80, $0x38;
	[tilespmem:$0xE800] =	vst v63  }
0xe1: {  	s12 =	sadd.s32 $0x60, s11;
	s13 =	simm.s32 $0xBC70  }
0xe2: {  	[hbm4b:s12+s3] =	stream.linear.scatter [tilespmem:s13], [sflag:$0x3], $0x80, $0x38;
	[tilespmem:$0xE800] =	vst v63  }
0xe3: {  	s11 =	sadd.s32 $0x70, s11;
	s13 =	simm.s32 $0xBCF8  }
0xe4: {  	[hbm4b:s11+s3] =	stream.linear.scatter [tilespmem:s13], [sflag:$0x3], $0x80, $0x38;
	[tilespmem:$0xE800] =	vst v63  }
0xe5: {  	s11 =	sadd.s32 $0x18000, s9  }
0xe6: {  	[hbm4b:s11+s3] =	stream.linear.scatter [tilespmem:s6], [sflag:$0x3], $0x80, $0x38;
	[tilespmem:$0xE800] =	vst v63  }
0xe7: {  	s13 =	sadd.s32 $0x10, s11  }
0xe8: {  	[hbm4b:s13+s3] =	stream.linear.scatter [tilespmem:s7], [sflag:$0x3], $0x80, $0x38;
	[tilespmem:$0xE800] =	vst v63  }
0xe9: {  	s13 =	sadd.s32 $0x20, s11  }
0xea: {  	[hbm4b:s13+s3] =	stream.linear.scatter [tilespmem:s10], [sflag:$0x3], $0x80, $0x38;
	[tilespmem:$0xE800] =	vst v63  }
0xeb: {  	s13 =	sadd.s32 $0x30, s11  }
0xec: {  	[hbm4b:s13+s3] =	stream.linear.scatter [tilespmem:s16], [sflag:$0x3], $0x80, $0x38;
	[tilespmem:$0xE800] =	vst v63  }
0xed: {  	s13 =	sadd.s32 $0x40, s11  }
0xee: {  	[hbm4b:s13+s3] =	stream.linear.scatter [tilespmem:s17], [sflag:$0x3], $0x80, $0x38;
	[tilespmem:$0xE800] =	vst v63  }
0xef: {  	s13 =	sadd.s32 $0x50, s11  }
0xf0: {  	[hbm4b:s13+s3] =	stream.linear.scatter [tilespmem:s18], [sflag:$0x3], $0x80, $0x38;
	[tilespmem:$0xE800] =	vst v63  }
0xf1: {  	s13 =	sadd.s32 $0x60, s11  }
0xf2: {  	[hbm4b:s13+s3] =	stream.linear.scatter [tilespmem:s19], [sflag:$0x3], $0x80, $0x38;
	[tilespmem:$0xE800] =	vst v63  }
0xf3: {  	s11 =	sadd.s32 $0x70, s11  }
0xf4: {  	[hbm4b:s11+s3] =	stream.linear.scatter [tilespmem:s20], [sflag:$0x3], $0x80, $0x38;
	[tilespmem:$0xE800] =	vst v63  }
0xf5: {  	s9 =	sadd.s32 $0x1C000, s9  }
0xf6: {  	[hbm4b:s9+s3] =	stream.linear.scatter [tilespmem:s21], [sflag:$0x3], $0x80, $0x38;
	[tilespmem:$0xE800] =	vst v63  }
0xf7: {  	s12 =	sadd.s32 $0x10, s9  }
0xf8: {  	[hbm4b:s12+s3] =	stream.linear.scatter [tilespmem:s22], [sflag:$0x3], $0x80, $0x38;
	[tilespmem:$0xE800] =	vst v63  }
0xf9: {  	s13 =	sadd.s32 $0x20, s9  }
0xfa: {  	[hbm4b:s13+s3] =	stream.linear.scatter [tilespmem:s23], [sflag:$0x3], $0x80, $0x38;
	[tilespmem:$0xE800] =	vst v63  }
0xfb: {  	s12 =	sadd.s32 $0x30, s9  }
0xfc: {  	[hbm4b:s12+s3] =	stream.linear.scatter [tilespmem:s24], [sflag:$0x3], $0x80, $0x38;
	[tilespmem:$0xE800] =	vst v63  }
0xfd: {  	s13 =	sadd.s32 $0x40, s9  }
0xfe: {  	[hbm4b:s13+s3] =	stream.linear.scatter [tilespmem:s25], [sflag:$0x3], $0x80, $0x38;
	[tilespmem:$0xE800] =	vst v63  }
0xff: {  	s12 =	sadd.s32 $0x50, s9  }
0x100: {  	[hbm4b:s12+s3] =	stream.linear.scatter [tilespmem:s26], [sflag:$0x3], $0x80, $0x38;
	[tilespmem:$0xE800] =	vst v63  }
0x101: {  	s13 =	sadd.s32 $0x60, s9  }
0x102: {  	[hbm4b:s13+s3] =	stream.linear.scatter [tilespmem:s28], [sflag:$0x3], $0x80, $0x38;
	[tilespmem:$0xE800] =	vst v63  }
0x103: {  	p0 =	sgt.u32 s8, $0xC5;
	s9 =	sadd.s32 $0x70, s9  }
0x104: {  	[hbm4b:s9+s3] =	stream.linear.scatter [tilespmem:s29], [sflag:$0x3], $0x80, $0x38;
	[tilespmem:$0xE800] =	vst v63  }
0x105: {  	s9 =	sshll.u32 @!p0 s8, $0x9  }
0x106: {  	s9 =	sadd.s32 @!p0 $0x400, s9  }
0x107: {  	v59 =	vmov v9;
	v60 =	vmov v13;
	s9 =	sand.u32 @!p0 $0x3FC00, s9  }
0x108: {  	v21 =	vmovc v28;
	v52 =	vmovc v16;
	v53 =	vmov v20;
	v56 =	vmov v24;
	v57 =	vmov v8;
	s11 =	simm.s32 @!p0 $0x80;
	s12 =	simm.s32 @!p0 $0x6400;
	s9 =	sshrl.u32 @!p0 s9, $0x2  }
0x109: {  	v62 =	vmovc v10;
	v61 =	vmovc v14;
	v63 =	vmov v17;
	v17 =	vmov v25;
	v3 =	vmov v30;
	[tilespmem:s12], [sflag:$0x1] =	stream.indirect.gather @!p0 [hbm4b:s4+s11], $0x40, s9, s11, $0xb8;
	[tilespmem:$0xE800] =	vst v63  }
.LBB2_9:
0x10a: {  	s8 =	sadd.s32 $0x1, s8  }
0x10b: {  	p0 =	sne.s32 s8, $0xC8  }
.Ltmp3:
0x10c: {  	_ = 	snop;
	(pc) =	sbr.rel @!p0 .LBB2_10-.Ltmp3, $1  }
0x10d: {  	_ =	sdelay $0x3  }
.LBB2_2:
0x10e: {  	s9 =	sand.u32 $0x1, s8  }
0x10f: {  	p1 =	seq.s32 s9, $0x1  }
.Ltmp4:
0x110: {  	_ = 	snop;
	(pc) =	sbr.rel @!p1 .LBB2_3-.Ltmp4, $2  }
0x111: {  	_ =	sdelay $0x2  }
0x112: {  	v13 =	vmov v60;
	v9 =	vmov v59;
	p0 =	slt.u32 s8, $0x2  }
0x113: {  	s9 =	simm.s32 @!p0 $0x4  }
0x114: {  	_ =	swait.ge @!p0 [sflag:s9], $0x400  }
0x115: {  	[sflag:s9] =	ssyncset.done @!p0 $0x0  }
0x116: {  	[sflag:s9] =	ssyncadd.s32 @!p0 $0xFFFFFC00  }
0x117: {  	_ =	swait.ge @!p0 [sflag:s9], $0x400  }
0x118: {  	[sflag:s9] =	ssyncset.done @!p0 $0x0  }
0x119: {  	[sflag:s9] =	ssyncadd.s32 @!p0 $0xFFFFFC00  }
0x11a: {  	_ =	swait.ge @!p0 [sflag:s9], $0x400  }
0x11b: {  	[sflag:s9] =	ssyncset.done @!p0 $0x0  }
0x11c: {  	[sflag:s9] =	ssyncadd.s32 @!p0 $0xFFFFFC00  }
0x11d: {  	_ =	swait.ge @!p0 [sflag:s9], $0x400  }
0x11e: {  	[sflag:s9] =	ssyncset.done @!p0 $0x0  }
0x11f: {  	[sflag:s9] =	ssyncadd.s32 @!p0 $0xFFFFFC00  }
0x120: {  	_ =	swait.ge @!p0 [sflag:s9], $0x400  }
0x121: {  	[sflag:s9] =	ssyncset.done @!p0 $0x0  }
0x122: {  	[sflag:s9] =	ssyncadd.s32 @!p0 $0xFFFFFC00  }
0x123: {  	_ =	swait.ge @!p0 [sflag:s9], $0x400  }
0x124: {  	[sflag:s9] =	ssyncset.done @!p0 $0x0  }
0x125: {  	[sflag:s9] =	ssyncadd.s32 @!p0 $0xFFFFFC00  }
0x126: {  	_ =	swait.ge @!p0 [sflag:s9], $0x400  }
0x127: {  	[sflag:s9] =	ssyncset.done @!p0 $0x0  }
0x128: {  	s11 =	simm.s32 $0x0;
	[sflag:s9] =	ssyncadd.s32 @!p0 $0xFFFFFC00  }
0x129: {  	s12 =	simm.s32 $0x2;
	s13 =	simm.s32 $0x3;
	_ =	swait.ge @!p0 [sflag:s9], $0x400  }
0x12a: {  	v24 =	vmovc v3;
	v0 =	vmov s11;
	s11 =	simm.s32 $0x1;
	v3 =	vmov s12;
	v33 =	vmov s13;
	s12 =	simm.s32 $0x5;
	[sflag:s9] =	ssyncset.done @!p0 $0x0  }
0x12b: {  	s13 =	simm.s32 $0x6;
	v0 =	vshrl.u32 v0, $0x3;
	v2 =	vmov s11;
	v35 =	vmov s12;
	s12 =	simm.s32 $0x7;
	[sflag:s9] =	ssyncadd.s32 @!p0 $0xFFFFFC00  }
0x12c: {  	s11 =	simm.s32 $0x4;
	v36 =	vmov s13;
	v3 =	vshrl.u32 v3, $0x3;
	v37 =	vmov s12;
	_ =	swait.ge [sflag:s14], $0x2000  }
0x12d: {  	v33 =	vshrl.u32 v33, $0x3;
	v34 =	vmov s11;
	v37 =	vshrl.u32 v37, $0x3;
	[sflag:s14] =	ssyncset.done $0x0  }
0x12e: {  	v20 =	vmovc v6;
	v0 =	vshll.u32 v0, v1;
	v2 =	vshrl.u32 v2, $0x3;
	v37 =	vshll.u32 v37, v1;
	s9 =	simm.s32 $0x8500;
	v6 =	vld [tilespmem:$0x1FF60];
	[sflag:s14] =	ssyncadd.s32 $0xFFFFE000  }
0x12f: {  	v39 =	vbroadcast v0, $0x0;
	v2 =	vshll.u32 v2, v1;
	v41 =	vbroadcast v37, $0x0;
	v0 =	vld [tilespmem:s9+$0xC0]  }
0x130: {  	v35 =	vshrl.u32 v35, $0x3;
	v36 =	vshrl.u32 v36, $0x3;
	v28 =	vbroadcast v2, $0x0;
	v42 =	vld [tilespmem:s9+$0xFFFFFF40]  }
0x131: {  	v3 =	vshll.u32 v3, v1;
	v33 =	vshll.u32 v33, v1;
	v2 =	vadd.s32 v21, v41;
	v38 =	vld [tilespmem:s9+$0xFFFFFF00]  }
0x132: {  	v34 =	vshrl.u32 v34, $0x3;
	v43 =	vshll.u32 v35, v1;
	v46 =	vadd.s32 v12, v28  }
0x133: {  	v34 =	vshll.u32 v34, v1;
	v37 =	vbroadcast v3, $0x0;
	v45 =	vld [tilespmem:s9+$0xFFFFFF80];
	v44 =	vadd.s32 v6, v39  }
0x134: {  	v3 =	vshll.u32 v36, v1;
	v36 =	vbroadcast v33, $0x0;
	v47 =	vld [tilespmem:s9+$0xFFFFFFC0];
	v0 =	vmul.f32 $8.000000000e+00, v0  }
0x135: {  	v35 =	vbroadcast v34, $0x0;
	v48 =	vadd.s32 v52, v37;
	v49 =	vld [tilespmem:s9+$0x0];
	v42 =	vmul.f32 $8.000000000e+00, v42  }
0x136: {  	v33 =	vbroadcast v43, $0x0;
	v50 =	vadd.s32 v53, v36;
	v51 =	vld [tilespmem:s9+$0x40];
	v38 =	vmul.f32 $8.000000000e+00, v38;
	[tilespmem:v2+s15+$0x0] =	vst.idx.msk $0xffff, v0  }
0x137: {  	v34 =	vbroadcast v3, $0x0;
	v43 =	vadd.s32 v7, v35;
	v58 =	vld [tilespmem:s9+$0x80];
	[tilespmem:v46+s15+$0x0] =	vst.idx.msk $0xffff, v42  }
0x138: {  	v3 =	vadd.s32 v5, v33;
	v2 =	vmul.f32 $8.000000000e+00, v45;
	[tilespmem:v44+s15+$0x0] =	vst.idx.msk $0xffff, v38;
	v38 =	vld [tilespmem:s9+$0xD0]  }
0x139: {  	v59 =	vmul.f32 $8.000000000e+00, v47;
	v45 =	vadd.s32 v4, v34;
	v47 =	vld [tilespmem:s9+$0xFFFFFF50]  }
0x13a: {  	v44 =	vld [tilespmem:s9+$0xFFFFFF10];
	[tilespmem:v48+s15+$0x0] =	vst.idx.msk $0xffff, v2;
	v2 =	vmul.f32 $8.000000000e+00, v49;
	v48 =	vadd.s32 v57, v41  }
0x13b: {  	v60 =	vmul.f32 $8.000000000e+00, v51;
	v51 =	vadd.s32 v11, v28;
	[tilespmem:v50+s15+$0x0] =	vst.idx.msk $0xffff, v59  }
0x13c: {  	v19 =	vmov v53;
	v53 =	vadd.s32 v56, v39;
	v54 =	vld [tilespmem:s9+$0xFFFFFF90];
	[tilespmem:v43+s15+$0x0] =	vst.idx.msk $0xffff, v2;
	v2 =	vmul.f32 $8.000000000e+00, v58  }
0x13d: {  	[tilespmem:v3+s15+$0x0] =	vst.idx.msk $0xffff, v60;
	v55 =	vld [tilespmem:s9+$0xFFFFFFD0];
	v3 =	vmul.f32 $8.000000000e+00, v38  }
0x13e: {  	v14 =	vmov v52;
	s13 =	simm.s32 $0x8;
	v52 =	vadd.s32 v61, v37;
	v56 =	vld [tilespmem:s9+$0x10];
	[tilespmem:v45+s15+$0x0] =	vst.idx.msk $0xffff, v2;
	v45 =	vmul.f32 $8.000000000e+00, v47  }
0x13f: {  	v30 =	vmovc v29;
	v29 =	vmovc v57;
	s12 =	simm.s32 $0x9;
	v0 =	vmov s13;
	v57 =	vld [tilespmem:s9+$0x50];
	v42 =	vmul.f32 $8.000000000e+00, v44;
	v44 =	vadd.s32 v15, v36;
	[tilespmem:v48+s15+$0x0] =	vst.idx.msk $0xffff, v3  }
0x140: {  	v46 =	vmov s12;
	s12 =	simm.s32 $0xB;
	v60 =	vadd.s32 v22, v35;
	v0 =	vshrl.u32 v0, $0x3;
	v58 =	vld [tilespmem:s9+$0x90];
	[tilespmem:v51+s15+$0x0] =	vst.idx.msk $0xffff, v45  }
0x141: {  	v8 =	vmovc v32;
	s13 =	simm.s32 $0xA;
	v50 =	vmov s12;
	v3 =	vmul.f32 $8.000000000e+00, v54;
	[tilespmem:v53+s15+$0x0] =	vst.idx.msk $0xffff, v42;
	v42 =	vadd.s32 v30, v33;
	v48 =	vld [tilespmem:s9+$0xE0]  }
0x142: {  	v49 =	vmov s13;
	v40 =	vmul.f32 $8.000000000e+00, v55;
	v51 =	vadd.s32 v8, v34;
	v54 =	vld [tilespmem:s9+$0xFFFFFF60]  }
0x143: {  	v0 =	vshll.u32 v0, v1;
	v53 =	vld [tilespmem:s9+$0xFFFFFF20];
	[tilespmem:v52+s15+$0x0] =	vst.idx.msk $0xffff, v3;
	v3 =	vmul.f32 $8.000000000e+00, v56;
	v52 =	vadd.s32 v26, v41  }
0x144: {  	s13 =	simm.s32 $0xC;
	v59 =	vshrl.u32 v50, $0x3;
	v45 =	vadd.s32 v63, v28;
	[tilespmem:v44+s15+$0x0] =	vst.idx.msk $0xffff, v40;
	v44 =	vmul.f32 $8.000000000e+00, v57  }
0x145: {  	s12 =	simm.s32 $0xD;
	v50 =	vadd.s32 v62, v39;
	v43 =	vmov s13;
	s13 =	simm.s32 $0xE;
	[tilespmem:v60+s15+$0x0] =	vst.idx.msk $0xffff, v3;
	v3 =	vmul.f32 $8.000000000e+00, v58  }
0x146: {  	v38 =	vmov s12;
	v2 =	vmov s13;
	[tilespmem:v42+s15+$0x0] =	vst.idx.msk $0xffff, v44;
	v56 =	vmul.f32 $8.000000000e+00, v48  }
0x147: {  	v55 =	vld [tilespmem:s9+$0xFFFFFFA0];
	v58 =	vshrl.u32 v38, $0x3;
	v38 =	vbroadcast v0, $0x0;
	[tilespmem:v51+s15+$0x0] =	vst.idx.msk $0xffff, v3;
	v0 =	vmul.f32 $8.000000000e+00, v54  }
0x148: {  	v57 =	vld [tilespmem:s9+$0xFFFFFFE0];
	v42 =	vshrl.u32 v2, $0x3;
	v2 =	vmul.f32 $8.000000000e+00, v53;
	[tilespmem:v52+s15+$0x0] =	vst.idx.msk $0xffff, v56  }
0x149: {  	v16 =	vmov v5;
	v5 =	vmov v61;
	v61 =	vld [tilespmem:s9+$0x20];
	[tilespmem:v45+s15+$0x0] =	vst.idx.msk $0xffff, v0  }
0x14a: {  	v10 =	vmov v12;
	v12 =	vmov v63;
	v60 =	vadd.s32 v18, v37;
	v63 =	vld [tilespmem:s9+$0x60];
	[tilespmem:v50+s15+$0x0] =	vst.idx.msk $0xffff, v2  }
0x14b: {  	v25 =	vmov v7;
	v11 =	vmov v17;
	v7 =	vld [tilespmem:$0x1FF50]  }
0x14c: {  	v32 =	vmovc v21;
	v21 =	vmov v8;
	v8 =	vmov v62;
	v62 =	vadd.s32 v11, v36;
	v40 =	vld [tilespmem:s9+$0xA0]  }
0x14d: {  	v3 =	vadd.s32 v20, v35;
	v2 =	vmul.f32 $8.000000000e+00, v55;
	v56 =	vld [tilespmem:s9+$0xF0]  }
0x14e: {  	v52 =	vld [tilespmem:s9+$0xFFFFFF70]  }
0x14f: {  	v50 =	vld [tilespmem:s9+$0xFFFFFF30];
	v0 =	vmul.f32 $8.000000000e+00, v57;
	[tilespmem:v60+s15+$0x0] =	vst.idx.msk $0xffff, v2  }
0x150: {  	v49 =	vshrl.u32 v49, $0x3;
	v2 =	vmul.f32 $8.000000000e+00, v61;
	v51 =	vadd.s32 v7, v34;
	v7 =	vld [tilespmem:$0x1FF70]  }
0x151: {  	v44 =	vshll.u32 v49, v1;
	v49 =	vld [tilespmem:s9+$0xFFFFFFB0];
	[tilespmem:v62+s15+$0x0] =	vst.idx.msk $0xffff, v0  }
0x152: {  	[tilespmem:v3+s15+$0x0] =	vst.idx.msk $0xffff, v2;
	v54 =	vld [tilespmem:s9+$0xFFFFFFF0]  }
0x153: {  	v46 =	vshrl.u32 v46, $0x3;
	v48 =	vadd.s32 v9, v39;
	v9 =	vld [tilespmem:$0x1FF90]  }
0x154: {  	v22 =	vmovc v18;
	v43 =	vshrl.u32 v43, $0x3;
	v47 =	vshll.u32 v46, v1;
	v18 =	vmovc v16;
	v16 =	vmov v11;
	v11 =	vld [tilespmem:$0x1FFF0]  }
0x155: {  	v17 =	vmovc v15;
	v55 =	vadd.s32 v24, v33;
	v53 =	vadd.s32 v7, v41;
	v41 =	vadd.s32 v13, v28;
	v28 =	vld [tilespmem:$0x1FF80]  }
0x156: {  	v46 =	vshll.u32 v43, v1;
	v15 =	vmovc v30;
	v43 =	vshll.u32 v58, v1;
	v45 =	vshll.u32 v59, v1;
	v30 =	vld [tilespmem:$0x1FFD0]  }
0x157: {  	s13 =	simm.s32 $0xF;
	s12 =	simm.s32 $0x10;
	v24 =	vmovc v4;
	v39 =	vmul.f32 $8.000000000e+00, v63;
	v40 =	vmul.f32 $8.000000000e+00, v40;
	v13 =	vmovc v21;
	v21 =	vmov v5;
	v7 =	vld [tilespmem:$0x1FFE0]  }
.LBB2_7:
0x158: {  	_ = 	snop  }
0x159: {  	v0 =	vmov s13  }
0x15a: {  	v2 =	vadd.s32 v28, v37;
	v3 =	vld [tilespmem:s9+$0x30];
	v36 =	vadd.s32 v9, v36;
	[tilespmem:v55+s15+$0x0] =	vst.idx.msk $0xffff, v39;
	v63 =	vmul.f32 $8.000000000e+00, v56  }
0x15b: {  	v35 =	vadd.s32 v23, v35;
	v0 =	vshrl.u32 v0, $0x3;
	[tilespmem:v51+s15+$0x0] =	vst.idx.msk $0xffff, v40;
	v57 =	vld [tilespmem:s9+$0x70];
	v56 =	vmul.f32 $8.000000000e+00, v50  }
0x15c: {  	v33 =	vadd.s32 v27, v33;
	v0 =	vshll.u32 v0, v1;
	v59 =	vld [tilespmem:s9+$0xB0];
	s9 =	sadd.s32 $0x200, s9;
	v58 =	vmul.f32 $8.000000000e+00, v52;
	[tilespmem:v53+s15+$0x0] =	vst.idx.msk $0xffff, v63  }
0x15d: {  	v42 =	vshll.u32 v42, v1;
	v40 =	vbroadcast v0, $0x0;
	v0 =	vmul.f32 $8.000000000e+00, v49;
	[tilespmem:v48+s15+$0x0] =	vst.idx.msk $0xffff, v56;
	v53 =	vld [tilespmem:s9+$0xC0]  }
0x15e: {  	v34 =	vadd.s32 v31, v34;
	v39 =	vmov v38;
	v61 =	vmul.f32 $8.000000000e+00, v54;
	[tilespmem:v41+s15+$0x0] =	vst.idx.msk $0xffff, v58;
	v38 =	vld [tilespmem:s9+$0xFFFFFF00]  }
0x15f: {  	v41 =	vbroadcast v47, $0x0;
	v63 =	vadd.s32 v32, v40;
	[tilespmem:v2+s15+$0x0] =	vst.idx.msk $0xffff, v0;
	v0 =	vmul.f32 $8.000000000e+00, v3;
	v62 =	vld [tilespmem:s9+$0xFFFFFF40]  }
0x160: {  	v37 =	vbroadcast v44, $0x0;
	v2 =	vadd.s32 v6, v39;
	[tilespmem:v36+s15+$0x0] =	vst.idx.msk $0xffff, v61;
	v3 =	vld [tilespmem:s9+$0xFFFFFF80];
	v60 =	vmul.f32 $8.000000000e+00, v57  }
0x161: {  	v36 =	vbroadcast v45, $0x0;
	v61 =	vld [tilespmem:s9+$0xFFFFFFC0];
	v48 =	vadd.s32 v10, v41;
	[tilespmem:v35+s15+$0x0] =	vst.idx.msk $0xffff, v0;
	v0 =	vmul.f32 $8.000000000e+00, v59  }
0x162: {  	v45 =	vadd.s32 v14, v37;
	v35 =	vbroadcast v46, $0x0;
	v51 =	vld [tilespmem:s9+$0x0];
	[tilespmem:v33+s15+$0x0] =	vst.idx.msk $0xffff, v60;
	v56 =	vmul.f32 $8.000000000e+00, v53  }
0x163: {  	v44 =	vadd.s32 v19, v36;
	v33 =	vbroadcast v43, $0x0;
	v57 =	vld [tilespmem:s9+$0x40];
	[tilespmem:v34+s15+$0x0] =	vst.idx.msk $0xffff, v0;
	v38 =	vmul.f32 $8.000000000e+00, v38  }
0x164: {  	v58 =	vadd.s32 v25, v35;
	v34 =	vbroadcast v42, $0x0;
	v59 =	vld [tilespmem:s9+$0x80];
	v0 =	vmul.f32 $8.000000000e+00, v62;
	[tilespmem:v63+s15+$0x0] =	vst.idx.msk $0xffff, v56  }
0x165: {  	[tilespmem:v2+s15+$0x0] =	vst.idx.msk $0xffff, v38;
	v2 =	vmul.f32 $8.000000000e+00, v3;
	v3 =	vadd.s32 v18, v33;
	v63 =	vld [tilespmem:s9+$0xD0]  }
0x166: {  	v47 =	vadd.s32 v24, v34;
	[tilespmem:v48+s15+$0x0] =	vst.idx.msk $0xffff, v0;
	v0 =	vmul.f32 $8.000000000e+00, v61;
	v60 =	vld [tilespmem:s9+$0xFFFFFF10]  }
0x167: {  	v62 =	vmov s12;
	v61 =	vld [tilespmem:s9+$0xFFFFFF50];
	[tilespmem:v45+s15+$0x0] =	vst.idx.msk $0xffff, v2;
	v2 =	vmul.f32 $8.000000000e+00, v51;
	v45 =	vadd.s32 v29, v40  }
0x168: {  	v53 =	vadd.s32 v30, v39;
	v42 =	vshrl.u32 v62, $0x3;
	[tilespmem:v44+s15+$0x0] =	vst.idx.msk $0xffff, v0;
	v0 =	vmul.f32 $8.000000000e+00, v57;
	v62 =	vld [tilespmem:s9+$0xFFFFFF90]  }
0x169: {  	v52 =	vadd.s32 v7, v41;
	v55 =	vld [tilespmem:s9+$0xFFFFFFD0];
	[tilespmem:v58+s15+$0x0] =	vst.idx.msk $0xffff, v2;
	v2 =	vmul.f32 $8.000000000e+00, v59  }
0x16a: {  	v56 =	vld [tilespmem:s9+$0x10];
	[tilespmem:v3+s15+$0x0] =	vst.idx.msk $0xffff, v0;
	v0 =	vmul.f32 $8.000000000e+00, v63  }
0x16b: {  	s13 =	sadd.s32 $0x2, s12;
	v49 =	vadd.s32 v21, v37;
	v63 =	vmul.f32 $8.000000000e+00, v60;
	v57 =	vld [tilespmem:s9+$0x50];
	[tilespmem:v47+s15+$0x0] =	vst.idx.msk $0xffff, v2  }
0x16c: {  	v51 =	vmov s13;
	s13 =	sadd.s32 $0x3, s12;
	v60 =	vadd.s32 v17, v36;
	v61 =	vmul.f32 $8.000000000e+00, v61;
	v58 =	vld [tilespmem:s9+$0x90];
	[tilespmem:v45+s15+$0x0] =	vst.idx.msk $0xffff, v0  }
0x16d: {  	v50 =	vadd.s32 v11, v35;
	v44 =	vmov s13;
	[tilespmem:v53+s15+$0x0] =	vst.idx.msk $0xffff, v63;
	v45 =	vld [tilespmem:s9+$0xE0]  }
0x16e: {  	s13 =	sadd.s32 $0x4, s12;
	v0 =	vshll.u32 v42, v1;
	v62 =	vmul.f32 $8.000000000e+00, v62;
	v42 =	vadd.s32 v15, v33;
	[tilespmem:v52+s15+$0x0] =	vst.idx.msk $0xffff, v61;
	v53 =	vld [tilespmem:s9+$0xFFFFFF20]  }
0x16f: {  	v43 =	vmov s13;
	v63 =	vmul.f32 $8.000000000e+00, v55;
	v52 =	vadd.s32 v13, v34;
	v54 =	vld [tilespmem:s9+$0xFFFFFF60]  }
0x170: {  	s13 =	sadd.s32 $0x5, s12;
	v59 =	vshrl.u32 v44, $0x3;
	v44 =	vadd.s32 v8, v39;
	[tilespmem:v49+s15+$0x0] =	vst.idx.msk $0xffff, v62;
	v38 =	vmul.f32 $8.000000000e+00, v56;
	v56 =	vld [tilespmem:$0x1FFB0]  }
0x171: {  	v3 =	vmov s13;
	s13 =	sadd.s32 $0x6, s12;
	v55 =	vld [tilespmem:s9+$0xFFFFFFA0];
	[tilespmem:v60+s15+$0x0] =	vst.idx.msk $0xffff, v63;
	v46 =	vmul.f32 $8.000000000e+00, v57;
	v57 =	vadd.s32 v12, v41  }
0x172: {  	v2 =	vmov s13;
	v49 =	vadd.s32 v26, v40;
	v60 =	vld [tilespmem:s9+$0xFFFFFFE0];
	[tilespmem:v50+s15+$0x0] =	vst.idx.msk $0xffff, v38;
	v50 =	vmul.f32 $8.000000000e+00, v58  }
0x173: {  	v58 =	vadd.s32 v22, v37;
	v61 =	vld [tilespmem:s9+$0x20];
	[tilespmem:v42+s15+$0x0] =	vst.idx.msk $0xffff, v46;
	v42 =	vshrl.u32 v2, $0x3;
	v2 =	vmul.f32 $8.000000000e+00, v53  }
0x174: {  	v62 =	vadd.s32 v16, v36;
	v38 =	vbroadcast v0, $0x0;
	v63 =	vld [tilespmem:s9+$0x60];
	[tilespmem:v52+s15+$0x0] =	vst.idx.msk $0xffff, v50;
	v0 =	vmul.f32 $8.000000000e+00, v54  }
0x175: {  	v45 =	vmul.f32 $8.000000000e+00, v45;
	v5 =	vld [tilespmem:s9+$0xA0];
	[tilespmem:v44+s15+$0x0] =	vst.idx.msk $0xffff, v2  }
0x176: {  	v2 =	vmul.f32 $8.000000000e+00, v55;
	[tilespmem:v57+s15+$0x0] =	vst.idx.msk $0xffff, v0;
	v57 =	vld [tilespmem:$0x1FF50]  }
0x177: {  	s11 =	sadd.s32 $0x1, s12;
	[tilespmem:v49+s15+$0x0] =	vst.idx.msk $0xffff, v45;
	v0 =	vmul.f32 $8.000000000e+00, v60;
	v60 =	vld [tilespmem:$0x1FF70]  }
0x178: {  	v48 =	vmov s11;
	[tilespmem:v58+s15+$0x0] =	vst.idx.msk $0xffff, v2;
	v2 =	vmul.f32 $8.000000000e+00, v61;
	v61 =	vld [tilespmem:$0x1FFC0]  }
0x179: {  	p0 =	slt.u32 s12, $0x78;
	v4 =	vadd.s32 v20, v35;
	v48 =	vshrl.u32 v48, $0x3;
	[tilespmem:v62+s15+$0x0] =	vst.idx.msk $0xffff, v0;
	v0 =	vld [tilespmem:$0x1FFA0]  }
.Ltmp5:
0x17a: {  	v51 =	vshrl.u32 v51, $0x3;
	v43 =	vshrl.u32 v43, $0x3;
	v55 =	vadd.s32 v56, v33;
	v56 =	vld [tilespmem:s9+$0xF0];
	(pc) =	sbr.rel @p0 .LBB2_7-.Ltmp5, $4  }
0x17b: {  	v3 =	vshrl.u32 v3, $0x3;
	v47 =	vshll.u32 v48, v1;
	v46 =	vshll.u32 v43, v1;
	v50 =	vld [tilespmem:s9+$0xFFFFFF30]  }
0x17c: {  	v43 =	vshll.u32 v3, v1;
	v44 =	vshll.u32 v51, v1;
	v45 =	vshll.u32 v59, v1;
	v52 =	vld [tilespmem:s9+$0xFFFFFF70]  }
0x17d: {  	v49 =	vld [tilespmem:s9+$0xFFFFFFB0];
	v51 =	vadd.s32 v57, v34;
	v53 =	vadd.s32 v60, v40;
	v40 =	vmul.f32 $8.000000000e+00, v5  }
0x17e: {  	s13 =	sadd.s32 $0x7, s12;
	s12 =	sadd.s32 $0x8, s12;
	v54 =	vld [tilespmem:s9+$0xFFFFFFF0];
	[tilespmem:v4+s15+$0x0] =	vst.idx.msk $0xffff, v2;
	v48 =	vadd.s32 v61, v39;
	v39 =	vmul.f32 $8.000000000e+00, v63;
	v41 =	vadd.s32 v0, v41  }
0x17f: {  	_ =	sdelay $0x3  }
0x180: {  	v0 =	vmov s13;
	v2 =	vadd.s32 v28, v37;
	v3 =	vld [tilespmem:s9+$0x30];
	v4 =	vmul.f32 $8.000000000e+00, v56;
	[tilespmem:v55+s15+$0x0] =	vst.idx.msk $0xffff, v39  }
0x181: {  	v36 =	vadd.s32 v9, v36;
	[tilespmem:v51+s15+$0x0] =	vst.idx.msk $0xffff, v40;
	v0 =	vshrl.u32 v0, $0x3;
	v5 =	vmul.f32 $8.000000000e+00, v50;
	v59 =	vld [tilespmem:s9+$0x70]  }
0x182: {  	v35 =	vadd.s32 v23, v35;
	s11 =	sadd.s32 $0x200, s9;
	v40 =	vld [tilespmem:s9+$0xB0];
	v0 =	vshll.u32 v0, v1;
	v60 =	vmul.f32 $8.000000000e+00, v52;
	[tilespmem:v53+s15+$0x0] =	vst.idx.msk $0xffff, v4  }
0x183: {  	v33 =	vadd.s32 v27, v33;
	v4 =	vld [tilespmem:s11+$0xC0];
	v0 =	vbroadcast v0, $0x0;
	[tilespmem:v48+s15+$0x0] =	vst.idx.msk $0xffff, v5;
	v5 =	vmul.f32 $8.000000000e+00, v49  }
0x184: {  	v42 =	vshll.u32 v42, v1;
	v34 =	vadd.s32 v31, v34;
	v61 =	vld [tilespmem:s11+$0xFFFFFF00];
	[tilespmem:v41+s15+$0x0] =	vst.idx.msk $0xffff, v60;
	v62 =	vmul.f32 $8.000000000e+00, v54  }
0x185: {  	v47 =	vbroadcast v47, $0x0;
	v63 =	vld [tilespmem:s11+$0xFFFFFF40];
	v49 =	vadd.s32 v32, v0;
	[tilespmem:v2+s15+$0x0] =	vst.idx.msk $0xffff, v5;
	v2 =	vmul.f32 $8.000000000e+00, v3  }
0x186: {  	v44 =	vbroadcast v44, $0x0;
	v3 =	vadd.s32 v6, v38;
	v5 =	vld [tilespmem:s11+$0xFFFFFF80];
	[tilespmem:v36+s15+$0x0] =	vst.idx.msk $0xffff, v62;
	v50 =	vmul.f32 $8.000000000e+00, v59  }
0x187: {  	v45 =	vbroadcast v45, $0x0;
	v39 =	vld [tilespmem:s11+$0xFFFFFFC0];
	v37 =	vadd.s32 v10, v47;
	[tilespmem:v35+s15+$0x0] =	vst.idx.msk $0xffff, v2;
	v2 =	vmul.f32 $8.000000000e+00, v40  }
0x188: {  	v46 =	vbroadcast v46, $0x0;
	v57 =	vld [tilespmem:s11+$0x0];
	v56 =	vadd.s32 v14, v44;
	v4 =	vmul.f32 $8.000000000e+00, v4;
	[tilespmem:v33+s15+$0x0] =	vst.idx.msk $0xffff, v50  }
0x189: {  	v43 =	vbroadcast v43, $0x0;
	v60 =	vadd.s32 v19, v45;
	v59 =	vmul.f32 $8.000000000e+00, v61;
	v61 =	vld [tilespmem:s11+$0x40];
	[tilespmem:v34+s15+$0x0] =	vst.idx.msk $0xffff, v2  }
0x18a: {  	v42 =	vbroadcast v42, $0x0;
	v62 =	vadd.s32 v25, v46;
	v2 =	vmul.f32 $8.000000000e+00, v63;
	v63 =	vld [tilespmem:s11+$0x80];
	[tilespmem:v49+s15+$0x0] =	vst.idx.msk $0xffff, v4  }
0x18b: {  	[tilespmem:v3+s15+$0x0] =	vst.idx.msk $0xffff, v59;
	v3 =	vmul.f32 $8.000000000e+00, v5;
	v4 =	vadd.s32 v18, v43;
	v5 =	vld [tilespmem:s11+$0xD0]  }
0x18c: {  	v33 =	vld [tilespmem:s11+$0xFFFFFF10];
	[tilespmem:v37+s15+$0x0] =	vst.idx.msk $0xffff, v2;
	v2 =	vmul.f32 $8.000000000e+00, v39;
	v37 =	vadd.s32 v24, v42  }
0x18d: {  	v35 =	vadd.s32 v29, v0;
	v39 =	vld [tilespmem:s11+$0xFFFFFF50];
	[tilespmem:v56+s15+$0x0] =	vst.idx.msk $0xffff, v3;
	v3 =	vmul.f32 $8.000000000e+00, v57  }
0x18e: {  	v53 =	vadd.s32 v30, v38;
	v55 =	vld [tilespmem:s11+$0xFFFFFF90];
	[tilespmem:v60+s15+$0x0] =	vst.idx.msk $0xffff, v2;
	v2 =	vmul.f32 $8.000000000e+00, v61  }
0x18f: {  	v60 =	vadd.s32 v7, v47;
	v61 =	vld [tilespmem:s11+$0xFFFFFFD0];
	[tilespmem:v62+s15+$0x0] =	vst.idx.msk $0xffff, v3;
	v3 =	vmul.f32 $8.000000000e+00, v63  }
0x190: {  	v62 =	vadd.s32 v21, v44;
	v63 =	vld [tilespmem:s11+$0x10];
	[tilespmem:v4+s15+$0x0] =	vst.idx.msk $0xffff, v2;
	v2 =	vmul.f32 $8.000000000e+00, v5  }
0x191: {  	v4 =	vmul.f32 $8.000000000e+00, v33;
	v5 =	vadd.s32 v17, v45;
	v33 =	vld [tilespmem:s11+$0x50];
	[tilespmem:v37+s15+$0x0] =	vst.idx.msk $0xffff, v3  }
0x192: {  	v56 =	vadd.s32 v11, v46;
	v3 =	vmul.f32 $8.000000000e+00, v39;
	v59 =	vld [tilespmem:s11+$0x90];
	[tilespmem:v35+s15+$0x0] =	vst.idx.msk $0xffff, v2  }
0x193: {  	[tilespmem:v53+s15+$0x0] =	vst.idx.msk $0xffff, v4;
	v2 =	vmul.f32 $8.000000000e+00, v55;
	v4 =	vadd.s32 v15, v43;
	v35 =	vld [tilespmem:s11+$0xE0]  }
0x194: {  	v53 =	vadd.s32 v13, v42;
	v40 =	vld [tilespmem:s11+$0xFFFFFF20];
	[tilespmem:v60+s15+$0x0] =	vst.idx.msk $0xffff, v3;
	v3 =	vmul.f32 $8.000000000e+00, v61  }
0x195: {  	v34 =	vadd.s32 v26, v0;
	v55 =	vld [tilespmem:s11+$0xFFFFFF60];
	[tilespmem:v62+s15+$0x0] =	vst.idx.msk $0xffff, v2;
	v2 =	vmul.f32 $8.000000000e+00, v63  }
0x196: {  	v41 =	vadd.s32 v8, v38;
	v49 =	vld [tilespmem:s11+$0xFFFFFFA0];
	[tilespmem:v5+s15+$0x0] =	vst.idx.msk $0xffff, v3;
	v3 =	vmul.f32 $8.000000000e+00, v33  }
0x197: {  	v5 =	vadd.s32 v12, v47;
	[tilespmem:v56+s15+$0x0] =	vst.idx.msk $0xffff, v2;
	v2 =	vmul.f32 $8.000000000e+00, v59  }
0x198: {  	v33 =	vld [tilespmem:s11+$0xFFFFFFE0];
	v56 =	vadd.s32 v22, v44;
	[tilespmem:v4+s15+$0x0] =	vst.idx.msk $0xffff, v3;
	v3 =	vmul.f32 $8.000000000e+00, v35  }
0x199: {  	v59 =	vld [tilespmem:s11+$0x20];
	v4 =	vmul.f32 $8.000000000e+00, v40;
	[tilespmem:v53+s15+$0x0] =	vst.idx.msk $0xffff, v2  }
0x19a: {  	v60 =	vadd.s32 v16, v45;
	v61 =	vld [tilespmem:s11+$0x60];
	v2 =	vmul.f32 $8.000000000e+00, v55;
	[tilespmem:v34+s15+$0x0] =	vst.idx.msk $0xffff, v3  }
0x19b: {  	v55 =	vld [tilespmem:s11+$0xA0];
	[tilespmem:v41+s15+$0x0] =	vst.idx.msk $0xffff, v4;
	v3 =	vmul.f32 $8.000000000e+00, v49  }
0x19c: {  	v62 =	vmov v8;
	v8 =	vld [tilespmem:$0x1FFB0];
	[tilespmem:v5+s15+$0x0] =	vst.idx.msk $0xffff, v2  }
0x19d: {  	v2 =	vmul.f32 $8.000000000e+00, v33;
	v33 =	vld [tilespmem:$0x1FF50];
	[tilespmem:v56+s15+$0x0] =	vst.idx.msk $0xffff, v3  }
0x19e: {  	v52 =	vmov v14;
	v14 =	vld [tilespmem:$0x1FF70]  }
0x19f: {  	v3 =	vmul.f32 $8.000000000e+00, v59;
	v59 =	vld [tilespmem:$0x1FFC0];
	[tilespmem:v60+s15+$0x0] =	vst.idx.msk $0xffff, v2  }
0x1a0: {  	v53 =	vadd.s32 v20, v46;
	v60 =	vld [tilespmem:$0x1FFA0]  }
0x1a1: {  	v34 =	vld [tilespmem:s11+$0xF0];
	v4 =	vadd.s32 v8, v43  }
0x1a2: {  	v41 =	vld [tilespmem:s11+$0xFFFFFF30];
	v5 =	vadd.s32 v33, v42  }
0x1a3: {  	v33 =	vld [tilespmem:s11+$0xFFFFFF70];
	v0 =	vadd.s32 v14, v0  }
0x1a4: {  	v2 =	vmul.f32 $8.000000000e+00, v61;
	v37 =	vadd.s32 v59, v38;
	v38 =	vld [tilespmem:s11+$0xFFFFFFB0]  }
0x1a5: {  	v58 =	vmov v28;
	v50 =	vld [tilespmem:s11+$0xFFFFFFF0];
	[tilespmem:v53+s15+$0x0] =	vst.idx.msk $0xffff, v3;
	v3 =	vmul.f32 $8.000000000e+00, v55;
	v49 =	vadd.s32 v60, v47  }
0x1a6: {  	v28 =	vmov v9;
	v53 =	vadd.s32 v58, v44;
	v55 =	vld [tilespmem:s11+$0x30];
	[tilespmem:v4+s15+$0x0] =	vst.idx.msk $0xffff, v2;
	v2 =	vmul.f32 $8.000000000e+00, v34  }
0x1a7: {  	v9 =	vmov v23;
	v56 =	vadd.s32 v28, v45;
	v4 =	vmul.f32 $8.000000000e+00, v41;
	v58 =	vld [tilespmem:s11+$0x70];
	[tilespmem:v5+s15+$0x0] =	vst.idx.msk $0xffff, v3  }
0x1a8: {  	v3 =	vmul.f32 $8.000000000e+00, v33;
	v5 =	vadd.s32 v9, v46;
	v61 =	vld [tilespmem:s11+$0xB0];
	[tilespmem:v0+s15+$0x0] =	vst.idx.msk $0xffff, v2  }
0x1a9: {  	[tilespmem:v37+s15+$0x0] =	vst.idx.msk $0xffff, v4;
	v0 =	vmul.f32 $8.000000000e+00, v38;
	v2 =	vadd.s32 v27, v43  }
0x1aa: {  	s12 =	sand.u32 $0x3, s8;
	v4 =	vadd.s32 v31, v42;
	[tilespmem:v49+s15+$0x0] =	vst.idx.msk $0xffff, v3;
	v3 =	vmul.f32 $8.000000000e+00, v50  }
0x1ab: {  	s9 =	sor.u32 s5, s12;
	s11 =	sshll.u32 s8, $0x12;
	[tilespmem:v53+s15+$0x0] =	vst.idx.msk $0xffff, v0;
	v0 =	vmul.f32 $8.000000000e+00, v55  }
0x1ac: {  	s9 =	sshll.u32 s9, $0xA;
	s11 =	sand.u32 $0x3F00000, s11;
	[tilespmem:v56+s15+$0x0] =	vst.idx.msk $0xffff, v3;
	v3 =	vmul.f32 $8.000000000e+00, v58  }
0x1ad: {  	s9 =	sor.u32 s11, s9;
	[tilespmem:v5+s15+$0x0] =	vst.idx.msk $0xffff, v0;
	v0 =	vmul.f32 $8.000000000e+00, v61  }
0x1ae: {  	s9 =	sshrl.u32 s9, $0x3;
	[tilespmem:v2+s15+$0x0] =	vst.idx.msk $0xffff, v3  }
0x1af: {  	s9 =	sadd.s32 s2, s9;
	[tilespmem:v4+s15+$0x0] =	vst.idx.msk $0xffff, v0  }
0x1b0: {  	[hbm4b:s9+s3] =	stream.linear.scatter [tilespmem:s15], [sflag:$0x4], $0x80, $0x38;
	[tilespmem:$0xE800] =	vst v63  }
0x1b1: {  	s12 =	simm.s32 $0xC688;
	s13 =	sadd.s32 $0x10, s9  }
0x1b2: {  	[hbm4b:s13+s3] =	stream.linear.scatter [tilespmem:s12], [sflag:$0x4], $0x80, $0x38;
	[tilespmem:$0xE800] =	vst v63  }
0x1b3: {  	s12 =	sadd.s32 $0x20, s9;
	s13 =	simm.s32 $0xC710  }
0x1b4: {  	[hbm4b:s12+s3] =	stream.linear.scatter [tilespmem:s13], [sflag:$0x4], $0x80, $0x38;
	[tilespmem:$0xE800] =	vst v63  }
0x1b5: {  	s12 =	sadd.s32 $0x30, s9;
	s13 =	simm.s32 $0xC798  }
0x1b6: {  	[hbm4b:s12+s3] =	stream.linear.scatter [tilespmem:s13], [sflag:$0x4], $0x80, $0x38;
	[tilespmem:$0xE800] =	vst v63  }
0x1b7: {  	s12 =	sadd.s32 $0x40, s9;
	s13 =	simm.s32 $0xC820  }
0x1b8: {  	[hbm4b:s12+s3] =	stream.linear.scatter [tilespmem:s13], [sflag:$0x4], $0x80, $0x38;
	[tilespmem:$0xE800] =	vst v63  }
0x1b9: {  	s12 =	sadd.s32 $0x50, s9;
	s13 =	simm.s32 $0xC8A8  }
0x1ba: {  	[hbm4b:s12+s3] =	stream.linear.scatter [tilespmem:s13], [sflag:$0x4], $0x80, $0x38;
	[tilespmem:$0xE800] =	vst v63  }
0x1bb: {  	s12 =	sadd.s32 $0x60, s9;
	s13 =	simm.s32 $0xC930  }
0x1bc: {  	[hbm4b:s12+s3] =	stream.linear.scatter [tilespmem:s13], [sflag:$0x4], $0x80, $0x38;
	[tilespmem:$0xE800] =	vst v63  }
0x1bd: {  	s12 =	sadd.s32 $0x70, s9;
	s13 =	simm.s32 $0xC9B8  }
0x1be: {  	[hbm4b:s12+s3] =	stream.linear.scatter [tilespmem:s13], [sflag:$0x4], $0x80, $0x38;
	[tilespmem:$0xE800] =	vst v63  }
0x1bf: {  	s12 =	sadd.s32 $0x4000, s9;
	s13 =	simm.s32 $0xCA40  }
0x1c0: {  	[hbm4b:s12+s3] =	stream.linear.scatter [tilespmem:s13], [sflag:$0x4], $0x80, $0x38;
	[tilespmem:$0xE800] =	vst v63  }
0x1c1: {  	s12 =	sadd.s32 $0x4010, s9;
	s13 =	simm.s32 $0xCAC8  }
0x1c2: {  	[hbm4b:s12+s3] =	stream.linear.scatter [tilespmem:s13], [sflag:$0x4], $0x80, $0x38;
	[tilespmem:$0xE800] =	vst v63  }
0x1c3: {  	s12 =	sadd.s32 $0x4020, s9;
	s13 =	simm.s32 $0xCB50  }
0x1c4: {  	[hbm4b:s12+s3] =	stream.linear.scatter [tilespmem:s13], [sflag:$0x4], $0x80, $0x38;
	[tilespmem:$0xE800] =	vst v63  }
0x1c5: {  	s12 =	sadd.s32 $0x4030, s9;
	s13 =	simm.s32 $0xCBD8  }
0x1c6: {  	[hbm4b:s12+s3] =	stream.linear.scatter [tilespmem:s13], [sflag:$0x4], $0x80, $0x38;
	[tilespmem:$0xE800] =	vst v63  }
0x1c7: {  	s12 =	sadd.s32 $0x4040, s9;
	s13 =	simm.s32 $0xCC60  }
0x1c8: {  	[hbm4b:s12+s3] =	stream.linear.scatter [tilespmem:s13], [sflag:$0x4], $0x80, $0x38;
	[tilespmem:$0xE800] =	vst v63  }
0x1c9: {  	s12 =	sadd.s32 $0x4050, s9;
	s13 =	simm.s32 $0xCCE8  }
0x1ca: {  	[hbm4b:s12+s3] =	stream.linear.scatter [tilespmem:s13], [sflag:$0x4], $0x80, $0x38;
	[tilespmem:$0xE800] =	vst v63  }
0x1cb: {  	s12 =	sadd.s32 $0x4060, s9;
	s13 =	simm.s32 $0xCD70  }
0x1cc: {  	[hbm4b:s12+s3] =	stream.linear.scatter [tilespmem:s13], [sflag:$0x4], $0x80, $0x38;
	[tilespmem:$0xE800] =	vst v63  }
0x1cd: {  	s12 =	sadd.s32 $0x4070, s9;
	s13 =	simm.s32 $0xCDF8  }
0x1ce: {  	[hbm4b:s12+s3] =	stream.linear.scatter [tilespmem:s13], [sflag:$0x4], $0x80, $0x38;
	[tilespmem:$0xE800] =	vst v63  }
0x1cf: {  	s12 =	sadd.s32 $0x8000, s9;
	s13 =	simm.s32 $0xCE80  }
0x1d0: {  	[hbm4b:s12+s3] =	stream.linear.scatter [tilespmem:s13], [sflag:$0x4], $0x80, $0x38;
	[tilespmem:$0xE800] =	vst v63  }
0x1d1: {  	s12 =	sadd.s32 $0x8010, s9;
	s13 =	simm.s32 $0xCF08  }
0x1d2: {  	[hbm4b:s12+s3] =	stream.linear.scatter [tilespmem:s13], [sflag:$0x4], $0x80, $0x38;
	[tilespmem:$0xE800] =	vst v63  }
0x1d3: {  	s12 =	sadd.s32 $0x8020, s9;
	s13 =	simm.s32 $0xCF90  }
0x1d4: {  	[hbm4b:s12+s3] =	stream.linear.scatter [tilespmem:s13], [sflag:$0x4], $0x80, $0x38;
	[tilespmem:$0xE800] =	vst v63  }
0x1d5: {  	s12 =	sadd.s32 $0x8030, s9;
	s13 =	simm.s32 $0xD018  }
0x1d6: {  	[hbm4b:s12+s3] =	stream.linear.scatter [tilespmem:s13], [sflag:$0x4], $0x80, $0x38;
	[tilespmem:$0xE800] =	vst v63  }
0x1d7: {  	s12 =	sadd.s32 $0x8040, s9;
	s13 =	simm.s32 $0xD0A0  }
0x1d8: {  	[hbm4b:s12+s3] =	stream.linear.scatter [tilespmem:s13], [sflag:$0x4], $0x80, $0x38;
	[tilespmem:$0xE800] =	vst v63  }
0x1d9: {  	s12 =	sadd.s32 $0x8050, s9;
	s13 =	simm.s32 $0xD128  }
0x1da: {  	[hbm4b:s12+s3] =	stream.linear.scatter [tilespmem:s13], [sflag:$0x4], $0x80, $0x38;
	[tilespmem:$0xE800] =	vst v63  }
0x1db: {  	s12 =	sadd.s32 $0x8060, s9;
	s13 =	simm.s32 $0xD1B0  }
0x1dc: {  	[hbm4b:s12+s3] =	stream.linear.scatter [tilespmem:s13], [sflag:$0x4], $0x80, $0x38;
	[tilespmem:$0xE800] =	vst v63  }
0x1dd: {  	s12 =	sadd.s32 $0x8070, s9;
	s13 =	simm.s32 $0xD238  }
0x1de: {  	[hbm4b:s12+s3] =	stream.linear.scatter [tilespmem:s13], [sflag:$0x4], $0x80, $0x38;
	[tilespmem:$0xE800] =	vst v63  }
0x1df: {  	s12 =	sadd.s32 $0xC000, s9;
	s13 =	simm.s32 $0xD2C0  }
0x1e0: {  	[hbm4b:s12+s3] =	stream.linear.scatter [tilespmem:s13], [sflag:$0x4], $0x80, $0x38;
	[tilespmem:$0xE800] =	vst v63  }
0x1e1: {  	s12 =	sadd.s32 $0xC010, s9;
	s13 =	simm.s32 $0xD348  }
0x1e2: {  	[hbm4b:s12+s3] =	stream.linear.scatter [tilespmem:s13], [sflag:$0x4], $0x80, $0x38;
	[tilespmem:$0xE800] =	vst v63  }
0x1e3: {  	s12 =	sadd.s32 $0xC020, s9;
	s13 =	simm.s32 $0xD3D0  }
0x1e4: {  	[hbm4b:s12+s3] =	stream.linear.scatter [tilespmem:s13], [sflag:$0x4], $0x80, $0x38;
	[tilespmem:$0xE800] =	vst v63  }
0x1e5: {  	s12 =	sadd.s32 $0xC030, s9;
	s13 =	simm.s32 $0xD458  }
0x1e6: {  	[hbm4b:s12+s3] =	stream.linear.scatter [tilespmem:s13], [sflag:$0x4], $0x80, $0x38;
	[tilespmem:$0xE800] =	vst v63  }
0x1e7: {  	s12 =	sadd.s32 $0xC040, s9;
	s13 =	simm.s32 $0xD4E0  }
0x1e8: {  	[hbm4b:s12+s3] =	stream.linear.scatter [tilespmem:s13], [sflag:$0x4], $0x80, $0x38;
	[tilespmem:$0xE800] =	vst v63  }
0x1e9: {  	s12 =	sadd.s32 $0xC050, s9;
	s13 =	simm.s32 $0xD568  }
0x1ea: {  	[hbm4b:s12+s3] =	stream.linear.scatter [tilespmem:s13], [sflag:$0x4], $0x80, $0x38;
	[tilespmem:$0xE800] =	vst v63  }
0x1eb: {  	s12 =	sadd.s32 $0xC060, s9;
	s13 =	simm.s32 $0xD5F0  }
0x1ec: {  	[hbm4b:s12+s3] =	stream.linear.scatter [tilespmem:s13], [sflag:$0x4], $0x80, $0x38;
	[tilespmem:$0xE800] =	vst v63  }
0x1ed: {  	s12 =	sadd.s32 $0xC070, s9;
	s13 =	simm.s32 $0xD678  }
0x1ee: {  	[hbm4b:s12+s3] =	stream.linear.scatter [tilespmem:s13], [sflag:$0x4], $0x80, $0x38;
	[tilespmem:$0xE800] =	vst v63  }
0x1ef: {  	s11 =	sadd.s32 $0x10000, s9;
	s13 =	simm.s32 $0xD700  }
0x1f0: {  	[hbm4b:s11+s3] =	stream.linear.scatter [tilespmem:s13], [sflag:$0x4], $0x80, $0x38;
	[tilespmem:$0xE800] =	vst v63  }
0x1f1: {  	s12 =	sadd.s32 $0x10, s11;
	s13 =	simm.s32 $0xD788  }
0x1f2: {  	[hbm4b:s12+s3] =	stream.linear.scatter [tilespmem:s13], [sflag:$0x4], $0x80, $0x38;
	[tilespmem:$0xE800] =	vst v63  }
0x1f3: {  	s12 =	sadd.s32 $0x20, s11;
	s13 =	simm.s32 $0xD810  }
0x1f4: {  	[hbm4b:s12+s3] =	stream.linear.scatter [tilespmem:s13], [sflag:$0x4], $0x80, $0x38;
	[tilespmem:$0xE800] =	vst v63  }
0x1f5: {  	s12 =	sadd.s32 $0x30, s11;
	s13 =	simm.s32 $0xD898  }
0x1f6: {  	[hbm4b:s12+s3] =	stream.linear.scatter [tilespmem:s13], [sflag:$0x4], $0x80, $0x38;
	[tilespmem:$0xE800] =	vst v63  }
0x1f7: {  	s12 =	sadd.s32 $0x40, s11;
	s13 =	simm.s32 $0xD920  }
0x1f8: {  	[hbm4b:s12+s3] =	stream.linear.scatter [tilespmem:s13], [sflag:$0x4], $0x80, $0x38;
	[tilespmem:$0xE800] =	vst v63  }
0x1f9: {  	s12 =	sadd.s32 $0x50, s11;
	s13 =	simm.s32 $0xD9A8  }
0x1fa: {  	[hbm4b:s12+s3] =	stream.linear.scatter [tilespmem:s13], [sflag:$0x4], $0x80, $0x38;
	[tilespmem:$0xE800] =	vst v63  }
0x1fb: {  	s12 =	sadd.s32 $0x60, s11;
	s13 =	simm.s32 $0xDA30  }
0x1fc: {  	[hbm4b:s12+s3] =	stream.linear.scatter [tilespmem:s13], [sflag:$0x4], $0x80, $0x38;
	[tilespmem:$0xE800] =	vst v63  }
0x1fd: {  	s11 =	sadd.s32 $0x70, s11;
	s13 =	simm.s32 $0xDAB8  }
0x1fe: {  	[hbm4b:s11+s3] =	stream.linear.scatter [tilespmem:s13], [sflag:$0x4], $0x80, $0x38;
	[tilespmem:$0xE800] =	vst v63  }
0x1ff: {  	s11 =	sadd.s32 $0x14000, s9;
	s13 =	simm.s32 $0xDB40  }
0x200: {  	[hbm4b:s11+s3] =	stream.linear.scatter [tilespmem:s13], [sflag:$0x4], $0x80, $0x38;
	[tilespmem:$0xE800] =	vst v63  }
0x201: {  	s12 =	sadd.s32 $0x10, s11;
	s13 =	simm.s32 $0xDBC8  }
0x202: {  	[hbm4b:s12+s3] =	stream.linear.scatter [tilespmem:s13], [sflag:$0x4], $0x80, $0x38;
	[tilespmem:$0xE800] =	vst v63  }
0x203: {  	s12 =	sadd.s32 $0x20, s11;
	s13 =	simm.s32 $0xDC50  }
0x204: {  	[hbm4b:s12+s3] =	stream.linear.scatter [tilespmem:s13], [sflag:$0x4], $0x80, $0x38;
	[tilespmem:$0xE800] =	vst v63  }
0x205: {  	s12 =	sadd.s32 $0x30, s11;
	s13 =	simm.s32 $0xDCD8  }
0x206: {  	[hbm4b:s12+s3] =	stream.linear.scatter [tilespmem:s13], [sflag:$0x4], $0x80, $0x38;
	[tilespmem:$0xE800] =	vst v63  }
0x207: {  	s12 =	sadd.s32 $0x40, s11;
	s13 =	simm.s32 $0xDD60  }
0x208: {  	[hbm4b:s12+s3] =	stream.linear.scatter [tilespmem:s13], [sflag:$0x4], $0x80, $0x38;
	[tilespmem:$0xE800] =	vst v63  }
0x209: {  	s12 =	sadd.s32 $0x50, s11;
	s13 =	simm.s32 $0xDDE8  }
0x20a: {  	[hbm4b:s12+s3] =	stream.linear.scatter [tilespmem:s13], [sflag:$0x4], $0x80, $0x38;
	[tilespmem:$0xE800] =	vst v63  }
0x20b: {  	s12 =	sadd.s32 $0x60, s11;
	s13 =	simm.s32 $0xDE70  }
0x20c: {  	[hbm4b:s12+s3] =	stream.linear.scatter [tilespmem:s13], [sflag:$0x4], $0x80, $0x38;
	[tilespmem:$0xE800] =	vst v63  }
0x20d: {  	s11 =	sadd.s32 $0x70, s11;
	s13 =	simm.s32 $0xDEF8  }
0x20e: {  	[hbm4b:s11+s3] =	stream.linear.scatter [tilespmem:s13], [sflag:$0x4], $0x80, $0x38;
	[tilespmem:$0xE800] =	vst v63  }
0x20f: {  	s11 =	sadd.s32 $0x18000, s9;
	s13 =	simm.s32 $0xDF80  }
0x210: {  	[hbm4b:s11+s3] =	stream.linear.scatter [tilespmem:s13], [sflag:$0x4], $0x80, $0x38;
	[tilespmem:$0xE800] =	vst v63  }
0x211: {  	s12 =	sadd.s32 $0x10, s11;
	s13 =	simm.s32 $0xE008  }
0x212: {  	[hbm4b:s12+s3] =	stream.linear.scatter [tilespmem:s13], [sflag:$0x4], $0x80, $0x38;
	[tilespmem:$0xE800] =	vst v63  }
0x213: {  	s12 =	sadd.s32 $0x20, s11;
	s13 =	simm.s32 $0xE090  }
0x214: {  	[hbm4b:s12+s3] =	stream.linear.scatter [tilespmem:s13], [sflag:$0x4], $0x80, $0x38;
	[tilespmem:$0xE800] =	vst v63  }
0x215: {  	s12 =	sadd.s32 $0x30, s11;
	s13 =	simm.s32 $0xE118  }
0x216: {  	[hbm4b:s12+s3] =	stream.linear.scatter [tilespmem:s13], [sflag:$0x4], $0x80, $0x38;
	[tilespmem:$0xE800] =	vst v63  }
0x217: {  	s12 =	sadd.s32 $0x40, s11;
	s13 =	simm.s32 $0xE1A0  }
0x218: {  	[hbm4b:s12+s3] =	stream.linear.scatter [tilespmem:s13], [sflag:$0x4], $0x80, $0x38;
	[tilespmem:$0xE800] =	vst v63  }
0x219: {  	s12 =	sadd.s32 $0x50, s11;
	s13 =	simm.s32 $0xE228  }
0x21a: {  	[hbm4b:s12+s3] =	stream.linear.scatter [tilespmem:s13], [sflag:$0x4], $0x80, $0x38;
	[tilespmem:$0xE800] =	vst v63  }
0x21b: {  	s12 =	sadd.s32 $0x60, s11;
	s13 =	simm.s32 $0xE2B0  }
0x21c: {  	[hbm4b:s12+s3] =	stream.linear.scatter [tilespmem:s13], [sflag:$0x4], $0x80, $0x38;
	[tilespmem:$0xE800] =	vst v63  }
0x21d: {  	s11 =	sadd.s32 $0x70, s11;
	s13 =	simm.s32 $0xE338  }
0x21e: {  	[hbm4b:s11+s3] =	stream.linear.scatter [tilespmem:s13], [sflag:$0x4], $0x80, $0x38;
	[tilespmem:$0xE800] =	vst v63  }
0x21f: {  	s9 =	sadd.s32 $0x1C000, s9;
	s13 =	simm.s32 $0xE3C0  }
0x220: {  	[hbm4b:s9+s3] =	stream.linear.scatter [tilespmem:s13], [sflag:$0x4], $0x80, $0x38;
	[tilespmem:$0xE800] =	vst v63  }
0x221: {  	s12 =	sadd.s32 $0x10, s9;
	s13 =	simm.s32 $0xE448  }
0x222: {  	[hbm4b:s12+s3] =	stream.linear.scatter [tilespmem:s13], [sflag:$0x4], $0x80, $0x38;
	[tilespmem:$0xE800] =	vst v63  }
0x223: {  	s12 =	sadd.s32 $0x20, s9;
	s13 =	simm.s32 $0xE4D0  }
0x224: {  	[hbm4b:s12+s3] =	stream.linear.scatter [tilespmem:s13], [sflag:$0x4], $0x80, $0x38;
	[tilespmem:$0xE800] =	vst v63  }
0x225: {  	s12 =	sadd.s32 $0x30, s9;
	s13 =	simm.s32 $0xE558  }
0x226: {  	[hbm4b:s12+s3] =	stream.linear.scatter [tilespmem:s13], [sflag:$0x4], $0x80, $0x38;
	[tilespmem:$0xE800] =	vst v63  }
0x227: {  	s12 =	sadd.s32 $0x40, s9;
	s13 =	simm.s32 $0xE5E0  }
0x228: {  	[hbm4b:s12+s3] =	stream.linear.scatter [tilespmem:s13], [sflag:$0x4], $0x80, $0x38;
	[tilespmem:$0xE800] =	vst v63  }
0x229: {  	s12 =	sadd.s32 $0x50, s9;
	s13 =	simm.s32 $0xE668  }
0x22a: {  	[hbm4b:s12+s3] =	stream.linear.scatter [tilespmem:s13], [sflag:$0x4], $0x80, $0x38;
	[tilespmem:$0xE800] =	vst v63  }
0x22b: {  	s12 =	sadd.s32 $0x60, s9;
	s13 =	simm.s32 $0xE6F0  }
0x22c: {  	[hbm4b:s12+s3] =	stream.linear.scatter [tilespmem:s13], [sflag:$0x4], $0x80, $0x38;
	[tilespmem:$0xE800] =	vst v63  }
0x22d: {  	p0 =	sgt.u32 s8, $0xC5;
	s9 =	sadd.s32 $0x70, s9;
	s13 =	simm.s32 $0xE778  }
0x22e: {  	[hbm4b:s9+s3] =	stream.linear.scatter [tilespmem:s13], [sflag:$0x4], $0x80, $0x38;
	[tilespmem:$0xE800] =	vst v63  }
.Ltmp6:
0x22f: {  	v51 =	vmovc v32;
	v23 =	vmov v11;
	v54 =	vmov v10;
	v10 =	vmov v18;
	s9 =	sshll.u32 @!p0 s8, $0x9;
	(pc) =	sbr.rel .LBB2_9-.Ltmp6, $4  }
0x230: {  	v6 =	vmovc v20;
	v32 =	vmovc v13;
	v18 =	vmov v22;
	v57 =	vmov v29;
	v29 =	vmov v15;
	s9 =	sadd.s32 @!p0 $0x400, s9  }
0x231: {  	v11 =	vmovc v7;
	v7 =	vmovc v25;
	v15 =	vmov v17;
	v17 =	vmov v16;
	v63 =	vmov v12;
	s9 =	sand.u32 @!p0 $0x3FE00, s9  }
0x232: {  	v12 =	vmovc v54;
	v22 =	vmovc v23;
	v23 =	vmov v9;
	v53 =	vmov v19;
	v56 =	vmov v30;
	s11 =	simm.s32 @!p0 $0x80;
	s12 =	simm.s32 @!p0 $0x8400;
	s9 =	sshrl.u32 @!p0 s9, $0x2  }
0x233: {  	v5 =	vmovc v10;
	v61 =	vmovc v21;
	v21 =	vmov v51;
	v4 =	vmov v24;
	v3 =	vmov v8;
	[tilespmem:s12], [sflag:$0x2] =	stream.indirect.gather @!p0 [hbm4b:s4+s11], $0x40, s9, s11, $0xb8;
	[tilespmem:$0xE800] =	vst v63  }
.LBB2_3:
0x234: {  	s9 =	simm.s32 @!p0 $0x3  }
0x235: {  	_ =	swait.ge @!p0 [sflag:s9], $0x400  }
0x236: {  	[sflag:s9] =	ssyncset.done @!p0 $0x0  }
0x237: {  	[sflag:s9] =	ssyncadd.s32 @!p0 $0xFFFFFC00  }
0x238: {  	_ =	swait.ge @!p0 [sflag:s9], $0x400  }
0x239: {  	[sflag:s9] =	ssyncset.done @!p0 $0x0  }
0x23a: {  	[sflag:s9] =	ssyncadd.s32 @!p0 $0xFFFFFC00  }
0x23b: {  	_ =	swait.ge @!p0 [sflag:s9], $0x400  }
0x23c: {  	[sflag:s9] =	ssyncset.done @!p0 $0x0  }
0x23d: {  	[sflag:s9] =	ssyncadd.s32 @!p0 $0xFFFFFC00  }
0x23e: {  	_ =	swait.ge @!p0 [sflag:s9], $0x400  }
0x23f: {  	[sflag:s9] =	ssyncset.done @!p0 $0x0  }
0x240: {  	[sflag:s9] =	ssyncadd.s32 @!p0 $0xFFFFFC00  }
0x241: {  	_ =	swait.ge @!p0 [sflag:s9], $0x400  }
0x242: {  	[sflag:s9] =	ssyncset.done @!p0 $0x0  }
0x243: {  	[sflag:s9] =	ssyncadd.s32 @!p0 $0xFFFFFC00  }
0x244: {  	_ =	swait.ge @!p0 [sflag:s9], $0x400  }
0x245: {  	[sflag:s9] =	ssyncset.done @!p0 $0x0  }
0x246: {  	[sflag:s9] =	ssyncadd.s32 @!p0 $0xFFFFFC00  }
0x247: {  	_ =	swait.ge @!p0 [sflag:s9], $0x400  }
0x248: {  	s12 =	simm.s32 $0x0;
	[sflag:s9] =	ssyncset.done @!p0 $0x0  }
0x249: {  	s13 =	simm.s32 $0x2;
	s11 =	simm.s32 $0x3;
	[sflag:s9] =	ssyncadd.s32 @!p0 $0xFFFFFC00  }
0x24a: {  	v33 =	vmov s12;
	s12 =	simm.s32 $0x1;
	v36 =	vmov s11;
	s11 =	simm.s32 $0x4;
	_ =	swait.ge @!p0 [sflag:s9], $0x400  }
0x24b: {  	v35 =	vmov s13;
	s13 =	simm.s32 $0x6;
	v33 =	vshrl.u32 v33, $0x3;
	v34 =	vmov s12;
	s12 =	simm.s32 $0x5;
	[sflag:s9] =	ssyncset.done @!p0 $0x0  }
0x24c: {  	v37 =	vmov s11;
	v39 =	vmov s13;
	v38 =	vmov s12;
	s12 =	simm.s32 $0x7;
	[sflag:s9] =	ssyncadd.s32 @!p0 $0xFFFFFC00  }
0x24d: {  	v35 =	vshrl.u32 v35, $0x3;
	v36 =	vshrl.u32 v36, $0x3;
	v40 =	vmov s12;
	_ =	swait.ge [sflag:s1], $0x2000  }
0x24e: {  	v33 =	vshll.u32 v33, v1;
	v34 =	vshrl.u32 v34, $0x3;
	v40 =	vshrl.u32 v40, $0x3;
	[sflag:s1] =	ssyncset.done $0x0;
	v0 =	vld [tilespmem:$0x1FF60]  }
0x24f: {  	v37 =	vshrl.u32 v37, $0x3;
	v42 =	vshrl.u32 v39, $0x3;
	v40 =	vshll.u32 v40, v1;
	s9 =	simm.s32 $0x6500;
	[sflag:s1] =	ssyncadd.s32 $0xFFFFE000  }
0x250: {  	v35 =	vshll.u32 v35, v1;
	v36 =	vshll.u32 v36, v1;
	v30 =	vbroadcast v40, $0x0;
	v58 =	vld [tilespmem:s9+$0xC0]  }
0x251: {  	v38 =	vshrl.u32 v38, $0x3;
	v2 =	vbroadcast v33, $0x0;
	v34 =	vshll.u32 v34, v1;
	v43 =	vld [tilespmem:s9+$0xFFFFFF00]  }
0x252: {  	v44 =	vshll.u32 v37, v1;
	v19 =	vbroadcast v34, $0x0;
	v46 =	vadd.s32 v21, v30;
	v45 =	vld [tilespmem:s9+$0xFFFFFF40]  }
0x253: {  	v37 =	vbroadcast v35, $0x0;
	v42 =	vshll.u32 v42, v1;
	v47 =	vld [tilespmem:s9+$0xFFFFFF80];
	v60 =	vadd.s32 v0, v2  }
0x254: {  	v36 =	vbroadcast v36, $0x0;
	v59 =	vshll.u32 v38, v1;
	v48 =	vadd.s32 v12, v19;
	v49 =	vld [tilespmem:s9+$0xFFFFFFC0]  }
0x255: {  	v35 =	vbroadcast v44, $0x0;
	v50 =	vadd.s32 v52, v37;
	v51 =	vld [tilespmem:s9+$0x0];
	v58 =	vmul.f32 $8.000000000e+00, v58  }
0x256: {  	v16 =	vmovc v52;
	v20 =	vmovc v53;
	v52 =	vadd.s32 v53, v36;
	v33 =	vbroadcast v59, $0x0;
	v53 =	vld [tilespmem:s9+$0x40];
	v43 =	vmul.f32 $8.000000000e+00, v43  }
0x257: {  	v34 =	vbroadcast v42, $0x0;
	v54 =	vadd.s32 v7, v35;
	v55 =	vld [tilespmem:s9+$0x80];
	v45 =	vmul.f32 $8.000000000e+00, v45;
	[tilespmem:v46+s0+$0x0] =	vst.idx.msk $0xffff, v58  }
0x258: {  	[tilespmem:v60+s0+$0x0] =	vst.idx.msk $0xffff, v43;
	v60 =	vmul.f32 $8.000000000e+00, v47;
	v43 =	vadd.s32 v5, v33;
	v44 =	vld [tilespmem:s9+$0xD0]  }
0x259: {  	v40 =	vmul.f32 $8.000000000e+00, v49;
	[tilespmem:v48+s0+$0x0] =	vst.idx.msk $0xffff, v45;
	v47 =	vadd.s32 v4, v34;
	v46 =	vld [tilespmem:s9+$0xFFFFFF10]  }
0x25a: {  	v41 =	vmul.f32 $8.000000000e+00, v51;
	v49 =	vld [tilespmem:s9+$0xFFFFFF50];
	[tilespmem:v50+s0+$0x0] =	vst.idx.msk $0xffff, v60;
	v50 =	vadd.s32 v57, v30  }
0x25b: {  	v24 =	vmovc v56;
	v8 =	vmov v57;
	s13 =	simm.s32 $0x8;
	v56 =	vadd.s32 v56, v2;
	[tilespmem:v52+s0+$0x0] =	vst.idx.msk $0xffff, v40;
	v60 =	vmul.f32 $8.000000000e+00, v53;
	v57 =	vld [tilespmem:s9+$0xFFFFFF90]  }
0x25c: {  	v59 =	vmov s13;
	v38 =	vmul.f32 $8.000000000e+00, v55;
	[tilespmem:v54+s0+$0x0] =	vst.idx.msk $0xffff, v41;
	v58 =	vld [tilespmem:s9+$0xFFFFFFD0];
	v53 =	vadd.s32 v11, v19  }
0x25d: {  	v42 =	vshrl.u32 v59, $0x3;
	v55 =	vadd.s32 v61, v37;
	v59 =	vld [tilespmem:s9+$0x10];
	[tilespmem:v43+s0+$0x0] =	vst.idx.msk $0xffff, v60;
	v43 =	vmul.f32 $8.000000000e+00, v44  }
0x25e: {  	[tilespmem:v47+s0+$0x0] =	vst.idx.msk $0xffff, v38;
	v45 =	vmul.f32 $8.000000000e+00, v46;
	v46 =	vadd.s32 v15, v36;
	v60 =	vld [tilespmem:s9+$0x50]  }
0x25f: {  	v14 =	vmov v61;
	v47 =	vmul.f32 $8.000000000e+00, v49;
	v49 =	vadd.s32 v22, v35;
	v61 =	vld [tilespmem:s9+$0x90];
	[tilespmem:v50+s0+$0x0] =	vst.idx.msk $0xffff, v43  }
0x260: {  	s13 =	simm.s32 $0xA;
	[tilespmem:v56+s0+$0x0] =	vst.idx.msk $0xffff, v45;
	v39 =	vmul.f32 $8.000000000e+00, v57;
	v45 =	vadd.s32 v29, v33;
	v50 =	vld [tilespmem:s9+$0xE0]  }
0x261: {  	s12 =	simm.s32 $0x9;
	v51 =	vmov s13;
	[tilespmem:v53+s0+$0x0] =	vst.idx.msk $0xffff, v47;
	v47 =	vmul.f32 $8.000000000e+00, v58;
	v53 =	vadd.s32 v32, v34;
	v56 =	vld [tilespmem:s9+$0xFFFFFF20]  }
0x262: {  	v48 =	vmov s12;
	s12 =	simm.s32 $0xB;
	v57 =	vld [tilespmem:s9+$0xFFFFFF60];
	[tilespmem:v55+s0+$0x0] =	vst.idx.msk $0xffff, v39;
	v39 =	vmul.f32 $8.000000000e+00, v59;
	v55 =	vadd.s32 v26, v30  }
0x263: {  	v52 =	vmov s12;
	s12 =	simm.s32 $0xD;
	v58 =	vadd.s32 v62, v2;
	[tilespmem:v46+s0+$0x0] =	vst.idx.msk $0xffff, v47;
	v46 =	vmul.f32 $8.000000000e+00, v60  }
0x264: {  	s13 =	simm.s32 $0xC;
	v44 =	vmov s12;
	v60 =	vadd.s32 v63, v19;
	v47 =	vmul.f32 $8.000000000e+00, v61;
	[tilespmem:v49+s0+$0x0] =	vst.idx.msk $0xffff, v39  }
0x265: {  	v54 =	vmov s13;
	s13 =	simm.s32 $0xE;
	v41 =	vshrl.u32 v44, $0x3;
	[tilespmem:v45+s0+$0x0] =	vst.idx.msk $0xffff, v46;
	v44 =	vmul.f32 $8.000000000e+00, v50  }
0x266: {  	v38 =	vmov s13;
	v43 =	vshll.u32 v42, v1;
	[tilespmem:v53+s0+$0x0] =	vst.idx.msk $0xffff, v47;
	v50 =	vmul.f32 $8.000000000e+00, v56  }
0x267: {  	v42 =	vshrl.u32 v38, $0x3;
	v38 =	vbroadcast v43, $0x0;
	v59 =	vld [tilespmem:s9+$0xFFFFFFA0];
	v43 =	vmul.f32 $8.000000000e+00, v57;
	[tilespmem:v55+s0+$0x0] =	vst.idx.msk $0xffff, v44  }
0x268: {  	v10 =	vmov v62;
	v62 =	vld [tilespmem:s9+$0xFFFFFFE0];
	[tilespmem:v58+s0+$0x0] =	vst.idx.msk $0xffff, v50  }
0x269: {  	v25 =	vmov v17;
	v17 =	vmov v63;
	v49 =	vadd.s32 v18, v37;
	v63 =	vld [tilespmem:s9+$0x20];
	[tilespmem:v60+s0+$0x0] =	vst.idx.msk $0xffff, v43  }
0x26a: {  	v0 =	vld [tilespmem:$0x1FF50]  }
0x26b: {  	v39 =	vadd.s32 v25, v36  }
0x26c: {  	v57 =	vadd.s32 v6, v35;
	v40 =	vld [tilespmem:s9+$0x60];
	v46 =	vmul.f32 $8.000000000e+00, v59  }
0x26d: {  	v61 =	vld [tilespmem:s9+$0xA0]  }
0x26e: {  	v51 =	vshrl.u32 v51, $0x3;
	v56 =	vld [tilespmem:s9+$0xF0];
	v62 =	vmul.f32 $8.000000000e+00, v62;
	[tilespmem:v49+s0+$0x0] =	vst.idx.msk $0xffff, v46  }
0x26f: {  	v44 =	vshll.u32 v51, v1;
	v63 =	vmul.f32 $8.000000000e+00, v63;
	v51 =	vadd.s32 v0, v34;
	v0 =	vld [tilespmem:$0x1FF70]  }
0x270: {  	v52 =	vshrl.u32 v52, $0x3;
	v50 =	vld [tilespmem:s9+$0xFFFFFF30];
	[tilespmem:v39+s0+$0x0] =	vst.idx.msk $0xffff, v62  }
0x271: {  	v45 =	vshll.u32 v52, v1;
	v52 =	vld [tilespmem:s9+$0xFFFFFF70];
	[tilespmem:v57+s0+$0x0] =	vst.idx.msk $0xffff, v63  }
0x272: {  	v28 =	vmov v21;
	v48 =	vshrl.u32 v48, $0x3;
	v55 =	vadd.s32 v3, v33;
	v21 =	vld [tilespmem:$0x1FF80]  }
0x273: {  	v54 =	vshrl.u32 v54, $0x3;
	v43 =	vshll.u32 v41, v1;
	v41 =	vadd.s32 v13, v19;
	v19 =	vld [tilespmem:$0x1FF90]  }
0x274: {  	v47 =	vshll.u32 v48, v1;
	v48 =	vadd.s32 v9, v2;
	v49 =	vld [tilespmem:s9+$0xFFFFFFB0];
	v53 =	vadd.s32 v0, v30  }
0x275: {  	s13 =	simm.s32 $0xF;
	s12 =	simm.s32 $0x10;
	v46 =	vshll.u32 v54, v1;
	v39 =	vmul.f32 $8.000000000e+00, v40;
	v40 =	vmul.f32 $8.000000000e+00, v61;
	v54 =	vld [tilespmem:s9+$0xFFFFFFF0];
	v30 =	vmovc v3  }
.LBB2_4:
0x276: {  	v58 =	vld [tilespmem:s9+$0x30]  }
0x277: {  	v57 =	vmov s13;
	v37 =	vadd.s32 v21, v37;
	[tilespmem:v55+s0+$0x0] =	vst.idx.msk $0xffff, v39;
	v60 =	vmul.f32 $8.000000000e+00, v56;
	v0 =	vld [tilespmem:$0x1FF60]  }
0x278: {  	v39 =	vmovc v38;
	v50 =	vmul.f32 $8.000000000e+00, v50;
	v36 =	vadd.s32 v19, v36;
	[tilespmem:v51+s0+$0x0] =	vst.idx.msk $0xffff, v40;
	v61 =	vshrl.u32 v57, $0x3;
	v62 =	vld [tilespmem:s9+$0x70]  }
0x279: {  	v63 =	vmul.f32 $8.000000000e+00, v52;
	v35 =	vadd.s32 v23, v35;
	v52 =	vld [tilespmem:s9+$0xB0];
	s9 =	sadd.s32 $0x200, s9;
	v38 =	vshll.u32 v61, v1;
	[tilespmem:v53+s0+$0x0] =	vst.idx.msk $0xffff, v60  }
0x27a: {  	v55 =	vmul.f32 $8.000000000e+00, v49;
	v33 =	vadd.s32 v27, v33;
	[tilespmem:v48+s0+$0x0] =	vst.idx.msk $0xffff, v50;
	v53 =	vld [tilespmem:s9+$0xC0];
	v40 =	vbroadcast v38, $0x0  }
0x27b: {  	v42 =	vshll.u32 v42, v1;
	v34 =	vadd.s32 v31, v34;
	v57 =	vmul.f32 $8.000000000e+00, v54;
	[tilespmem:v41+s0+$0x0] =	vst.idx.msk $0xffff, v63;
	v48 =	vld [tilespmem:s9+$0xFFFFFF00]  }
0x27c: {  	v41 =	vbroadcast v47, $0x0;
	v59 =	vld [tilespmem:s9+$0xFFFFFF40];
	v47 =	vadd.s32 v28, v40;
	[tilespmem:v37+s0+$0x0] =	vst.idx.msk $0xffff, v55;
	v60 =	vmul.f32 $8.000000000e+00, v58  }
0x27d: {  	v51 =	vadd.s32 v0, v39;
	v37 =	vbroadcast v44, $0x0;
	[tilespmem:v36+s0+$0x0] =	vst.idx.msk $0xffff, v57;
	v61 =	vld [tilespmem:s9+$0xFFFFFF80];
	v62 =	vmul.f32 $8.000000000e+00, v62  }
0x27e: {  	v49 =	vadd.s32 v12, v41;
	v36 =	vbroadcast v45, $0x0;
	v63 =	vld [tilespmem:s9+$0xFFFFFFC0];
	v56 =	vmul.f32 $8.000000000e+00, v52;
	[tilespmem:v35+s0+$0x0] =	vst.idx.msk $0xffff, v60  }
0x27f: {  	v45 =	vadd.s32 v16, v37;
	v35 =	vbroadcast v46, $0x0;
	v52 =	vld [tilespmem:s9+$0x0];
	v57 =	vmul.f32 $8.000000000e+00, v53;
	[tilespmem:v33+s0+$0x0] =	vst.idx.msk $0xffff, v62  }
0x280: {  	v58 =	vmul.f32 $8.000000000e+00, v48;
	v48 =	vadd.s32 v20, v36;
	v33 =	vbroadcast v43, $0x0;
	[tilespmem:v34+s0+$0x0] =	vst.idx.msk $0xffff, v56;
	v53 =	vld [tilespmem:s9+$0x40]  }
0x281: {  	v59 =	vmul.f32 $8.000000000e+00, v59;
	v34 =	vbroadcast v42, $0x0;
	v43 =	vadd.s32 v7, v35;
	v50 =	vld [tilespmem:s9+$0x80];
	[tilespmem:v47+s0+$0x0] =	vst.idx.msk $0xffff, v57  }
0x282: {  	[tilespmem:v51+s0+$0x0] =	vst.idx.msk $0xffff, v58;
	v62 =	vadd.s32 v5, v33;
	v61 =	vmul.f32 $8.000000000e+00, v61;
	v47 =	vld [tilespmem:s9+$0xD0]  }
0x283: {  	v60 =	vmov s12;
	[tilespmem:v49+s0+$0x0] =	vst.idx.msk $0xffff, v59;
	v49 =	vadd.s32 v4, v34;
	v51 =	vld [tilespmem:s9+$0xFFFFFF10];
	v63 =	vmul.f32 $8.000000000e+00, v63  }
0x284: {  	v42 =	vshrl.u32 v60, $0x3;
	v55 =	vld [tilespmem:s9+$0xFFFFFF50];
	[tilespmem:v45+s0+$0x0] =	vst.idx.msk $0xffff, v61;
	v60 =	vmul.f32 $8.000000000e+00, v52;
	v45 =	vadd.s32 v8, v40  }
0x285: {  	v56 =	vadd.s32 v24, v39;
	[tilespmem:v48+s0+$0x0] =	vst.idx.msk $0xffff, v63;
	v57 =	vld [tilespmem:s9+$0xFFFFFF90];
	v61 =	vmul.f32 $8.000000000e+00, v53  }
0x286: {  	v53 =	vadd.s32 v11, v41;
	v58 =	vld [tilespmem:s9+$0xFFFFFFD0];
	[tilespmem:v43+s0+$0x0] =	vst.idx.msk $0xffff, v60;
	v43 =	vmul.f32 $8.000000000e+00, v50  }
0x287: {  	v50 =	vadd.s32 v14, v37;
	v59 =	vld [tilespmem:s9+$0x10];
	[tilespmem:v62+s0+$0x0] =	vst.idx.msk $0xffff, v61;
	v38 =	vmul.f32 $8.000000000e+00, v47  }
0x288: {  	v47 =	vmul.f32 $8.000000000e+00, v51;
	v51 =	vadd.s32 v15, v36;
	[tilespmem:v49+s0+$0x0] =	vst.idx.msk $0xffff, v43  }
0x289: {  	v60 =	vld [tilespmem:s9+$0x50];
	v49 =	vmul.f32 $8.000000000e+00, v55;
	v55 =	vadd.s32 v22, v35;
	[tilespmem:v45+s0+$0x0] =	vst.idx.msk $0xffff, v38  }
0x28a: {  	s13 =	sadd.s32 $0x2, s12;
	v61 =	vld [tilespmem:s9+$0x90];
	[tilespmem:v56+s0+$0x0] =	vst.idx.msk $0xffff, v47;
	v62 =	vmul.f32 $8.000000000e+00, v57  }
0x28b: {  	v52 =	vmov s13;
	v45 =	vadd.s32 v29, v33;
	v47 =	vld [tilespmem:s9+$0xE0];
	[tilespmem:v53+s0+$0x0] =	vst.idx.msk $0xffff, v49;
	v63 =	vmul.f32 $8.000000000e+00, v58  }
0x28c: {  	s11 =	sadd.s32 $0x1, s12;
	s13 =	sadd.s32 $0x3, s12;
	v38 =	vshll.u32 v42, v1;
	v56 =	vld [tilespmem:s9+$0xFFFFFF20];
	v53 =	vadd.s32 v32, v34;
	[tilespmem:v50+s0+$0x0] =	vst.idx.msk $0xffff, v62;
	v42 =	vmul.f32 $8.000000000e+00, v59  }
0x28d: {  	v54 =	vmov s11;
	v48 =	vmov s13;
	s13 =	sadd.s32 $0x4, s12;
	v57 =	vld [tilespmem:s9+$0xFFFFFF60];
	[tilespmem:v51+s0+$0x0] =	vst.idx.msk $0xffff, v63  }
0x28e: {  	v44 =	vmov s13;
	v50 =	vadd.s32 v26, v40;
	v49 =	vmul.f32 $8.000000000e+00, v60;
	v62 =	vld [tilespmem:s9+$0xFFFFFFE0];
	[tilespmem:v55+s0+$0x0] =	vst.idx.msk $0xffff, v42  }
0x28f: {  	v58 =	vadd.s32 v10, v39;
	v60 =	vshrl.u32 v44, $0x3;
	v44 =	vmul.f32 $8.000000000e+00, v61;
	v63 =	vld [tilespmem:s9+$0x20]  }
0x290: {  	v54 =	vshrl.u32 v54, $0x3;
	v0 =	vadd.s32 v25, v36;
	v52 =	vshrl.u32 v52, $0x3;
	s13 =	sadd.s32 $0x5, s12;
	v59 =	vld [tilespmem:s9+$0xFFFFFFA0];
	[tilespmem:v45+s0+$0x0] =	vst.idx.msk $0xffff, v49  }
0x291: {  	v46 =	vmov s13;
	v51 =	vadd.s32 v17, v41;
	v45 =	vmul.f32 $8.000000000e+00, v47;
	v2 =	vld [tilespmem:s9+$0x60];
	[tilespmem:v53+s0+$0x0] =	vst.idx.msk $0xffff, v44  }
0x292: {  	s13 =	sadd.s32 $0x6, s12;
	v61 =	vshrl.u32 v46, $0x3;
	v46 =	vadd.s32 v18, v37;
	v55 =	vmul.f32 $8.000000000e+00, v56;
	v3 =	vld [tilespmem:s9+$0xA0]  }
0x293: {  	v43 =	vmov s13;
	v47 =	vshll.u32 v54, v1;
	[tilespmem:v50+s0+$0x0] =	vst.idx.msk $0xffff, v45;
	v54 =	vmul.f32 $8.000000000e+00, v62;
	v62 =	vld [tilespmem:$0x1FF50]  }
0x294: {  	p0 =	slt.u32 s12, $0x78;
	v49 =	vmul.f32 $8.000000000e+00, v57;
	v57 =	vadd.s32 v6, v35;
	[tilespmem:v58+s0+$0x0] =	vst.idx.msk $0xffff, v55;
	v58 =	vmul.f32 $8.000000000e+00, v63;
	v63 =	vld [tilespmem:$0x1FF70]  }
.Ltmp7:
0x295: {  	v41 =	vadd.s32 v13, v41;
	v42 =	vshrl.u32 v43, $0x3;
	v43 =	vmul.f32 $8.000000000e+00, v59;
	v56 =	vld [tilespmem:s9+$0xF0];
	(pc) =	sbr.rel @p0 .LBB2_4-.Ltmp7, $4  }
0x296: {  	v48 =	vshrl.u32 v48, $0x3;
	v44 =	vshll.u32 v52, v1;
	v55 =	vadd.s32 v30, v33;
	v50 =	vld [tilespmem:s9+$0xFFFFFF30];
	[tilespmem:v51+s0+$0x0] =	vst.idx.msk $0xffff, v49  }
0x297: {  	v38 =	vbroadcast v38, $0x0;
	v45 =	vshll.u32 v48, v1;
	v48 =	vadd.s32 v9, v39;
	v52 =	vld [tilespmem:s9+$0xFFFFFF70];
	[tilespmem:v46+s0+$0x0] =	vst.idx.msk $0xffff, v43  }
0x298: {  	v46 =	vshll.u32 v60, v1;
	[tilespmem:v0+s0+$0x0] =	vst.idx.msk $0xffff, v54;
	v43 =	vshll.u32 v61, v1;
	v49 =	vld [tilespmem:s9+$0xFFFFFFB0];
	v39 =	vmul.f32 $8.000000000e+00, v2  }
0x299: {  	s13 =	sadd.s32 $0x7, s12;
	s12 =	sadd.s32 $0x8, s12;
	v54 =	vld [tilespmem:s9+$0xFFFFFFF0];
	[tilespmem:v57+s0+$0x0] =	vst.idx.msk $0xffff, v58;
	v51 =	vadd.s32 v62, v34;
	v53 =	vadd.s32 v63, v40;
	v40 =	vmul.f32 $8.000000000e+00, v3  }
.Ltmp8:
0x29a: {  	_ = 	snop;
	(pc) =	sbr.rel .LBB2_5-.Ltmp8, $1  }
0x29b: {  	_ =	sdelay $0x3  }
.LBB2_11:
0x29c: {  	_ =	sfence.sel $0x180000  }
0x29d: {  	[bflag:$0x0] =	sbarrier.arrive $0xFFFF  }
0x29e: {  	_ =	strace $0x90000047  }
0x29f: {  	s0 =	stileid.u32;
	[bflag:$0x2] =	sbarrier.arrive $0xFFFF  }
0x2a0: {  	p0 =	sne.s32 s0, $0x0;
	s0 =	rddreg [dreg:$0x2]  }
0x2a1: {  	s0 =	sadd.s32 @!p0 $0x100000, s0  }
0x2a2: {  	[sflag:s0] =	ssyncadd.tile.s32 @!p0 $0x1;
	_ =	shalt  }
.Lfunc_end2:
_tile_overlayer_lowered:
.L_overlay_start_2:
0x2a3: {  	(tag) =	ssettag $0x2  }
0x2a4: {  	s0 =	rddreg [dreg:$0x0];
	s2 =	stileid.u32  }
0x2a5: {  	s1 =	rddreg [dreg:$0x1];
	p0 =	sne.s32 s2, $0x0  }
0x2a6: {  	s3 =	rddreg [dreg:$0x2];
	[bflag:$0x3] =	sbarrier.arrive $0xFFFF;
	s2 =	simm.s32 @!p0 $0x1C05  }
0x2a7: {  	[timem:s3], [sflag:s2] =	dma.local @!p0 [hbm:s0], s1  }
0x2a8: {  	s0 =	simm.s32 @!p0 $0x5  }
0x2a9: {  	_ =	swait.ge @!p0 [sflag:s0], s1  }
0x2aa: {  	s1 =	ssub.s32 @!p0 $0x0, s1;
	[sflag:s0] =	ssyncset.done @!p0 $0x0  }
0x2ab: {  	[sflag:s0] =	ssyncadd.s32 @!p0 s1  }
0x2ac: {  	[bflag:$0x3] =	sbarrier.arrive $0xFFFF  }
0x2ad: {  	_ =	shalt  }

</sc_bundles>
